<compile_context>
chip_gen: v7x
topology: tpu7x:2x2x1
jax: 0.10.2.dev20260603
libtpu: 0.0.44.dev20260713+nightly
codegen_flags: <defaults>
</compile_context>

<pallas_src>
import functools

import jax
import jax.numpy as jnp
from jax import lax
from jax.experimental import pallas as pl
from jax.experimental.pallas import tpu as pltpu
from jax.experimental.pallas import tpu_sc as plsc

NC = 2
NS = 16
NW = NC * NS
CHUNK = 64


def _make_sc_kernel(n, e, item_dim, op_dim):
    ec = e // CHUNK
    niter_e = -(-ec // NW)
    pc = n // CHUNK
    ptail = n - pc * CHUNK
    niter_p = -(-pc // NW)
    n_acc = n + 8
    ZROWS = 400
    n_zchunks = n // ZROWS
    n_ziter = n_zchunks // NS + 1
    KQ = 8
    KR = 2

    mesh = plsc.VectorSubcoreMesh(core_axis_name="c", subcore_axis_name="s",
                                  num_cores=NC, num_subcores=NS)

    def body(items_hbm, ops_hbm, parents_hbm, iedge_hbm, oedge_hbm,
             zitems_hbm, zops_hbm,
             par_out, accc_out, acco_out,
             acc_items, acc_ops,
             si_ring, di_ring, si2_ring, di2_ring, rows, oprows, pidx_t,
             pidx_ring, prows,
             sem_i, sem_g, sem_s, sem_i2, sem_g2, sem_s2,
             sem_pi, sem_pg, sem_pw):
        cid = lax.axis_index("c")
        sid = lax.axis_index("s")
        wid = sid * NC + cid

        def zbody(k, _):
            c = sid + NS * k

            @pl.when(c < n_zchunks)
            def _():
                r0 = c * ZROWS
                pltpu.sync_copy(zitems_hbm.at[pl.ds(r0, ZROWS)],
                                acc_items.at[pl.ds(r0, ZROWS)])
                pltpu.sync_copy(zops_hbm.at[pl.ds(r0, ZROWS)],
                                acc_ops.at[pl.ds(r0, ZROWS)])
            return ()

        lax.fori_loop(0, n_ziter, zbody, (), unroll=False)
        plsc.subcore_barrier()

        def make_stream(edge_hbm, table_hbm, acc, ring, si_r, di_r,
                        s_i, s_g, s_s):
            def cond(k):
                return wid + NW * k < ec

            def start_idx(k):
                base = (wid + NW * k) * CHUNK
                q = lax.rem(k, KQ)
                pltpu.async_copy(edge_hbm.at[1, pl.ds(base, CHUNK)],
                                 si_r.at[q], s_i)
                pltpu.async_copy(edge_hbm.at[0, pl.ds(base, CHUNK)],
                                 di_r.at[q], s_i)

            def wait_idx():
                pltpu.make_async_copy(edge_hbm.at[1, pl.ds(0, CHUNK)],
                                      si_r.at[0], s_i).wait()
                pltpu.make_async_copy(edge_hbm.at[0, pl.ds(0, CHUNK)],
                                      di_r.at[0], s_i).wait()

            def start_gather(k):
                q = lax.rem(k, KQ)
                b = lax.rem(k, KR)
                pltpu.async_copy(table_hbm.at[si_r.at[q]], ring.at[b], s_g)

            def wait_gather():
                pltpu.make_async_copy(table_hbm.at[si_r.at[0]], ring.at[0],
                                      s_g).wait()

            def start_scatter(k):
                q = lax.rem(k, KQ)
                b = lax.rem(k, KR)
                pltpu.async_copy(ring.at[b], acc.at[di_r.at[q]], s_s,
                                 add=True)

            def wait_scatter():
                pltpu.make_async_copy(ring.at[0], acc.at[di_r.at[0]],
                                      s_s).wait()

            return cond, start_idx, wait_idx, start_gather, wait_gather, \
                start_scatter, wait_scatter

        icond, i_sidx, i_widx, i_sg, i_wg, i_ss, i_ws = make_stream(
            iedge_hbm, items_hbm, acc_items, rows, si_ring, di_ring,
            sem_i, sem_g, sem_s)
        ocond, o_sidx, o_widx, o_sg, o_wg, o_ss, o_ws = make_stream(
            oedge_hbm, ops_hbm, acc_ops, oprows, si2_ring, di2_ring,
            sem_i2, sem_g2, sem_s2)

        def p_cond(k):
            return wid + NW * k < pc

        def p_base(k):
            return (wid + NW * k) * CHUNK

        def p_sidx(k):
            pltpu.async_copy(parents_hbm.at[pl.ds(p_base(k), CHUNK)],
                             pidx_ring.at[k], sem_pi)

        def p_widx():
            pltpu.make_async_copy(parents_hbm.at[pl.ds(0, CHUNK)],
                                  pidx_ring.at[0], sem_pi).wait()

        def p_sg(k):
            pltpu.async_copy(items_hbm.at[pidx_ring.at[k]],
                             prows.at[lax.rem(k, 2)], sem_pg)

        def p_wg():
            pltpu.make_async_copy(items_hbm.at[pidx_ring.at[0]],
                                  prows.at[0], sem_pg).wait()

        def p_sw(k):
            pltpu.async_copy(prows.at[lax.rem(k, 2)],
                             par_out.at[pl.ds(p_base(k), CHUNK)], sem_pw)

        def p_ww():
            pltpu.make_async_copy(prows.at[0],
                                  par_out.at[pl.ds(0, CHUNK)], sem_pw).wait()

        for q in range(KQ):
            i_sidx(q)
            o_sidx(q)
        for k in range(niter_p):
            @pl.when(p_cond(k))
            def _():
                p_sidx(k)

        def lbody(j, _):
            @pl.when(icond(j))
            def _():
                i_widx()
                o_widx()

            @pl.when(jnp.logical_and(j >= KR, icond(j - KR)))
            def _():
                i_ws()
                o_ws()

            @pl.when(jnp.logical_and(
                j >= KR, jnp.logical_and(j - KR + KQ < niter_e,
                                         icond(j - KR + KQ))))
            def _():
                i_sidx(j - KR + KQ)
                o_sidx(j - KR + KQ)

            @pl.when(icond(j))
            def _():
                i_sg(j)
                o_sg(j)

            @pl.when(jnp.logical_and(j > 0, icond(j - 1)))
            def _():
                i_wg()
                i_ss(j - 1)
                o_wg()
                o_ss(j - 1)

            @pl.when(jnp.logical_and(j < niter_p, p_cond(j)))
            def _():
                p_widx()
                p_sg(j)

            @pl.when(jnp.logical_and(
                jnp.logical_and(j >= 1, j - 1 < niter_p), p_cond(j - 1)))
            def _():
                p_wg()
                p_sw(j - 1)

            @pl.when(jnp.logical_and(
                jnp.logical_and(j >= 2, j - 2 < niter_p), p_cond(j - 2)))
            def _():
                p_ww()
            return ()

        lax.fori_loop(0, niter_e, lbody, (), unroll=False)

        @pl.when(icond(niter_e - 1))
        def _():
            i_wg()
            i_ss(niter_e - 1)
            o_wg()
            o_ss(niter_e - 1)

        for t in range(niter_e - KR, niter_e):
            @pl.when(icond(t))
            def _():
                i_ws()
                o_ws()

        if ptail:
            @pl.when(wid == 0)
            def _():
                base = pc * CHUNK
                pltpu.sync_copy(parents_hbm.at[pl.ds(base, ptail)], pidx_t)
                pltpu.async_copy(items_hbm.at[pidx_t],
                                 rows.at[0, pl.ds(0, ptail)], sem_g).wait()
                pltpu.sync_copy(rows.at[0, pl.ds(0, ptail)],
                                par_out.at[pl.ds(base, ptail)])

        plsc.subcore_barrier()

        def wbody(k, _):
            c = sid + NS * k

            @pl.when(c < n_zchunks)
            def _():
                r0 = c * ZROWS
                pltpu.sync_copy(acc_items.at[pl.ds(r0, ZROWS)],
                                accc_out.at[cid, pl.ds(r0, ZROWS)])
                pltpu.sync_copy(acc_ops.at[pl.ds(r0, ZROWS)],
                                acco_out.at[cid, pl.ds(r0, ZROWS)])
            return ()

        lax.fori_loop(0, n_ziter, wbody, (), unroll=False)

    return pl.kernel(
        body,
        out_type=(
            jax.ShapeDtypeStruct((n, item_dim), jnp.float32),
            jax.ShapeDtypeStruct((NC, n, item_dim), jnp.float32),
            jax.ShapeDtypeStruct((NC, n, op_dim), jnp.float32),
        ),
        mesh=mesh,
        compiler_params=pltpu.CompilerParams(use_tc_tiling_on_sc=False),
        scratch_types=[
            pltpu.VMEM_SHARED((n_acc, item_dim), jnp.float32),
            pltpu.VMEM_SHARED((n_acc, op_dim), jnp.float32),
            pltpu.VMEM((KQ, CHUNK), jnp.int32),
            pltpu.VMEM((KQ, CHUNK), jnp.int32),
            pltpu.VMEM((KQ, CHUNK), jnp.int32),
            pltpu.VMEM((KQ, CHUNK), jnp.int32),
            pltpu.VMEM((KR, CHUNK, item_dim), jnp.float32),
            pltpu.VMEM((KR, CHUNK, op_dim), jnp.float32),
            pltpu.VMEM((16,), jnp.int32),
            pltpu.VMEM((niter_p, CHUNK), jnp.int32),
            pltpu.VMEM((2, CHUNK, item_dim), jnp.float32),
            pltpu.SemaphoreType.DMA,
            pltpu.SemaphoreType.DMA,
            pltpu.SemaphoreType.DMA,
            pltpu.SemaphoreType.DMA,
            pltpu.SemaphoreType.DMA,
            pltpu.SemaphoreType.DMA,
            pltpu.SemaphoreType.DMA,
            pltpu.SemaphoreType.DMA,
            pltpu.SemaphoreType.DMA,
        ],
    )


def _tc_self_body(items_ref, Ws1, bs1, Ws2, bs2, out_ref):
    h = jnp.maximum(jnp.dot(items_ref[...], Ws1[...]) + bs1[...], 0.0)
    out_ref[...] = jnp.dot(h, Ws2[...]) + bs2[...]


def _tc_body(n, blk, self_ref, par_ref, accc_ref, acco_ref,
             Wp1, bp1, Wp2, bp2, Wc1, bc1, Wc2, bc2,
             Wo1, bo1, Wo2, bo2, Wm1, bm1, Wm2, bm2, Wm3, bm3, out_ref):
    def mlp2(x, W1, b1, W2, b2):
        h = jnp.maximum(jnp.dot(x, W1[...]) + b1[...], 0.0)
        return jnp.dot(h, W2[...]) + b2[...]

    self_emb = self_ref[...]
    parent_emb = mlp2(par_ref[...], Wp1, bp1, Wp2, bp2)
    child_in = accc_ref[0] + accc_ref[1]
    child_emb = mlp2(child_in, Wc1, bc1, Wc2, bc2)
    ops_in = acco_ref[0] + acco_ref[1]
    ops_emb = mlp2(ops_in, Wo1, bo1, Wo2, bo2)

    comb = jnp.concatenate([parent_emb, child_emb, ops_emb, self_emb], axis=-1)
    h = jnp.maximum(jnp.dot(comb, Wm1[...]) + bm1[...], 0.0)
    h = jnp.maximum(jnp.dot(h, Wm2[...]) + bm2[...], 0.0)
    h = jnp.dot(h, Wm3[...]) + bm3[...]

    i = pl.program_id(0)
    gid = i * blk + lax.broadcasted_iota(jnp.int32, h.shape, 0)
    out_ref[...] = jnp.where(gid == n - 1, 0.0, h)


def kernel(items, parents, operations, item_edge_index, op_edge_index,
           Ws1, bs1, Ws2, bs2, Wp1, bp1, Wp2, bp2, Wc1, bc1, Wc2, bc2,
           Wo1, bo1, Wo2, bo2, Wm1, bm1, Wm2, bm2, Wm3, bm3):
    n, item_dim = items.shape
    op_dim = operations.shape[1]
    e = item_edge_index.shape[1]
    out_dim = Wm3.shape[1]

    parents32 = parents.astype(jnp.int32)
    iedge = item_edge_index.astype(jnp.int32)
    oedge = op_edge_index.astype(jnp.int32)
    zitems = jnp.zeros((n, item_dim), jnp.float32)
    zops = jnp.zeros((n, op_dim), jnp.float32)

    sc = _make_sc_kernel(n, e, item_dim, op_dim)
    par_rows, accc, acco = sc(items, operations, parents32, iedge, oedge,
                              zitems, zops)

    blk = 1000
    grid = n // blk
    full = lambda shape: pl.BlockSpec(shape, lambda i: (0,) * len(shape))

    self_emb = pl.pallas_call(
        _tc_self_body,
        grid=(grid,),
        in_specs=[pl.BlockSpec((blk, item_dim), lambda i: (i, 0))]
        + [full(w.shape) for w in (Ws1, bs1, Ws2, bs2)],
        out_specs=pl.BlockSpec((blk, Ws2.shape[1]), lambda i: (i, 0)),
        out_shape=jax.ShapeDtypeStruct((n, Ws2.shape[1]), jnp.float32),
    )(items, Ws1, bs1, Ws2, bs2)

    w_specs = [full(w.shape) for w in
               (Wp1, bp1, Wp2, bp2, Wc1, bc1, Wc2, bc2,
                Wo1, bo1, Wo2, bo2, Wm1, bm1, Wm2, bm2, Wm3, bm3)]

    out = pl.pallas_call(
        functools.partial(_tc_body, n, blk),
        grid=(grid,),
        in_specs=[
            pl.BlockSpec((blk, Ws2.shape[1]), lambda i: (i, 0)),
            pl.BlockSpec((blk, item_dim), lambda i: (i, 0)),
            pl.BlockSpec((NC, blk, item_dim), lambda i: (0, i, 0)),
            pl.BlockSpec((NC, blk, op_dim), lambda i: (0, i, 0)),
        ] + w_specs,
        out_specs=pl.BlockSpec((blk, out_dim), lambda i: (i, 0)),
        out_shape=jax.ShapeDtypeStruct((n, out_dim), jnp.float32),
    )(self_emb, par_rows, accc, acco,
      Wp1, bp1, Wp2, bp2, Wc1, bc1, Wc2, bc2,
      Wo1, bo1, Wo2, bo2, Wm1, bm1, Wm2, bm2, Wm3, bm3)
    return out

# --- scband reference (transcript-rebuilt; emitter-appended) ---
"""Pipeline reference for scband-item-embedding-layer-74217034875540 (READ-ONLY COPY).

The authoritative reference and input builder live on the scoring server;
editing this copy changes nothing except your own understanding.
"""

import jax, jax.numpy as jnp
import numpy as np

N = 10000
E = 320000
ITEM_DIM = 128
OP_DIM = 16
HID = 128
SEC = 64
OUT = 64


def _lin(key, fan_in, fan_out):
    s = 1.0 / np.sqrt(fan_in)
    return jax.random.uniform(key, (fan_in, fan_out), minval=-s, maxval=s, dtype=jnp.float32)


def _bias(key, fan_in, fan_out):
    s = 1.0 / np.sqrt(fan_in)
    return jax.random.uniform(key, (fan_out,), minval=-s, maxval=s, dtype=jnp.float32)


def setup_inputs(seed: int = 0) -> dict:
    key = jax.random.key(seed)
    ks = jax.random.split(key, 32)
    d = {}
    d["items"] = jax.random.normal(ks[0], (N, ITEM_DIM), dtype=jnp.float32)
    d["parents"] = jax.random.randint(ks[1], (N,), 0, N, dtype=jnp.int64) if jax.config.jax_enable_x64 else jax.random.randint(ks[1], (N,), 0, N).astype(jnp.int32)
    d["operations"] = jax.random.normal(ks[2], (N, OP_DIM), dtype=jnp.float32)
    d["item_edge_index"] = jax.random.randint(ks[3], (2, E), 0, N)
    d["op_edge_index"] = jax.random.randint(ks[4], (2, E), 0, N)
    # mlp_self: item_dim -> hid -> out
    d["Ws1"] = _lin(ks[5], ITEM_DIM, HID); d["bs1"] = _bias(ks[6], ITEM_DIM, HID)
    d["Ws2"] = _lin(ks[7], HID, OUT); d["bs2"] = _bias(ks[8], HID, OUT)
    # mlp_parent
    d["Wp1"] = _lin(ks[9], ITEM_DIM, HID); d["bp1"] = _bias(ks[10], ITEM_DIM, HID)
    d["Wp2"] = _lin(ks[11], HID, OUT); d["bp2"] = _bias(ks[12], HID, OUT)
    # mlp_children
    d["Wc1"] = _lin(ks[13], ITEM_DIM, HID); d["bc1"] = _bias(ks[14], ITEM_DIM, HID)
    d["Wc2"] = _lin(ks[15], HID, OUT); d["bc2"] = _bias(ks[16], HID, OUT)
    # mlp_operations: op_dim -> hid -> out
    d["Wo1"] = _lin(ks[17], OP_DIM, HID); d["bo1"] = _bias(ks[18], OP_DIM, HID)
    d["Wo2"] = _lin(ks[19], HID, OUT); d["bo2"] = _bias(ks[20], HID, OUT)
    # mlp_combined: 4*out -> hid -> hid//2 -> out
    d["Wm1"] = _lin(ks[21], 4 * OUT, HID); d["bm1"] = _bias(ks[22], 4 * OUT, HID)
    d["Wm2"] = _lin(ks[23], HID, SEC); d["bm2"] = _bias(ks[24], HID, SEC)
    d["Wm3"] = _lin(ks[25], SEC, OUT); d["bm3"] = _bias(ks[26], SEC, OUT)
    return d


def _mlp2(x, W1, b1, W2, b2):
    return jnp.maximum(x @ W1 + b1, 0.0) @ W2 + b2


def reference(items, parents, operations, item_edge_index, op_edge_index,
              Ws1, bs1, Ws2, bs2, Wp1, bp1, Wp2, bp2, Wc1, bc1, Wc2, bc2,
              Wo1, bo1, Wo2, bo2, Wm1, bm1, Wm2, bm2, Wm3, bm3):
    n = items.shape[0]
    self_emb = _mlp2(items, Ws1, bs1, Ws2, bs2)
    parent_emb = _mlp2(items[parents], Wp1, bp1, Wp2, bp2)
    # scatter-sum children features onto parents (torch_scatter default reduce=sum)
    agg_children = jnp.zeros((n, items.shape[1]), dtype=items.dtype).at[item_edge_index[0]].add(items[item_edge_index[1]])
    agg_children_emb = _mlp2(agg_children, Wc1, bc1, Wc2, bc2)
    agg_ops = jnp.zeros((n, operations.shape[1]), dtype=operations.dtype).at[op_edge_index[0]].add(operations[op_edge_index[1]])
    agg_ops_emb = _mlp2(agg_ops, Wo1, bo1, Wo2, bo2)
    comb = jnp.concatenate([parent_emb[:-1], agg_children_emb[:-1], agg_ops_emb[:-1], self_emb[:-1]], axis=-1)
    h = jnp.maximum(comb @ Wm1 + bm1, 0.0)
    h = jnp.maximum(h @ Wm2 + bm2, 0.0)
    h = h @ Wm3 + bm3
    embedding = jnp.zeros((n, Wm3.shape[1]), dtype=items.dtype).at[:-1].set(h)
    return embedding

if __name__ == "__main__":
    import jax
    _d = setup_inputs()
    print(jax.jit(kernel)(*tuple(_d.values())))

</pallas_src>

<mosaic_0001>
#map = affine_map<(d0, d1) -> (0, 0)>
#map1 = affine_map<(d0, d1) -> (0)>
#map2 = affine_map<(d0, d1) -> (0, 0, 0)>
module attributes {stable_mosaic.version = 14 : i64} {
  func.func @body(%arg0: i32, %arg1: i32, %arg2: memref<10000x128xf32, #tpu.memory_space<hbm>>, %arg3: memref<10000x16xf32, #tpu.memory_space<hbm>>, %arg4: memref<10000xi32, #tpu.memory_space<hbm>>, %arg5: memref<2x320000xi32, #tpu.memory_space<hbm>>, %arg6: memref<2x320000xi32, #tpu.memory_space<hbm>>, %arg7: memref<10000x128xf32, #tpu.memory_space<hbm>>, %arg8: memref<10000x16xf32, #tpu.memory_space<hbm>>, %arg9: memref<10000x128xf32, #tpu.memory_space<hbm>>, %arg10: memref<2x10000x128xf32, #tpu.memory_space<hbm>>, %arg11: memref<2x10000x16xf32, #tpu.memory_space<hbm>>, %arg12: memref<10008x128xf32, #tpu.memory_space<vmem_shared>>, %arg13: memref<10008x16xf32, #tpu.memory_space<vmem_shared>>, %arg14: memref<8x64xi32, #tpu.memory_space<vmem>>, %arg15: memref<8x64xi32, #tpu.memory_space<vmem>>, %arg16: memref<8x64xi32, #tpu.memory_space<vmem>>, %arg17: memref<8x64xi32, #tpu.memory_space<vmem>>, %arg18: memref<2x64x128xf32, #tpu.memory_space<vmem>>, %arg19: memref<2x64x16xf32, #tpu.memory_space<vmem>>, %arg20: memref<16xi32, #tpu.memory_space<vmem>>, %arg21: memref<5x64xi32, #tpu.memory_space<vmem>>, %arg22: memref<2x64x128xf32, #tpu.memory_space<vmem>>, %arg23: memref<!tpu.dma_semaphore, #tpu.memory_space<semaphore_mem>>, %arg24: memref<!tpu.dma_semaphore, #tpu.memory_space<semaphore_mem>>, %arg25: memref<!tpu.dma_semaphore, #tpu.memory_space<semaphore_mem>>, %arg26: memref<!tpu.dma_semaphore, #tpu.memory_space<semaphore_mem>>, %arg27: memref<!tpu.dma_semaphore, #tpu.memory_space<semaphore_mem>>, %arg28: memref<!tpu.dma_semaphore, #tpu.memory_space<semaphore_mem>>, %arg29: memref<!tpu.dma_semaphore, #tpu.memory_space<semaphore_mem>>, %arg30: memref<!tpu.dma_semaphore, #tpu.memory_space<semaphore_mem>>, %arg31: memref<!tpu.dma_semaphore, #tpu.memory_space<semaphore_mem>>) attributes {dimension_semantics = [#tpu.dimension_semantics<core_parallel>, #tpu.dimension_semantics<subcore_parallel>], iteration_bounds = array<i64: 2, 16>, scalar_prefetch = 0 : i64, scratch_operands = 20 : i64, tpu.core_type = #tpu.core_type<sc_vector_subcore>, window_params = [{transform_indices = #map}, {transform_indices = #map}, {transform_indices = #map1}, {transform_indices = #map}, {transform_indices = #map}, {transform_indices = #map}, {transform_indices = #map}, {transform_indices = #map}, {transform_indices = #map2}, {transform_indices = #map2}]} {
    %mul3A = arith.constant 2 : i32
    %mul3A_0 = arith.muli %arg1, %mul3A : i32
    %add3A = arith.addi %mul3A_0, %arg0 : i32
    %scan3A = arith.constant 0 : i32
    %scan3A_1 = arith.constant 2 : i32
    %scan3A_2 = arith.addi %scan3A, %scan3A_1 : i32
    %scan3A_3 = arith.constant 1 : i32
    scf.for %scan3A_535 = %scan3A to %scan3A_2 step %scan3A_3  : i32 {
      %mul3A_536 = arith.constant 16 : i32
      %mul3A_537 = arith.muli %mul3A_536, %scan3A_535 : i32
      %add3A_538 = arith.addi %arg1, %mul3A_537 : i32
      %lt3A_539 = arith.constant 25 : i32
      %lt3A_540 = arith.cmpi slt, %add3A_538, %lt3A_539 : i32
      %convert_element_type3A_541 = arith.extui %lt3A_540 : i1 to i32
      %cond3A_542 = arith.constant 0 : i32
      %cond3A_543 = arith.cmpi ne, %convert_element_type3A_541, %cond3A_542 : i32
      scf.if %cond3A_543 {
        %mul3A_544 = arith.constant 400 : i32
        %mul3A_545 = arith.muli %add3A_538, %mul3A_544 : i32
        "tpu.region"() ({
          %run_scoped3A = tpu.sem_alloc : memref<!tpu.dma_semaphore, #tpu.memory_space<semaphore_mem>>
          %dma_start3A_546 = arith.constant 0 : i32
          %dma_start3A_547 = tpu.memref_slice %arg12[%mul3A_545, %dma_start3A_546] : memref<10008x128xf32, #tpu.memory_space<vmem_shared>> -> memref<400x128xf32, #tpu.memory_space<vmem_shared>>
          %dma_start3A_548 = arith.constant 0 : i32
          %dma_start3A_549 = tpu.memref_slice %arg7[%mul3A_545, %dma_start3A_548] : memref<10000x128xf32, #tpu.memory_space<hbm>> -> memref<400x128xf32, #tpu.memory_space<hbm>>
          tpu.enqueue_dma source(%dma_start3A_549 : memref<400x128xf32, #tpu.memory_space<hbm>>) target(%dma_start3A_547 : memref<400x128xf32, #tpu.memory_space<vmem_shared>>) target_semaphore(%run_scoped3A : memref<!tpu.dma_semaphore, #tpu.memory_space<semaphore_mem>>)
          %dma_wait3A = arith.constant 0 : i32
          %dma_wait3A_550 = tpu.memref_slice %arg12[%mul3A_545, %dma_wait3A] : memref<10008x128xf32, #tpu.memory_space<vmem_shared>> -> memref<400x128xf32, #tpu.memory_space<vmem_shared>>
          %dma_wait3A_551 = arith.constant 0 : i32
          %dma_wait3A_552 = tpu.memref_slice %arg7[%mul3A_545, %dma_wait3A_551] : memref<10000x128xf32, #tpu.memory_space<hbm>> -> memref<400x128xf32, #tpu.memory_space<hbm>>
          tpu.wait_dma2 semaphore(%run_scoped3A : memref<!tpu.dma_semaphore, #tpu.memory_space<semaphore_mem>>) src(%dma_wait3A_552 : memref<400x128xf32, #tpu.memory_space<hbm>>) dst(%dma_wait3A_550 : memref<400x128xf32, #tpu.memory_space<vmem_shared>>)
          tpu.yield
        }) : () -> ()
        "tpu.region"() ({
          %run_scoped3A = tpu.sem_alloc : memref<!tpu.dma_semaphore, #tpu.memory_space<semaphore_mem>>
          %dma_start3A_546 = arith.constant 0 : i32
          %dma_start3A_547 = tpu.memref_slice %arg13[%mul3A_545, %dma_start3A_546] : memref<10008x16xf32, #tpu.memory_space<vmem_shared>> -> memref<400x16xf32, #tpu.memory_space<vmem_shared>>
          %dma_start3A_548 = arith.constant 0 : i32
          %dma_start3A_549 = tpu.memref_slice %arg8[%mul3A_545, %dma_start3A_548] : memref<10000x16xf32, #tpu.memory_space<hbm>> -> memref<400x16xf32, #tpu.memory_space<hbm>>
          tpu.enqueue_dma source(%dma_start3A_549 : memref<400x16xf32, #tpu.memory_space<hbm>>) target(%dma_start3A_547 : memref<400x16xf32, #tpu.memory_space<vmem_shared>>) target_semaphore(%run_scoped3A : memref<!tpu.dma_semaphore, #tpu.memory_space<semaphore_mem>>)
          %dma_wait3A = arith.constant 0 : i32
          %dma_wait3A_550 = tpu.memref_slice %arg13[%mul3A_545, %dma_wait3A] : memref<10008x16xf32, #tpu.memory_space<vmem_shared>> -> memref<400x16xf32, #tpu.memory_space<vmem_shared>>
          %dma_wait3A_551 = arith.constant 0 : i32
          %dma_wait3A_552 = tpu.memref_slice %arg8[%mul3A_545, %dma_wait3A_551] : memref<10000x16xf32, #tpu.memory_space<hbm>> -> memref<400x16xf32, #tpu.memory_space<hbm>>
          tpu.wait_dma2 semaphore(%run_scoped3A : memref<!tpu.dma_semaphore, #tpu.memory_space<semaphore_mem>>) src(%dma_wait3A_552 : memref<400x16xf32, #tpu.memory_space<hbm>>) dst(%dma_wait3A_550 : memref<400x16xf32, #tpu.memory_space<vmem_shared>>)
          tpu.yield
        }) : () -> ()
      } else {
      }
    }
    %scan3A_4 = arith.constant 2 : i32
    %barrier3A = arith.constant 0 : index
    tpu.barrier barrier_id(%barrier3A)
    %add3A_5 = arith.constant 0 : i32
    %add3A_6 = arith.addi %add3A, %add3A_5 : i32
    %mul3A_7 = arith.constant 64 : i32
    %mul3A_8 = arith.muli %add3A_6, %mul3A_7 : i32
    %rem3A = arith.constant 0 : i32
    %rem3A_9 = arith.constant 8 : i32
    %rem3A_10 = arith.remsi %rem3A, %rem3A_9 : i32
    %dma_start3A = arith.constant 1 : i32
    %dma_start3A_11 = arith.constant 0 : i32
    %dma_start3A_12 = tpu.memref_slice %arg14[%rem3A_10, %dma_start3A_11] : memref<8x64xi32, #tpu.memory_space<vmem>> -> memref<1x64xi32, #tpu.memory_space<vmem>>
    %dma_start3A_13 = tpu.memref_squeeze %dma_start3A_12 : memref<1x64xi32, #tpu.memory_space<vmem>> -> memref<64xi32, #tpu.memory_space<vmem>>
    %dma_start3A_14 = tpu.memref_slice %arg5[%dma_start3A, %mul3A_8] : memref<2x320000xi32, #tpu.memory_space<hbm>> -> memref<1x64xi32, #tpu.memory_space<hbm>>
    %dma_start3A_15 = tpu.memref_squeeze %dma_start3A_14 : memref<1x64xi32, #tpu.memory_space<hbm>> -> memref<64xi32, #tpu.memory_space<hbm>>
    %dma_start3A_16 = arith.constant 0 : i32
    %dma_start3A_17 = tpu.memref_slice %arg14[%rem3A_10, %dma_start3A_16] : memref<8x64xi32, #tpu.memory_space<vmem>> -> memref<1x64xi32, #tpu.memory_space<vmem>>
    %dma_start3A_18 = tpu.memref_squeeze %dma_start3A_17 : memref<1x64xi32, #tpu.memory_space<vmem>> -> memref<64xi32, #tpu.memory_space<vmem>>
    %dma_start3A_19 = tpu.memref_slice %arg5[%dma_start3A, %mul3A_8] : memref<2x320000xi32, #tpu.memory_space<hbm>> -> memref<1x64xi32, #tpu.memory_space<hbm>>
    %dma_start3A_20 = tpu.memref_squeeze %dma_start3A_19 : memref<1x64xi32, #tpu.memory_space<hbm>> -> memref<64xi32, #tpu.memory_space<hbm>>
    tpu.enqueue_dma source(%dma_start3A_20 : memref<64xi32, #tpu.memory_space<hbm>>) target(%dma_start3A_18 : memref<64xi32, #tpu.memory_space<vmem>>) target_semaphore(%arg23 : memref<!tpu.dma_semaphore, #tpu.memory_space<semaphore_mem>>)
    %dma_start3A_21 = arith.constant 0 : i32
    %dma_start3A_22 = arith.constant 0 : i32
    %dma_start3A_23 = tpu.memref_slice %arg15[%rem3A_10, %dma_start3A_22] : memref<8x64xi32, #tpu.memory_space<vmem>> -> memref<1x64xi32, #tpu.memory_space<vmem>>
    %dma_start3A_24 = tpu.memref_squeeze %dma_start3A_23 : memref<1x64xi32, #tpu.memory_space<vmem>> -> memref<64xi32, #tpu.memory_space<vmem>>
    %dma_start3A_25 = tpu.memref_slice %arg5[%dma_start3A_21, %mul3A_8] : memref<2x320000xi32, #tpu.memory_space<hbm>> -> memref<1x64xi32, #tpu.memory_space<hbm>>
    %dma_start3A_26 = tpu.memref_squeeze %dma_start3A_25 : memref<1x64xi32, #tpu.memory_space<hbm>> -> memref<64xi32, #tpu.memory_space<hbm>>
    %dma_start3A_27 = arith.constant 0 : i32
    %dma_start3A_28 = tpu.memref_slice %arg15[%rem3A_10, %dma_start3A_27] : memref<8x64xi32, #tpu.memory_space<vmem>> -> memref<1x64xi32, #tpu.memory_space<vmem>>
    %dma_start3A_29 = tpu.memref_squeeze %dma_start3A_28 : memref<1x64xi32, #tpu.memory_space<vmem>> -> memref<64xi32, #tpu.memory_space<vmem>>
    %dma_start3A_30 = tpu.memref_slice %arg5[%dma_start3A_21, %mul3A_8] : memref<2x320000xi32, #tpu.memory_space<hbm>> -> memref<1x64xi32, #tpu.memory_space<hbm>>
    %dma_start3A_31 = tpu.memref_squeeze %dma_start3A_30 : memref<1x64xi32, #tpu.memory_space<hbm>> -> memref<64xi32, #tpu.memory_space<hbm>>
    tpu.enqueue_dma source(%dma_start3A_31 : memref<64xi32, #tpu.memory_space<hbm>>) target(%dma_start3A_29 : memref<64xi32, #tpu.memory_space<vmem>>) target_semaphore(%arg23 : memref<!tpu.dma_semaphore, #tpu.memory_space<semaphore_mem>>)
    %add3A_32 = arith.constant 0 : i32
    %add3A_33 = arith.addi %add3A, %add3A_32 : i32
    %mul3A_34 = arith.constant 64 : i32
    %mul3A_35 = arith.muli %add3A_33, %mul3A_34 : i32
    %rem3A_36 = arith.constant 0 : i32
    %rem3A_37 = arith.constant 8 : i32
    %rem3A_38 = arith.remsi %rem3A_36, %rem3A_37 : i32
    %dma_start3A_39 = arith.constant 1 : i32
    %dma_start3A_40 = arith.constant 0 : i32
    %dma_start3A_41 = tpu.memref_slice %arg16[%rem3A_38, %dma_start3A_40] : memref<8x64xi32, #tpu.memory_space<vmem>> -> memref<1x64xi32, #tpu.memory_space<vmem>>
    %dma_start3A_42 = tpu.memref_squeeze %dma_start3A_41 : memref<1x64xi32, #tpu.memory_space<vmem>> -> memref<64xi32, #tpu.memory_space<vmem>>
    %dma_start3A_43 = tpu.memref_slice %arg6[%dma_start3A_39, %mul3A_35] : memref<2x320000xi32, #tpu.memory_space<hbm>> -> memref<1x64xi32, #tpu.memory_space<hbm>>
    %dma_start3A_44 = tpu.memref_squeeze %dma_start3A_43 : memref<1x64xi32, #tpu.memory_space<hbm>> -> memref<64xi32, #tpu.memory_space<hbm>>
    %dma_start3A_45 = arith.constant 0 : i32
    %dma_start3A_46 = tpu.memref_slice %arg16[%rem3A_38, %dma_start3A_45] : memref<8x64xi32, #tpu.memory_space<vmem>> -> memref<1x64xi32, #tpu.memory_space<vmem>>
    %dma_start3A_47 = tpu.memref_squeeze %dma_start3A_46 : memref<1x64xi32, #tpu.memory_space<vmem>> -> memref<64xi32, #tpu.memory_space<vmem>>
    %dma_start3A_48 = tpu.memref_slice %arg6[%dma_start3A_39, %mul3A_35] : memref<2x320000xi32, #tpu.memory_space<hbm>> -> memref<1x64xi32, #tpu.memory_space<hbm>>
    %dma_start3A_49 = tpu.memref_squeeze %dma_start3A_48 : memref<1x64xi32, #tpu.memory_space<hbm>> -> memref<64xi32, #tpu.memory_space<hbm>>
    tpu.enqueue_dma source(%dma_start3A_49 : memref<64xi32, #tpu.memory_space<hbm>>) target(%dma_start3A_47 : memref<64xi32, #tpu.memory_space<vmem>>) target_semaphore(%arg26 : memref<!tpu.dma_semaphore, #tpu.memory_space<semaphore_mem>>)
    %dma_start3A_50 = arith.constant 0 : i32
    %dma_start3A_51 = arith.constant 0 : i32
    %dma_start3A_52 = tpu.memref_slice %arg17[%rem3A_38, %dma_start3A_51] : memref<8x64xi32, #tpu.memory_space<vmem>> -> memref<1x64xi32, #tpu.memory_space<vmem>>
    %dma_start3A_53 = tpu.memref_squeeze %dma_start3A_52 : memref<1x64xi32, #tpu.memory_space<vmem>> -> memref<64xi32, #tpu.memory_space<vmem>>
    %dma_start3A_54 = tpu.memref_slice %arg6[%dma_start3A_50, %mul3A_35] : memref<2x320000xi32, #tpu.memory_space<hbm>> -> memref<1x64xi32, #tpu.memory_space<hbm>>
    %dma_start3A_55 = tpu.memref_squeeze %dma_start3A_54 : memref<1x64xi32, #tpu.memory_space<hbm>> -> memref<64xi32, #tpu.memory_space<hbm>>
    %dma_start3A_56 = arith.constant 0 : i32
    %dma_start3A_57 = tpu.memref_slice %arg17[%rem3A_38, %dma_start3A_56] : memref<8x64xi32, #tpu.memory_space<vmem>> -> memref<1x64xi32, #tpu.memory_space<vmem>>
    %dma_start3A_58 = tpu.memref_squeeze %dma_start3A_57 : memref<1x64xi32, #tpu.memory_space<vmem>> -> memref<64xi32, #tpu.memory_space<vmem>>
    %dma_start3A_59 = tpu.memref_slice %arg6[%dma_start3A_50, %mul3A_35] : memref<2x320000xi32, #tpu.memory_space<hbm>> -> memref<1x64xi32, #tpu.memory_space<hbm>>
    %dma_start3A_60 = tpu.memref_squeeze %dma_start3A_59 : memref<1x64xi32, #tpu.memory_space<hbm>> -> memref<64xi32, #tpu.memory_space<hbm>>
    tpu.enqueue_dma source(%dma_start3A_60 : memref<64xi32, #tpu.memory_space<hbm>>) target(%dma_start3A_58 : memref<64xi32, #tpu.memory_space<vmem>>) target_semaphore(%arg26 : memref<!tpu.dma_semaphore, #tpu.memory_space<semaphore_mem>>)
    %add3A_61 = arith.constant 32 : i32
    %add3A_62 = arith.addi %add3A, %add3A_61 : i32
    %mul3A_63 = arith.constant 64 : i32
    %mul3A_64 = arith.muli %add3A_62, %mul3A_63 : i32
    %rem3A_65 = arith.constant 1 : i32
    %rem3A_66 = arith.constant 8 : i32
    %rem3A_67 = arith.remsi %rem3A_65, %rem3A_66 : i32
    %dma_start3A_68 = arith.constant 1 : i32
    %dma_start3A_69 = arith.constant 0 : i32
    %dma_start3A_70 = tpu.memref_slice %arg14[%rem3A_67, %dma_start3A_69] : memref<8x64xi32, #tpu.memory_space<vmem>> -> memref<1x64xi32, #tpu.memory_space<vmem>>
    %dma_start3A_71 = tpu.memref_squeeze %dma_start3A_70 : memref<1x64xi32, #tpu.memory_space<vmem>> -> memref<64xi32, #tpu.memory_space<vmem>>
    %dma_start3A_72 = tpu.memref_slice %arg5[%dma_start3A_68, %mul3A_64] : memref<2x320000xi32, #tpu.memory_space<hbm>> -> memref<1x64xi32, #tpu.memory_space<hbm>>
    %dma_start3A_73 = tpu.memref_squeeze %dma_start3A_72 : memref<1x64xi32, #tpu.memory_space<hbm>> -> memref<64xi32, #tpu.memory_space<hbm>>
    %dma_start3A_74 = arith.constant 0 : i32
    %dma_start3A_75 = tpu.memref_slice %arg14[%rem3A_67, %dma_start3A_74] : memref<8x64xi32, #tpu.memory_space<vmem>> -> memref<1x64xi32, #tpu.memory_space<vmem>>
    %dma_start3A_76 = tpu.memref_squeeze %dma_start3A_75 : memref<1x64xi32, #tpu.memory_space<vmem>> -> memref<64xi32, #tpu.memory_space<vmem>>
    %dma_start3A_77 = tpu.memref_slice %arg5[%dma_start3A_68, %mul3A_64] : memref<2x320000xi32, #tpu.memory_space<hbm>> -> memref<1x64xi32, #tpu.memory_space<hbm>>
    %dma_start3A_78 = tpu.memref_squeeze %dma_start3A_77 : memref<1x64xi32, #tpu.memory_space<hbm>> -> memref<64xi32, #tpu.memory_space<hbm>>
    tpu.enqueue_dma source(%dma_start3A_78 : memref<64xi32, #tpu.memory_space<hbm>>) target(%dma_start3A_76 : memref<64xi32, #tpu.memory_space<vmem>>) target_semaphore(%arg23 : memref<!tpu.dma_semaphore, #tpu.memory_space<semaphore_mem>>)
    %dma_start3A_79 = arith.constant 0 : i32
    %dma_start3A_80 = arith.constant 0 : i32
    %dma_start3A_81 = tpu.memref_slice %arg15[%rem3A_67, %dma_start3A_80] : memref<8x64xi32, #tpu.memory_space<vmem>> -> memref<1x64xi32, #tpu.memory_space<vmem>>
    %dma_start3A_82 = tpu.memref_squeeze %dma_start3A_81 : memref<1x64xi32, #tpu.memory_space<vmem>> -> memref<64xi32, #tpu.memory_space<vmem>>
    %dma_start3A_83 = tpu.memref_slice %arg5[%dma_start3A_79, %mul3A_64] : memref<2x320000xi32, #tpu.memory_space<hbm>> -> memref<1x64xi32, #tpu.memory_space<hbm>>
    %dma_start3A_84 = tpu.memref_squeeze %dma_start3A_83 : memref<1x64xi32, #tpu.memory_space<hbm>> -> memref<64xi32, #tpu.memory_space<hbm>>
    %dma_start3A_85 = arith.constant 0 : i32
    %dma_start3A_86 = tpu.memref_slice %arg15[%rem3A_67, %dma_start3A_85] : memref<8x64xi32, #tpu.memory_space<vmem>> -> memref<1x64xi32, #tpu.memory_space<vmem>>
    %dma_start3A_87 = tpu.memref_squeeze %dma_start3A_86 : memref<1x64xi32, #tpu.memory_space<vmem>> -> memref<64xi32, #tpu.memory_space<vmem>>
    %dma_start3A_88 = tpu.memref_slice %arg5[%dma_start3A_79, %mul3A_64] : memref<2x320000xi32, #tpu.memory_space<hbm>> -> memref<1x64xi32, #tpu.memory_space<hbm>>
    %dma_start3A_89 = tpu.memref_squeeze %dma_start3A_88 : memref<1x64xi32, #tpu.memory_space<hbm>> -> memref<64xi32, #tpu.memory_space<hbm>>
    tpu.enqueue_dma source(%dma_start3A_89 : memref<64xi32, #tpu.memory_space<hbm>>) target(%dma_start3A_87 : memref<64xi32, #tpu.memory_space<vmem>>) target_semaphore(%arg23 : memref<!tpu.dma_semaphore, #tpu.memory_space<semaphore_mem>>)
    %add3A_90 = arith.constant 32 : i32
    %add3A_91 = arith.addi %add3A, %add3A_90 : i32
    %mul3A_92 = arith.constant 64 : i32
    %mul3A_93 = arith.muli %add3A_91, %mul3A_92 : i32
    %rem3A_94 = arith.constant 1 : i32
    %rem3A_95 = arith.constant 8 : i32
    %rem3A_96 = arith.remsi %rem3A_94, %rem3A_95 : i32
    %dma_start3A_97 = arith.constant 1 : i32
    %dma_start3A_98 = arith.constant 0 : i32
    %dma_start3A_99 = tpu.memref_slice %arg16[%rem3A_96, %dma_start3A_98] : memref<8x64xi32, #tpu.memory_space<vmem>> -> memref<1x64xi32, #tpu.memory_space<vmem>>
    %dma_start3A_100 = tpu.memref_squeeze %dma_start3A_99 : memref<1x64xi32, #tpu.memory_space<vmem>> -> memref<64xi32, #tpu.memory_space<vmem>>
    %dma_start3A_101 = tpu.memref_slice %arg6[%dma_start3A_97, %mul3A_93] : memref<2x320000xi32, #tpu.memory_space<hbm>> -> memref<1x64xi32, #tpu.memory_space<hbm>>
    %dma_start3A_102 = tpu.memref_squeeze %dma_start3A_101 : memref<1x64xi32, #tpu.memory_space<hbm>> -> memref<64xi32, #tpu.memory_space<hbm>>
    %dma_start3A_103 = arith.constant 0 : i32
    %dma_start3A_104 = tpu.memref_slice %arg16[%rem3A_96, %dma_start3A_103] : memref<8x64xi32, #tpu.memory_space<vmem>> -> memref<1x64xi32, #tpu.memory_space<vmem>>
    %dma_start3A_105 = tpu.memref_squeeze %dma_start3A_104 : memref<1x64xi32, #tpu.memory_space<vmem>> -> memref<64xi32, #tpu.memory_space<vmem>>
    %dma_start3A_106 = tpu.memref_slice %arg6[%dma_start3A_97, %mul3A_93] : memref<2x320000xi32, #tpu.memory_space<hbm>> -> memref<1x64xi32, #tpu.memory_space<hbm>>
    %dma_start3A_107 = tpu.memref_squeeze %dma_start3A_106 : memref<1x64xi32, #tpu.memory_space<hbm>> -> memref<64xi32, #tpu.memory_space<hbm>>
    tpu.enqueue_dma source(%dma_start3A_107 : memref<64xi32, #tpu.memory_space<hbm>>) target(%dma_start3A_105 : memref<64xi32, #tpu.memory_space<vmem>>) target_semaphore(%arg26 : memref<!tpu.dma_semaphore, #tpu.memory_space<semaphore_mem>>)
    %dma_start3A_108 = arith.constant 0 : i32
    %dma_start3A_109 = arith.constant 0 : i32
    %dma_start3A_110 = tpu.memref_slice %arg17[%rem3A_96, %dma_start3A_109] : memref<8x64xi32, #tpu.memory_space<vmem>> -> memref<1x64xi32, #tpu.memory_space<vmem>>
    %dma_start3A_111 = tpu.memref_squeeze %dma_start3A_110 : memref<1x64xi32, #tpu.memory_space<vmem>> -> memref<64xi32, #tpu.memory_space<vmem>>
    %dma_start3A_112 = tpu.memref_slice %arg6[%dma_start3A_108, %mul3A_93] : memref<2x320000xi32, #tpu.memory_space<hbm>> -> memref<1x64xi32, #tpu.memory_space<hbm>>
    %dma_start3A_113 = tpu.memref_squeeze %dma_start3A_112 : memref<1x64xi32, #tpu.memory_space<hbm>> -> memref<64xi32, #tpu.memory_space<hbm>>
    %dma_start3A_114 = arith.constant 0 : i32
    %dma_start3A_115 = tpu.memref_slice %arg17[%rem3A_96, %dma_start3A_114] : memref<8x64xi32, #tpu.memory_space<vmem>> -> memref<1x64xi32, #tpu.memory_space<vmem>>
    %dma_start3A_116 = tpu.memref_squeeze %dma_start3A_115 : memref<1x64xi32, #tpu.memory_space<vmem>> -> memref<64xi32, #tpu.memory_space<vmem>>
    %dma_start3A_117 = tpu.memref_slice %arg6[%dma_start3A_108, %mul3A_93] : memref<2x320000xi32, #tpu.memory_space<hbm>> -> memref<1x64xi32, #tpu.memory_space<hbm>>
    %dma_start3A_118 = tpu.memref_squeeze %dma_start3A_117 : memref<1x64xi32, #tpu.memory_space<hbm>> -> memref<64xi32, #tpu.memory_space<hbm>>
    tpu.enqueue_dma source(%dma_start3A_118 : memref<64xi32, #tpu.memory_space<hbm>>) target(%dma_start3A_116 : memref<64xi32, #tpu.memory_space<vmem>>) target_semaphore(%arg26 : memref<!tpu.dma_semaphore, #tpu.memory_space<semaphore_mem>>)
    %add3A_119 = arith.constant 64 : i32
    %add3A_120 = arith.addi %add3A, %add3A_119 : i32
    %mul3A_121 = arith.constant 64 : i32
    %mul3A_122 = arith.muli %add3A_120, %mul3A_121 : i32
    %rem3A_123 = arith.constant 2 : i32
    %rem3A_124 = arith.constant 8 : i32
    %rem3A_125 = arith.remsi %rem3A_123, %rem3A_124 : i32
    %dma_start3A_126 = arith.constant 1 : i32
    %dma_start3A_127 = arith.constant 0 : i32
    %dma_start3A_128 = tpu.memref_slice %arg14[%rem3A_125, %dma_start3A_127] : memref<8x64xi32, #tpu.memory_space<vmem>> -> memref<1x64xi32, #tpu.memory_space<vmem>>
    %dma_start3A_129 = tpu.memref_squeeze %dma_start3A_128 : memref<1x64xi32, #tpu.memory_space<vmem>> -> memref<64xi32, #tpu.memory_space<vmem>>
    %dma_start3A_130 = tpu.memref_slice %arg5[%dma_start3A_126, %mul3A_122] : memref<2x320000xi32, #tpu.memory_space<hbm>> -> memref<1x64xi32, #tpu.memory_space<hbm>>
    %dma_start3A_131 = tpu.memref_squeeze %dma_start3A_130 : memref<1x64xi32, #tpu.memory_space<hbm>> -> memref<64xi32, #tpu.memory_space<hbm>>
    %dma_start3A_132 = arith.constant 0 : i32
    %dma_start3A_133 = tpu.memref_slice %arg14[%rem3A_125, %dma_start3A_132] : memref<8x64xi32, #tpu.memory_space<vmem>> -> memref<1x64xi32, #tpu.memory_space<vmem>>
    %dma_start3A_134 = tpu.memref_squeeze %dma_start3A_133 : memref<1x64xi32, #tpu.memory_space<vmem>> -> memref<64xi32, #tpu.memory_space<vmem>>
    %dma_start3A_135 = tpu.memref_slice %arg5[%dma_start3A_126, %mul3A_122] : memref<2x320000xi32, #tpu.memory_space<hbm>> -> memref<1x64xi32, #tpu.memory_space<hbm>>
    %dma_start3A_136 = tpu.memref_squeeze %dma_start3A_135 : memref<1x64xi32, #tpu.memory_space<hbm>> -> memref<64xi32, #tpu.memory_space<hbm>>
    tpu.enqueue_dma source(%dma_start3A_136 : memref<64xi32, #tpu.memory_space<hbm>>) target(%dma_start3A_134 : memref<64xi32, #tpu.memory_space<vmem>>) target_semaphore(%arg23 : memref<!tpu.dma_semaphore, #tpu.memory_space<semaphore_mem>>)
    %dma_start3A_137 = arith.constant 0 : i32
    %dma_start3A_138 = arith.constant 0 : i32
    %dma_start3A_139 = tpu.memref_slice %arg15[%rem3A_125, %dma_start3A_138] : memref<8x64xi32, #tpu.memory_space<vmem>> -> memref<1x64xi32, #tpu.memory_space<vmem>>
    %dma_start3A_140 = tpu.memref_squeeze %dma_start3A_139 : memref<1x64xi32, #tpu.memory_space<vmem>> -> memref<64xi32, #tpu.memory_space<vmem>>
    %dma_start3A_141 = tpu.memref_slice %arg5[%dma_start3A_137, %mul3A_122] : memref<2x320000xi32, #tpu.memory_space<hbm>> -> memref<1x64xi32, #tpu.memory_space<hbm>>
    %dma_start3A_142 = tpu.memref_squeeze %dma_start3A_141 : memref<1x64xi32, #tpu.memory_space<hbm>> -> memref<64xi32, #tpu.memory_space<hbm>>
    %dma_start3A_143 = arith.constant 0 : i32
    %dma_start3A_144 = tpu.memref_slice %arg15[%rem3A_125, %dma_start3A_143] : memref<8x64xi32, #tpu.memory_space<vmem>> -> memref<1x64xi32, #tpu.memory_space<vmem>>
    %dma_start3A_145 = tpu.memref_squeeze %dma_start3A_144 : memref<1x64xi32, #tpu.memory_space<vmem>> -> memref<64xi32, #tpu.memory_space<vmem>>
    %dma_start3A_146 = tpu.memref_slice %arg5[%dma_start3A_137, %mul3A_122] : memref<2x320000xi32, #tpu.memory_space<hbm>> -> memref<1x64xi32, #tpu.memory_space<hbm>>
    %dma_start3A_147 = tpu.memref_squeeze %dma_start3A_146 : memref<1x64xi32, #tpu.memory_space<hbm>> -> memref<64xi32, #tpu.memory_space<hbm>>
    tpu.enqueue_dma source(%dma_start3A_147 : memref<64xi32, #tpu.memory_space<hbm>>) target(%dma_start3A_145 : memref<64xi32, #tpu.memory_space<vmem>>) target_semaphore(%arg23 : memref<!tpu.dma_semaphore, #tpu.memory_space<semaphore_mem>>)
    %add3A_148 = arith.constant 64 : i32
    %add3A_149 = arith.addi %add3A, %add3A_148 : i32
    %mul3A_150 = arith.constant 64 : i32
    %mul3A_151 = arith.muli %add3A_149, %mul3A_150 : i32
    %rem3A_152 = arith.constant 2 : i32
    %rem3A_153 = arith.constant 8 : i32
    %rem3A_154 = arith.remsi %rem3A_152, %rem3A_153 : i32
    %dma_start3A_155 = arith.constant 1 : i32
    %dma_start3A_156 = arith.constant 0 : i32
    %dma_start3A_157 = tpu.memref_slice %arg16[%rem3A_154, %dma_start3A_156] : memref<8x64xi32, #tpu.memory_space<vmem>> -> memref<1x64xi32, #tpu.memory_space<vmem>>
    %dma_start3A_158 = tpu.memref_squeeze %dma_start3A_157 : memref<1x64xi32, #tpu.memory_space<vmem>> -> memref<64xi32, #tpu.memory_space<vmem>>
    %dma_start3A_159 = tpu.memref_slice %arg6[%dma_start3A_155, %mul3A_151] : memref<2x320000xi32, #tpu.memory_space<hbm>> -> memref<1x64xi32, #tpu.memory_space<hbm>>
    %dma_start3A_160 = tpu.memref_squeeze %dma_start3A_159 : memref<1x64xi32, #tpu.memory_space<hbm>> -> memref<64xi32, #tpu.memory_space<hbm>>
    %dma_start3A_161 = arith.constant 0 : i32
    %dma_start3A_162 = tpu.memref_slice %arg16[%rem3A_154, %dma_start3A_161] : memref<8x64xi32, #tpu.memory_space<vmem>> -> memref<1x64xi32, #tpu.memory_space<vmem>>
    %dma_start3A_163 = tpu.memref_squeeze %dma_start3A_162 : memref<1x64xi32, #tpu.memory_space<vmem>> -> memref<64xi32, #tpu.memory_space<vmem>>
    %dma_start3A_164 = tpu.memref_slice %arg6[%dma_start3A_155, %mul3A_151] : memref<2x320000xi32, #tpu.memory_space<hbm>> -> memref<1x64xi32, #tpu.memory_space<hbm>>
    %dma_start3A_165 = tpu.memref_squeeze %dma_start3A_164 : memref<1x64xi32, #tpu.memory_space<hbm>> -> memref<64xi32, #tpu.memory_space<hbm>>
    tpu.enqueue_dma source(%dma_start3A_165 : memref<64xi32, #tpu.memory_space<hbm>>) target(%dma_start3A_163 : memref<64xi32, #tpu.memory_space<vmem>>) target_semaphore(%arg26 : memref<!tpu.dma_semaphore, #tpu.memory_space<semaphore_mem>>)
    %dma_start3A_166 = arith.constant 0 : i32
    %dma_start3A_167 = arith.constant 0 : i32
    %dma_start3A_168 = tpu.memref_slice %arg17[%rem3A_154, %dma_start3A_167] : memref<8x64xi32, #tpu.memory_space<vmem>> -> memref<1x64xi32, #tpu.memory_space<vmem>>
    %dma_start3A_169 = tpu.memref_squeeze %dma_start3A_168 : memref<1x64xi32, #tpu.memory_space<vmem>> -> memref<64xi32, #tpu.memory_space<vmem>>
    %dma_start3A_170 = tpu.memref_slice %arg6[%dma_start3A_166, %mul3A_151] : memref<2x320000xi32, #tpu.memory_space<hbm>> -> memref<1x64xi32, #tpu.memory_space<hbm>>
    %dma_start3A_171 = tpu.memref_squeeze %dma_start3A_170 : memref<1x64xi32, #tpu.memory_space<hbm>> -> memref<64xi32, #tpu.memory_space<hbm>>
    %dma_start3A_172 = arith.constant 0 : i32
    %dma_start3A_173 = tpu.memref_slice %arg17[%rem3A_154, %dma_start3A_172] : memref<8x64xi32, #tpu.memory_space<vmem>> -> memref<1x64xi32, #tpu.memory_space<vmem>>
    %dma_start3A_174 = tpu.memref_squeeze %dma_start3A_173 : memref<1x64xi32, #tpu.memory_space<vmem>> -> memref<64xi32, #tpu.memory_space<vmem>>
    %dma_start3A_175 = tpu.memref_slice %arg6[%dma_start3A_166, %mul3A_151] : memref<2x320000xi32, #tpu.memory_space<hbm>> -> memref<1x64xi32, #tpu.memory_space<hbm>>
    %dma_start3A_176 = tpu.memref_squeeze %dma_start3A_175 : memref<1x64xi32, #tpu.memory_space<hbm>> -> memref<64xi32, #tpu.memory_space<hbm>>
    tpu.enqueue_dma source(%dma_start3A_176 : memref<64xi32, #tpu.memory_space<hbm>>) target(%dma_start3A_174 : memref<64xi32, #tpu.memory_space<vmem>>) target_semaphore(%arg26 : memref<!tpu.dma_semaphore, #tpu.memory_space<semaphore_mem>>)
    %add3A_177 = arith.constant 96 : i32
    %add3A_178 = arith.addi %add3A, %add3A_177 : i32
    %mul3A_179 = arith.constant 64 : i32
    %mul3A_180 = arith.muli %add3A_178, %mul3A_179 : i32
    %rem3A_181 = arith.constant 3 : i32
    %rem3A_182 = arith.constant 8 : i32
    %rem3A_183 = arith.remsi %rem3A_181, %rem3A_182 : i32
    %dma_start3A_184 = arith.constant 1 : i32
    %dma_start3A_185 = arith.constant 0 : i32
    %dma_start3A_186 = tpu.memref_slice %arg14[%rem3A_183, %dma_start3A_185] : memref<8x64xi32, #tpu.memory_space<vmem>> -> memref<1x64xi32, #tpu.memory_space<vmem>>
    %dma_start3A_187 = tpu.memref_squeeze %dma_start3A_186 : memref<1x64xi32, #tpu.memory_space<vmem>> -> memref<64xi32, #tpu.memory_space<vmem>>
    %dma_start3A_188 = tpu.memref_slice %arg5[%dma_start3A_184, %mul3A_180] : memref<2x320000xi32, #tpu.memory_space<hbm>> -> memref<1x64xi32, #tpu.memory_space<hbm>>
    %dma_start3A_189 = tpu.memref_squeeze %dma_start3A_188 : memref<1x64xi32, #tpu.memory_space<hbm>> -> memref<64xi32, #tpu.memory_space<hbm>>
    %dma_start3A_190 = arith.constant 0 : i32
    %dma_start3A_191 = tpu.memref_slice %arg14[%rem3A_183, %dma_start3A_190] : memref<8x64xi32, #tpu.memory_space<vmem>> -> memref<1x64xi32, #tpu.memory_space<vmem>>
    %dma_start3A_192 = tpu.memref_squeeze %dma_start3A_191 : memref<1x64xi32, #tpu.memory_space<vmem>> -> memref<64xi32, #tpu.memory_space<vmem>>
    %dma_start3A_193 = tpu.memref_slice %arg5[%dma_start3A_184, %mul3A_180] : memref<2x320000xi32, #tpu.memory_space<hbm>> -> memref<1x64xi32, #tpu.memory_space<hbm>>
    %dma_start3A_194 = tpu.memref_squeeze %dma_start3A_193 : memref<1x64xi32, #tpu.memory_space<hbm>> -> memref<64xi32, #tpu.memory_space<hbm>>
    tpu.enqueue_dma source(%dma_start3A_194 : memref<64xi32, #tpu.memory_space<hbm>>) target(%dma_start3A_192 : memref<64xi32, #tpu.memory_space<vmem>>) target_semaphore(%arg23 : memref<!tpu.dma_semaphore, #tpu.memory_space<semaphore_mem>>)
    %dma_start3A_195 = arith.constant 0 : i32
    %dma_start3A_196 = arith.constant 0 : i32
    %dma_start3A_197 = tpu.memref_slice %arg15[%rem3A_183, %dma_start3A_196] : memref<8x64xi32, #tpu.memory_space<vmem>> -> memref<1x64xi32, #tpu.memory_space<vmem>>
    %dma_start3A_198 = tpu.memref_squeeze %dma_start3A_197 : memref<1x64xi32, #tpu.memory_space<vmem>> -> memref<64xi32, #tpu.memory_space<vmem>>
    %dma_start3A_199 = tpu.memref_slice %arg5[%dma_start3A_195, %mul3A_180] : memref<2x320000xi32, #tpu.memory_space<hbm>> -> memref<1x64xi32, #tpu.memory_space<hbm>>
    %dma_start3A_200 = tpu.memref_squeeze %dma_start3A_199 : memref<1x64xi32, #tpu.memory_space<hbm>> -> memref<64xi32, #tpu.memory_space<hbm>>
    %dma_start3A_201 = arith.constant 0 : i32
    %dma_start3A_202 = tpu.memref_slice %arg15[%rem3A_183, %dma_start3A_201] : memref<8x64xi32, #tpu.memory_space<vmem>> -> memref<1x64xi32, #tpu.memory_space<vmem>>
    %dma_start3A_203 = tpu.memref_squeeze %dma_start3A_202 : memref<1x64xi32, #tpu.memory_space<vmem>> -> memref<64xi32, #tpu.memory_space<vmem>>
    %dma_start3A_204 = tpu.memref_slice %arg5[%dma_start3A_195, %mul3A_180] : memref<2x320000xi32, #tpu.memory_space<hbm>> -> memref<1x64xi32, #tpu.memory_space<hbm>>
    %dma_start3A_205 = tpu.memref_squeeze %dma_start3A_204 : memref<1x64xi32, #tpu.memory_space<hbm>> -> memref<64xi32, #tpu.memory_space<hbm>>
    tpu.enqueue_dma source(%dma_start3A_205 : memref<64xi32, #tpu.memory_space<hbm>>) target(%dma_start3A_203 : memref<64xi32, #tpu.memory_space<vmem>>) target_semaphore(%arg23 : memref<!tpu.dma_semaphore, #tpu.memory_space<semaphore_mem>>)
    %add3A_206 = arith.constant 96 : i32
    %add3A_207 = arith.addi %add3A, %add3A_206 : i32
    %mul3A_208 = arith.constant 64 : i32
    %mul3A_209 = arith.muli %add3A_207, %mul3A_208 : i32
    %rem3A_210 = arith.constant 3 : i32
    %rem3A_211 = arith.constant 8 : i32
    %rem3A_212 = arith.remsi %rem3A_210, %rem3A_211 : i32
    %dma_start3A_213 = arith.constant 1 : i32
    %dma_start3A_214 = arith.constant 0 : i32
    %dma_start3A_215 = tpu.memref_slice %arg16[%rem3A_212, %dma_start3A_214] : memref<8x64xi32, #tpu.memory_space<vmem>> -> memref<1x64xi32, #tpu.memory_space<vmem>>
    %dma_start3A_216 = tpu.memref_squeeze %dma_start3A_215 : memref<1x64xi32, #tpu.memory_space<vmem>> -> memref<64xi32, #tpu.memory_space<vmem>>
    %dma_start3A_217 = tpu.memref_slice %arg6[%dma_start3A_213, %mul3A_209] : memref<2x320000xi32, #tpu.memory_space<hbm>> -> memref<1x64xi32, #tpu.memory_space<hbm>>
    %dma_start3A_218 = tpu.memref_squeeze %dma_start3A_217 : memref<1x64xi32, #tpu.memory_space<hbm>> -> memref<64xi32, #tpu.memory_space<hbm>>
    %dma_start3A_219 = arith.constant 0 : i32
    %dma_start3A_220 = tpu.memref_slice %arg16[%rem3A_212, %dma_start3A_219] : memref<8x64xi32, #tpu.memory_space<vmem>> -> memref<1x64xi32, #tpu.memory_space<vmem>>
    %dma_start3A_221 = tpu.memref_squeeze %dma_start3A_220 : memref<1x64xi32, #tpu.memory_space<vmem>> -> memref<64xi32, #tpu.memory_space<vmem>>
    %dma_start3A_222 = tpu.memref_slice %arg6[%dma_start3A_213, %mul3A_209] : memref<2x320000xi32, #tpu.memory_space<hbm>> -> memref<1x64xi32, #tpu.memory_space<hbm>>
    %dma_start3A_223 = tpu.memref_squeeze %dma_start3A_222 : memref<1x64xi32, #tpu.memory_space<hbm>> -> memref<64xi32, #tpu.memory_space<hbm>>
    tpu.enqueue_dma source(%dma_start3A_223 : memref<64xi32, #tpu.memory_space<hbm>>) target(%dma_start3A_221 : memref<64xi32, #tpu.memory_space<vmem>>) target_semaphore(%arg26 : memref<!tpu.dma_semaphore, #tpu.memory_space<semaphore_mem>>)
    %dma_start3A_224 = arith.constant 0 : i32
    %dma_start3A_225 = arith.constant 0 : i32
    %dma_start3A_226 = tpu.memref_slice %arg17[%rem3A_212, %dma_start3A_225] : memref<8x64xi32, #tpu.memory_space<vmem>> -> memref<1x64xi32, #tpu.memory_space<vmem>>
    %dma_start3A_227 = tpu.memref_squeeze %dma_start3A_226 : memref<1x64xi32, #tpu.memory_space<vmem>> -> memref<64xi32, #tpu.memory_space<vmem>>
    %dma_start3A_228 = tpu.memref_slice %arg6[%dma_start3A_224, %mul3A_209] : memref<2x320000xi32, #tpu.memory_space<hbm>> -> memref<1x64xi32, #tpu.memory_space<hbm>>
    %dma_start3A_229 = tpu.memref_squeeze %dma_start3A_228 : memref<1x64xi32, #tpu.memory_space<hbm>> -> memref<64xi32, #tpu.memory_space<hbm>>
    %dma_start3A_230 = arith.constant 0 : i32
    %dma_start3A_231 = tpu.memref_slice %arg17[%rem3A_212, %dma_start3A_230] : memref<8x64xi32, #tpu.memory_space<vmem>> -> memref<1x64xi32, #tpu.memory_space<vmem>>
    %dma_start3A_232 = tpu.memref_squeeze %dma_start3A_231 : memref<1x64xi32, #tpu.memory_space<vmem>> -> memref<64xi32, #tpu.memory_space<vmem>>
    %dma_start3A_233 = tpu.memref_slice %arg6[%dma_start3A_224, %mul3A_209] : memref<2x320000xi32, #tpu.memory_space<hbm>> -> memref<1x64xi32, #tpu.memory_space<hbm>>
    %dma_start3A_234 = tpu.memref_squeeze %dma_start3A_233 : memref<1x64xi32, #tpu.memory_space<hbm>> -> memref<64xi32, #tpu.memory_space<hbm>>
    tpu.enqueue_dma source(%dma_start3A_234 : memref<64xi32, #tpu.memory_space<hbm>>) target(%dma_start3A_232 : memref<64xi32, #tpu.memory_space<vmem>>) target_semaphore(%arg26 : memref<!tpu.dma_semaphore, #tpu.memory_space<semaphore_mem>>)
    %add3A_235 = arith.constant 128 : i32
    %add3A_236 = arith.addi %add3A, %add3A_235 : i32
    %mul3A_237 = arith.constant 64 : i32
    %mul3A_238 = arith.muli %add3A_236, %mul3A_237 : i32
    %rem3A_239 = arith.constant 4 : i32
    %rem3A_240 = arith.constant 8 : i32
    %rem3A_241 = arith.remsi %rem3A_239, %rem3A_240 : i32
    %dma_start3A_242 = arith.constant 1 : i32
    %dma_start3A_243 = arith.constant 0 : i32
    %dma_start3A_244 = tpu.memref_slice %arg14[%rem3A_241, %dma_start3A_243] : memref<8x64xi32, #tpu.memory_space<vmem>> -> memref<1x64xi32, #tpu.memory_space<vmem>>
    %dma_start3A_245 = tpu.memref_squeeze %dma_start3A_244 : memref<1x64xi32, #tpu.memory_space<vmem>> -> memref<64xi32, #tpu.memory_space<vmem>>
    %dma_start3A_246 = tpu.memref_slice %arg5[%dma_start3A_242, %mul3A_238] : memref<2x320000xi32, #tpu.memory_space<hbm>> -> memref<1x64xi32, #tpu.memory_space<hbm>>
    %dma_start3A_247 = tpu.memref_squeeze %dma_start3A_246 : memref<1x64xi32, #tpu.memory_space<hbm>> -> memref<64xi32, #tpu.memory_space<hbm>>
    %dma_start3A_248 = arith.constant 0 : i32
    %dma_start3A_249 = tpu.memref_slice %arg14[%rem3A_241, %dma_start3A_248] : memref<8x64xi32, #tpu.memory_space<vmem>> -> memref<1x64xi32, #tpu.memory_space<vmem>>
    %dma_start3A_250 = tpu.memref_squeeze %dma_start3A_249 : memref<1x64xi32, #tpu.memory_space<vmem>> -> memref<64xi32, #tpu.memory_space<vmem>>
    %dma_start3A_251 = tpu.memref_slice %arg5[%dma_start3A_242, %mul3A_238] : memref<2x320000xi32, #tpu.memory_space<hbm>> -> memref<1x64xi32, #tpu.memory_space<hbm>>
    %dma_start3A_252 = tpu.memref_squeeze %dma_start3A_251 : memref<1x64xi32, #tpu.memory_space<hbm>> -> memref<64xi32, #tpu.memory_space<hbm>>
    tpu.enqueue_dma source(%dma_start3A_252 : memref<64xi32, #tpu.memory_space<hbm>>) target(%dma_start3A_250 : memref<64xi32, #tpu.memory_space<vmem>>) target_semaphore(%arg23 : memref<!tpu.dma_semaphore, #tpu.memory_space<semaphore_mem>>)
    %dma_start3A_253 = arith.constant 0 : i32
    %dma_start3A_254 = arith.constant 0 : i32
    %dma_start3A_255 = tpu.memref_slice %arg15[%rem3A_241, %dma_start3A_254] : memref<8x64xi32, #tpu.memory_space<vmem>> -> memref<1x64xi32, #tpu.memory_space<vmem>>
    %dma_start3A_256 = tpu.memref_squeeze %dma_start3A_255 : memref<1x64xi32, #tpu.memory_space<vmem>> -> memref<64xi32, #tpu.memory_space<vmem>>
    %dma_start3A_257 = tpu.memref_slice %arg5[%dma_start3A_253, %mul3A_238] : memref<2x320000xi32, #tpu.memory_space<hbm>> -> memref<1x64xi32, #tpu.memory_space<hbm>>
    %dma_start3A_258 = tpu.memref_squeeze %dma_start3A_257 : memref<1x64xi32, #tpu.memory_space<hbm>> -> memref<64xi32, #tpu.memory_space<hbm>>
    %dma_start3A_259 = arith.constant 0 : i32
    %dma_start3A_260 = tpu.memref_slice %arg15[%rem3A_241, %dma_start3A_259] : memref<8x64xi32, #tpu.memory_space<vmem>> -> memref<1x64xi32, #tpu.memory_space<vmem>>
    %dma_start3A_261 = tpu.memref_squeeze %dma_start3A_260 : memref<1x64xi32, #tpu.memory_space<vmem>> -> memref<64xi32, #tpu.memory_space<vmem>>
    %dma_start3A_262 = tpu.memref_slice %arg5[%dma_start3A_253, %mul3A_238] : memref<2x320000xi32, #tpu.memory_space<hbm>> -> memref<1x64xi32, #tpu.memory_space<hbm>>
    %dma_start3A_263 = tpu.memref_squeeze %dma_start3A_262 : memref<1x64xi32, #tpu.memory_space<hbm>> -> memref<64xi32, #tpu.memory_space<hbm>>
    tpu.enqueue_dma source(%dma_start3A_263 : memref<64xi32, #tpu.memory_space<hbm>>) target(%dma_start3A_261 : memref<64xi32, #tpu.memory_space<vmem>>) target_semaphore(%arg23 : memref<!tpu.dma_semaphore, #tpu.memory_space<semaphore_mem>>)
    %add3A_264 = arith.constant 128 : i32
    %add3A_265 = arith.addi %add3A, %add3A_264 : i32
    %mul3A_266 = arith.constant 64 : i32
    %mul3A_267 = arith.muli %add3A_265, %mul3A_266 : i32
    %rem3A_268 = arith.constant 4 : i32
    %rem3A_269 = arith.constant 8 : i32
    %rem3A_270 = arith.remsi %rem3A_268, %rem3A_269 : i32
    %dma_start3A_271 = arith.constant 1 : i32
    %dma_start3A_272 = arith.constant 0 : i32
    %dma_start3A_273 = tpu.memref_slice %arg16[%rem3A_270, %dma_start3A_272] : memref<8x64xi32, #tpu.memory_space<vmem>> -> memref<1x64xi32, #tpu.memory_space<vmem>>
    %dma_start3A_274 = tpu.memref_squeeze %dma_start3A_273 : memref<1x64xi32, #tpu.memory_space<vmem>> -> memref<64xi32, #tpu.memory_space<vmem>>
    %dma_start3A_275 = tpu.memref_slice %arg6[%dma_start3A_271, %mul3A_267] : memref<2x320000xi32, #tpu.memory_space<hbm>> -> memref<1x64xi32, #tpu.memory_space<hbm>>
    %dma_start3A_276 = tpu.memref_squeeze %dma_start3A_275 : memref<1x64xi32, #tpu.memory_space<hbm>> -> memref<64xi32, #tpu.memory_space<hbm>>
    %dma_start3A_277 = arith.constant 0 : i32
    %dma_start3A_278 = tpu.memref_slice %arg16[%rem3A_270, %dma_start3A_277] : memref<8x64xi32, #tpu.memory_space<vmem>> -> memref<1x64xi32, #tpu.memory_space<vmem>>
    %dma_start3A_279 = tpu.memref_squeeze %dma_start3A_278 : memref<1x64xi32, #tpu.memory_space<vmem>> -> memref<64xi32, #tpu.memory_space<vmem>>
    %dma_start3A_280 = tpu.memref_slice %arg6[%dma_start3A_271, %mul3A_267] : memref<2x320000xi32, #tpu.memory_space<hbm>> -> memref<1x64xi32, #tpu.memory_space<hbm>>
    %dma_start3A_281 = tpu.memref_squeeze %dma_start3A_280 : memref<1x64xi32, #tpu.memory_space<hbm>> -> memref<64xi32, #tpu.memory_space<hbm>>
    tpu.enqueue_dma source(%dma_start3A_281 : memref<64xi32, #tpu.memory_space<hbm>>) target(%dma_start3A_279 : memref<64xi32, #tpu.memory_space<vmem>>) target_semaphore(%arg26 : memref<!tpu.dma_semaphore, #tpu.memory_space<semaphore_mem>>)
    %dma_start3A_282 = arith.constant 0 : i32
    %dma_start3A_283 = arith.constant 0 : i32
    %dma_start3A_284 = tpu.memref_slice %arg17[%rem3A_270, %dma_start3A_283] : memref<8x64xi32, #tpu.memory_space<vmem>> -> memref<1x64xi32, #tpu.memory_space<vmem>>
    %dma_start3A_285 = tpu.memref_squeeze %dma_start3A_284 : memref<1x64xi32, #tpu.memory_space<vmem>> -> memref<64xi32, #tpu.memory_space<vmem>>
    %dma_start3A_286 = tpu.memref_slice %arg6[%dma_start3A_282, %mul3A_267] : memref<2x320000xi32, #tpu.memory_space<hbm>> -> memref<1x64xi32, #tpu.memory_space<hbm>>
    %dma_start3A_287 = tpu.memref_squeeze %dma_start3A_286 : memref<1x64xi32, #tpu.memory_space<hbm>> -> memref<64xi32, #tpu.memory_space<hbm>>
    %dma_start3A_288 = arith.constant 0 : i32
    %dma_start3A_289 = tpu.memref_slice %arg17[%rem3A_270, %dma_start3A_288] : memref<8x64xi32, #tpu.memory_space<vmem>> -> memref<1x64xi32, #tpu.memory_space<vmem>>
    %dma_start3A_290 = tpu.memref_squeeze %dma_start3A_289 : memref<1x64xi32, #tpu.memory_space<vmem>> -> memref<64xi32, #tpu.memory_space<vmem>>
    %dma_start3A_291 = tpu.memref_slice %arg6[%dma_start3A_282, %mul3A_267] : memref<2x320000xi32, #tpu.memory_space<hbm>> -> memref<1x64xi32, #tpu.memory_space<hbm>>
    %dma_start3A_292 = tpu.memref_squeeze %dma_start3A_291 : memref<1x64xi32, #tpu.memory_space<hbm>> -> memref<64xi32, #tpu.memory_space<hbm>>
    tpu.enqueue_dma source(%dma_start3A_292 : memref<64xi32, #tpu.memory_space<hbm>>) target(%dma_start3A_290 : memref<64xi32, #tpu.memory_space<vmem>>) target_semaphore(%arg26 : memref<!tpu.dma_semaphore, #tpu.memory_space<semaphore_mem>>)
    %add3A_293 = arith.constant 160 : i32
    %add3A_294 = arith.addi %add3A, %add3A_293 : i32
    %mul3A_295 = arith.constant 64 : i32
    %mul3A_296 = arith.muli %add3A_294, %mul3A_295 : i32
    %rem3A_297 = arith.constant 5 : i32
    %rem3A_298 = arith.constant 8 : i32
    %rem3A_299 = arith.remsi %rem3A_297, %rem3A_298 : i32
    %dma_start3A_300 = arith.constant 1 : i32
    %dma_start3A_301 = arith.constant 0 : i32
    %dma_start3A_302 = tpu.memref_slice %arg14[%rem3A_299, %dma_start3A_301] : memref<8x64xi32, #tpu.memory_space<vmem>> -> memref<1x64xi32, #tpu.memory_space<vmem>>
    %dma_start3A_303 = tpu.memref_squeeze %dma_start3A_302 : memref<1x64xi32, #tpu.memory_space<vmem>> -> memref<64xi32, #tpu.memory_space<vmem>>
    %dma_start3A_304 = tpu.memref_slice %arg5[%dma_start3A_300, %mul3A_296] : memref<2x320000xi32, #tpu.memory_space<hbm>> -> memref<1x64xi32, #tpu.memory_space<hbm>>
    %dma_start3A_305 = tpu.memref_squeeze %dma_start3A_304 : memref<1x64xi32, #tpu.memory_space<hbm>> -> memref<64xi32, #tpu.memory_space<hbm>>
    %dma_start3A_306 = arith.constant 0 : i32
    %dma_start3A_307 = tpu.memref_slice %arg14[%rem3A_299, %dma_start3A_306] : memref<8x64xi32, #tpu.memory_space<vmem>> -> memref<1x64xi32, #tpu.memory_space<vmem>>
    %dma_start3A_308 = tpu.memref_squeeze %dma_start3A_307 : memref<1x64xi32, #tpu.memory_space<vmem>> -> memref<64xi32, #tpu.memory_space<vmem>>
    %dma_start3A_309 = tpu.memref_slice %arg5[%dma_start3A_300, %mul3A_296] : memref<2x320000xi32, #tpu.memory_space<hbm>> -> memref<1x64xi32, #tpu.memory_space<hbm>>
    %dma_start3A_310 = tpu.memref_squeeze %dma_start3A_309 : memref<1x64xi32, #tpu.memory_space<hbm>> -> memref<64xi32, #tpu.memory_space<hbm>>
    tpu.enqueue_dma source(%dma_start3A_310 : memref<64xi32, #tpu.memory_space<hbm>>) target(%dma_start3A_308 : memref<64xi32, #tpu.memory_space<vmem>>) target_semaphore(%arg23 : memref<!tpu.dma_semaphore, #tpu.memory_space<semaphore_mem>>)
    %dma_start3A_311 = arith.constant 0 : i32
    %dma_start3A_312 = arith.constant 0 : i32
    %dma_start3A_313 = tpu.memref_slice %arg15[%rem3A_299, %dma_start3A_312] : memref<8x64xi32, #tpu.memory_space<vmem>> -> memref<1x64xi32, #tpu.memory_space<vmem>>
    %dma_start3A_314 = tpu.memref_squeeze %dma_start3A_313 : memref<1x64xi32, #tpu.memory_space<vmem>> -> memref<64xi32, #tpu.memory_space<vmem>>
    %dma_start3A_315 = tpu.memref_slice %arg5[%dma_start3A_311, %mul3A_296] : memref<2x320000xi32, #tpu.memory_space<hbm>> -> memref<1x64xi32, #tpu.memory_space<hbm>>
    %dma_start3A_316 = tpu.memref_squeeze %dma_start3A_315 : memref<1x64xi32, #tpu.memory_space<hbm>> -> memref<64xi32, #tpu.memory_space<hbm>>
    %dma_start3A_317 = arith.constant 0 : i32
    %dma_start3A_318 = tpu.memref_slice %arg15[%rem3A_299, %dma_start3A_317] : memref<8x64xi32, #tpu.memory_space<vmem>> -> memref<1x64xi32, #tpu.memory_space<vmem>>
    %dma_start3A_319 = tpu.memref_squeeze %dma_start3A_318 : memref<1x64xi32, #tpu.memory_space<vmem>> -> memref<64xi32, #tpu.memory_space<vmem>>
    %dma_start3A_320 = tpu.memref_slice %arg5[%dma_start3A_311, %mul3A_296] : memref<2x320000xi32, #tpu.memory_space<hbm>> -> memref<1x64xi32, #tpu.memory_space<hbm>>
    %dma_start3A_321 = tpu.memref_squeeze %dma_start3A_320 : memref<1x64xi32, #tpu.memory_space<hbm>> -> memref<64xi32, #tpu.memory_space<hbm>>
    tpu.enqueue_dma source(%dma_start3A_321 : memref<64xi32, #tpu.memory_space<hbm>>) target(%dma_start3A_319 : memref<64xi32, #tpu.memory_space<vmem>>) target_semaphore(%arg23 : memref<!tpu.dma_semaphore, #tpu.memory_space<semaphore_mem>>)
    %add3A_322 = arith.constant 160 : i32
    %add3A_323 = arith.addi %add3A, %add3A_322 : i32
    %mul3A_324 = arith.constant 64 : i32
    %mul3A_325 = arith.muli %add3A_323, %mul3A_324 : i32
    %rem3A_326 = arith.constant 5 : i32
    %rem3A_327 = arith.constant 8 : i32
    %rem3A_328 = arith.remsi %rem3A_326, %rem3A_327 : i32
    %dma_start3A_329 = arith.constant 1 : i32
    %dma_start3A_330 = arith.constant 0 : i32
    %dma_start3A_331 = tpu.memref_slice %arg16[%rem3A_328, %dma_start3A_330] : memref<8x64xi32, #tpu.memory_space<vmem>> -> memref<1x64xi32, #tpu.memory_space<vmem>>
    %dma_start3A_332 = tpu.memref_squeeze %dma_start3A_331 : memref<1x64xi32, #tpu.memory_space<vmem>> -> memref<64xi32, #tpu.memory_space<vmem>>
    %dma_start3A_333 = tpu.memref_slice %arg6[%dma_start3A_329, %mul3A_325] : memref<2x320000xi32, #tpu.memory_space<hbm>> -> memref<1x64xi32, #tpu.memory_space<hbm>>
    %dma_start3A_334 = tpu.memref_squeeze %dma_start3A_333 : memref<1x64xi32, #tpu.memory_space<hbm>> -> memref<64xi32, #tpu.memory_space<hbm>>
    %dma_start3A_335 = arith.constant 0 : i32
    %dma_start3A_336 = tpu.memref_slice %arg16[%rem3A_328, %dma_start3A_335] : memref<8x64xi32, #tpu.memory_space<vmem>> -> memref<1x64xi32, #tpu.memory_space<vmem>>
    %dma_start3A_337 = tpu.memref_squeeze %dma_start3A_336 : memref<1x64xi32, #tpu.memory_space<vmem>> -> memref<64xi32, #tpu.memory_space<vmem>>
    %dma_start3A_338 = tpu.memref_slice %arg6[%dma_start3A_329, %mul3A_325] : memref<2x320000xi32, #tpu.memory_space<hbm>> -> memref<1x64xi32, #tpu.memory_space<hbm>>
    %dma_start3A_339 = tpu.memref_squeeze %dma_start3A_338 : memref<1x64xi32, #tpu.memory_space<hbm>> -> memref<64xi32, #tpu.memory_space<hbm>>
    tpu.enqueue_dma source(%dma_start3A_339 : memref<64xi32, #tpu.memory_space<hbm>>) target(%dma_start3A_337 : memref<64xi32, #tpu.memory_space<vmem>>) target_semaphore(%arg26 : memref<!tpu.dma_semaphore, #tpu.memory_space<semaphore_mem>>)
    %dma_start3A_340 = arith.constant 0 : i32
    %dma_start3A_341 = arith.constant 0 : i32
    %dma_start3A_342 = tpu.memref_slice %arg17[%rem3A_328, %dma_start3A_341] : memref<8x64xi32, #tpu.memory_space<vmem>> -> memref<1x64xi32, #tpu.memory_space<vmem>>
    %dma_start3A_343 = tpu.memref_squeeze %dma_start3A_342 : memref<1x64xi32, #tpu.memory_space<vmem>> -> memref<64xi32, #tpu.memory_space<vmem>>
    %dma_start3A_344 = tpu.memref_slice %arg6[%dma_start3A_340, %mul3A_325] : memref<2x320000xi32, #tpu.memory_space<hbm>> -> memref<1x64xi32, #tpu.memory_space<hbm>>
    %dma_start3A_345 = tpu.memref_squeeze %dma_start3A_344 : memref<1x64xi32, #tpu.memory_space<hbm>> -> memref<64xi32, #tpu.memory_space<hbm>>
    %dma_start3A_346 = arith.constant 0 : i32
    %dma_start3A_347 = tpu.memref_slice %arg17[%rem3A_328, %dma_start3A_346] : memref<8x64xi32, #tpu.memory_space<vmem>> -> memref<1x64xi32, #tpu.memory_space<vmem>>
    %dma_start3A_348 = tpu.memref_squeeze %dma_start3A_347 : memref<1x64xi32, #tpu.memory_space<vmem>> -> memref<64xi32, #tpu.memory_space<vmem>>
    %dma_start3A_349 = tpu.memref_slice %arg6[%dma_start3A_340, %mul3A_325] : memref<2x320000xi32, #tpu.memory_space<hbm>> -> memref<1x64xi32, #tpu.memory_space<hbm>>
    %dma_start3A_350 = tpu.memref_squeeze %dma_start3A_349 : memref<1x64xi32, #tpu.memory_space<hbm>> -> memref<64xi32, #tpu.memory_space<hbm>>
    tpu.enqueue_dma source(%dma_start3A_350 : memref<64xi32, #tpu.memory_space<hbm>>) target(%dma_start3A_348 : memref<64xi32, #tpu.memory_space<vmem>>) target_semaphore(%arg26 : memref<!tpu.dma_semaphore, #tpu.memory_space<semaphore_mem>>)
    %add3A_351 = arith.constant 192 : i32
    %add3A_352 = arith.addi %add3A, %add3A_351 : i32
    %mul3A_353 = arith.constant 64 : i32
    %mul3A_354 = arith.muli %add3A_352, %mul3A_353 : i32
    %rem3A_355 = arith.constant 6 : i32
    %rem3A_356 = arith.constant 8 : i32
    %rem3A_357 = arith.remsi %rem3A_355, %rem3A_356 : i32
    %dma_start3A_358 = arith.constant 1 : i32
    %dma_start3A_359 = arith.constant 0 : i32
    %dma_start3A_360 = tpu.memref_slice %arg14[%rem3A_357, %dma_start3A_359] : memref<8x64xi32, #tpu.memory_space<vmem>> -> memref<1x64xi32, #tpu.memory_space<vmem>>
    %dma_start3A_361 = tpu.memref_squeeze %dma_start3A_360 : memref<1x64xi32, #tpu.memory_space<vmem>> -> memref<64xi32, #tpu.memory_space<vmem>>
    %dma_start3A_362 = tpu.memref_slice %arg5[%dma_start3A_358, %mul3A_354] : memref<2x320000xi32, #tpu.memory_space<hbm>> -> memref<1x64xi32, #tpu.memory_space<hbm>>
    %dma_start3A_363 = tpu.memref_squeeze %dma_start3A_362 : memref<1x64xi32, #tpu.memory_space<hbm>> -> memref<64xi32, #tpu.memory_space<hbm>>
    %dma_start3A_364 = arith.constant 0 : i32
    %dma_start3A_365 = tpu.memref_slice %arg14[%rem3A_357, %dma_start3A_364] : memref<8x64xi32, #tpu.memory_space<vmem>> -> memref<1x64xi32, #tpu.memory_space<vmem>>
    %dma_start3A_366 = tpu.memref_squeeze %dma_start3A_365 : memref<1x64xi32, #tpu.memory_space<vmem>> -> memref<64xi32, #tpu.memory_space<vmem>>
    %dma_start3A_367 = tpu.memref_slice %arg5[%dma_start3A_358, %mul3A_354] : memref<2x320000xi32, #tpu.memory_space<hbm>> -> memref<1x64xi32, #tpu.memory_space<hbm>>
    %dma_start3A_368 = tpu.memref_squeeze %dma_start3A_367 : memref<1x64xi32, #tpu.memory_space<hbm>> -> memref<64xi32, #tpu.memory_space<hbm>>
    tpu.enqueue_dma source(%dma_start3A_368 : memref<64xi32, #tpu.memory_space<hbm>>) target(%dma_start3A_366 : memref<64xi32, #tpu.memory_space<vmem>>) target_semaphore(%arg23 : memref<!tpu.dma_semaphore, #tpu.memory_space<semaphore_mem>>)
    %dma_start3A_369 = arith.constant 0 : i32
    %dma_start3A_370 = arith.constant 0 : i32
    %dma_start3A_371 = tpu.memref_slice %arg15[%rem3A_357, %dma_start3A_370] : memref<8x64xi32, #tpu.memory_space<vmem>> -> memref<1x64xi32, #tpu.memory_space<vmem>>
    %dma_start3A_372 = tpu.memref_squeeze %dma_start3A_371 : memref<1x64xi32, #tpu.memory_space<vmem>> -> memref<64xi32, #tpu.memory_space<vmem>>
    %dma_start3A_373 = tpu.memref_slice %arg5[%dma_start3A_369, %mul3A_354] : memref<2x320000xi32, #tpu.memory_space<hbm>> -> memref<1x64xi32, #tpu.memory_space<hbm>>
    %dma_start3A_374 = tpu.memref_squeeze %dma_start3A_373 : memref<1x64xi32, #tpu.memory_space<hbm>> -> memref<64xi32, #tpu.memory_space<hbm>>
    %dma_start3A_375 = arith.constant 0 : i32
    %dma_start3A_376 = tpu.memref_slice %arg15[%rem3A_357, %dma_start3A_375] : memref<8x64xi32, #tpu.memory_space<vmem>> -> memref<1x64xi32, #tpu.memory_space<vmem>>
    %dma_start3A_377 = tpu.memref_squeeze %dma_start3A_376 : memref<1x64xi32, #tpu.memory_space<vmem>> -> memref<64xi32, #tpu.memory_space<vmem>>
    %dma_start3A_378 = tpu.memref_slice %arg5[%dma_start3A_369, %mul3A_354] : memref<2x320000xi32, #tpu.memory_space<hbm>> -> memref<1x64xi32, #tpu.memory_space<hbm>>
    %dma_start3A_379 = tpu.memref_squeeze %dma_start3A_378 : memref<1x64xi32, #tpu.memory_space<hbm>> -> memref<64xi32, #tpu.memory_space<hbm>>
    tpu.enqueue_dma source(%dma_start3A_379 : memref<64xi32, #tpu.memory_space<hbm>>) target(%dma_start3A_377 : memref<64xi32, #tpu.memory_space<vmem>>) target_semaphore(%arg23 : memref<!tpu.dma_semaphore, #tpu.memory_space<semaphore_mem>>)
    %add3A_380 = arith.constant 192 : i32
    %add3A_381 = arith.addi %add3A, %add3A_380 : i32
    %mul3A_382 = arith.constant 64 : i32
    %mul3A_383 = arith.muli %add3A_381, %mul3A_382 : i32
    %rem3A_384 = arith.constant 6 : i32
    %rem3A_385 = arith.constant 8 : i32
    %rem3A_386 = arith.remsi %rem3A_384, %rem3A_385 : i32
    %dma_start3A_387 = arith.constant 1 : i32
    %dma_start3A_388 = arith.constant 0 : i32
    %dma_start3A_389 = tpu.memref_slice %arg16[%rem3A_386, %dma_start3A_388] : memref<8x64xi32, #tpu.memory_space<vmem>> -> memref<1x64xi32, #tpu.memory_space<vmem>>
    %dma_start3A_390 = tpu.memref_squeeze %dma_start3A_389 : memref<1x64xi32, #tpu.memory_space<vmem>> -> memref<64xi32, #tpu.memory_space<vmem>>
    %dma_start3A_391 = tpu.memref_slice %arg6[%dma_start3A_387, %mul3A_383] : memref<2x320000xi32, #tpu.memory_space<hbm>> -> memref<1x64xi32, #tpu.memory_space<hbm>>
    %dma_start3A_392 = tpu.memref_squeeze %dma_start3A_391 : memref<1x64xi32, #tpu.memory_space<hbm>> -> memref<64xi32, #tpu.memory_space<hbm>>
    %dma_start3A_393 = arith.constant 0 : i32
    %dma_start3A_394 = tpu.memref_slice %arg16[%rem3A_386, %dma_start3A_393] : memref<8x64xi32, #tpu.memory_space<vmem>> -> memref<1x64xi32, #tpu.memory_space<vmem>>
    %dma_start3A_395 = tpu.memref_squeeze %dma_start3A_394 : memref<1x64xi32, #tpu.memory_space<vmem>> -> memref<64xi32, #tpu.memory_space<vmem>>
    %dma_start3A_396 = tpu.memref_slice %arg6[%dma_start3A_387, %mul3A_383] : memref<2x320000xi32, #tpu.memory_space<hbm>> -> memref<1x64xi32, #tpu.memory_space<hbm>>
    %dma_start3A_397 = tpu.memref_squeeze %dma_start3A_396 : memref<1x64xi32, #tpu.memory_space<hbm>> -> memref<64xi32, #tpu.memory_space<hbm>>
    tpu.enqueue_dma source(%dma_start3A_397 : memref<64xi32, #tpu.memory_space<hbm>>) target(%dma_start3A_395 : memref<64xi32, #tpu.memory_space<vmem>>) target_semaphore(%arg26 : memref<!tpu.dma_semaphore, #tpu.memory_space<semaphore_mem>>)
    %dma_start3A_398 = arith.constant 0 : i32
    %dma_start3A_399 = arith.constant 0 : i32
    %dma_start3A_400 = tpu.memref_slice %arg17[%rem3A_386, %dma_start3A_399] : memref<8x64xi32, #tpu.memory_space<vmem>> -> memref<1x64xi32, #tpu.memory_space<vmem>>
    %dma_start3A_401 = tpu.memref_squeeze %dma_start3A_400 : memref<1x64xi32, #tpu.memory_space<vmem>> -> memref<64xi32, #tpu.memory_space<vmem>>
    %dma_start3A_402 = tpu.memref_slice %arg6[%dma_start3A_398, %mul3A_383] : memref<2x320000xi32, #tpu.memory_space<hbm>> -> memref<1x64xi32, #tpu.memory_space<hbm>>
    %dma_start3A_403 = tpu.memref_squeeze %dma_start3A_402 : memref<1x64xi32, #tpu.memory_space<hbm>> -> memref<64xi32, #tpu.memory_space<hbm>>
    %dma_start3A_404 = arith.constant 0 : i32
    %dma_start3A_405 = tpu.memref_slice %arg17[%rem3A_386, %dma_start3A_404] : memref<8x64xi32, #tpu.memory_space<vmem>> -> memref<1x64xi32, #tpu.memory_space<vmem>>
    %dma_start3A_406 = tpu.memref_squeeze %dma_start3A_405 : memref<1x64xi32, #tpu.memory_space<vmem>> -> memref<64xi32, #tpu.memory_space<vmem>>
    %dma_start3A_407 = tpu.memref_slice %arg6[%dma_start3A_398, %mul3A_383] : memref<2x320000xi32, #tpu.memory_space<hbm>> -> memref<1x64xi32, #tpu.memory_space<hbm>>
    %dma_start3A_408 = tpu.memref_squeeze %dma_start3A_407 : memref<1x64xi32, #tpu.memory_space<hbm>> -> memref<64xi32, #tpu.memory_space<hbm>>
    tpu.enqueue_dma source(%dma_start3A_408 : memref<64xi32, #tpu.memory_space<hbm>>) target(%dma_start3A_406 : memref<64xi32, #tpu.memory_space<vmem>>) target_semaphore(%arg26 : memref<!tpu.dma_semaphore, #tpu.memory_space<semaphore_mem>>)
    %add3A_409 = arith.constant 224 : i32
    %add3A_410 = arith.addi %add3A, %add3A_409 : i32
    %mul3A_411 = arith.constant 64 : i32
    %mul3A_412 = arith.muli %add3A_410, %mul3A_411 : i32
    %rem3A_413 = arith.constant 7 : i32
    %rem3A_414 = arith.constant 8 : i32
    %rem3A_415 = arith.remsi %rem3A_413, %rem3A_414 : i32
    %dma_start3A_416 = arith.constant 1 : i32
    %dma_start3A_417 = arith.constant 0 : i32
    %dma_start3A_418 = tpu.memref_slice %arg14[%rem3A_415, %dma_start3A_417] : memref<8x64xi32, #tpu.memory_space<vmem>> -> memref<1x64xi32, #tpu.memory_space<vmem>>
    %dma_start3A_419 = tpu.memref_squeeze %dma_start3A_418 : memref<1x64xi32, #tpu.memory_space<vmem>> -> memref<64xi32, #tpu.memory_space<vmem>>
    %dma_start3A_420 = tpu.memref_slice %arg5[%dma_start3A_416, %mul3A_412] : memref<2x320000xi32, #tpu.memory_space<hbm>> -> memref<1x64xi32, #tpu.memory_space<hbm>>
    %dma_start3A_421 = tpu.memref_squeeze %dma_start3A_420 : memref<1x64xi32, #tpu.memory_space<hbm>> -> memref<64xi32, #tpu.memory_space<hbm>>
    %dma_start3A_422 = arith.constant 0 : i32
    %dma_start3A_423 = tpu.memref_slice %arg14[%rem3A_415, %dma_start3A_422] : memref<8x64xi32, #tpu.memory_space<vmem>> -> memref<1x64xi32, #tpu.memory_space<vmem>>
    %dma_start3A_424 = tpu.memref_squeeze %dma_start3A_423 : memref<1x64xi32, #tpu.memory_space<vmem>> -> memref<64xi32, #tpu.memory_space<vmem>>
    %dma_start3A_425 = tpu.memref_slice %arg5[%dma_start3A_416, %mul3A_412] : memref<2x320000xi32, #tpu.memory_space<hbm>> -> memref<1x64xi32, #tpu.memory_space<hbm>>
    %dma_start3A_426 = tpu.memref_squeeze %dma_start3A_425 : memref<1x64xi32, #tpu.memory_space<hbm>> -> memref<64xi32, #tpu.memory_space<hbm>>
    tpu.enqueue_dma source(%dma_start3A_426 : memref<64xi32, #tpu.memory_space<hbm>>) target(%dma_start3A_424 : memref<64xi32, #tpu.memory_space<vmem>>) target_semaphore(%arg23 : memref<!tpu.dma_semaphore, #tpu.memory_space<semaphore_mem>>)
    %dma_start3A_427 = arith.constant 0 : i32
    %dma_start3A_428 = arith.constant 0 : i32
    %dma_start3A_429 = tpu.memref_slice %arg15[%rem3A_415, %dma_start3A_428] : memref<8x64xi32, #tpu.memory_space<vmem>> -> memref<1x64xi32, #tpu.memory_space<vmem>>
    %dma_start3A_430 = tpu.memref_squeeze %dma_start3A_429 : memref<1x64xi32, #tpu.memory_space<vmem>> -> memref<64xi32, #tpu.memory_space<vmem>>
    %dma_start3A_431 = tpu.memref_slice %arg5[%dma_start3A_427, %mul3A_412] : memref<2x320000xi32, #tpu.memory_space<hbm>> -> memref<1x64xi32, #tpu.memory_space<hbm>>
    %dma_start3A_432 = tpu.memref_squeeze %dma_start3A_431 : memref<1x64xi32, #tpu.memory_space<hbm>> -> memref<64xi32, #tpu.memory_space<hbm>>
    %dma_start3A_433 = arith.constant 0 : i32
    %dma_start3A_434 = tpu.memref_slice %arg15[%rem3A_415, %dma_start3A_433] : memref<8x64xi32, #tpu.memory_space<vmem>> -> memref<1x64xi32, #tpu.memory_space<vmem>>
    %dma_start3A_435 = tpu.memref_squeeze %dma_start3A_434 : memref<1x64xi32, #tpu.memory_space<vmem>> -> memref<64xi32, #tpu.memory_space<vmem>>
    %dma_start3A_436 = tpu.memref_slice %arg5[%dma_start3A_427, %mul3A_412] : memref<2x320000xi32, #tpu.memory_space<hbm>> -> memref<1x64xi32, #tpu.memory_space<hbm>>
    %dma_start3A_437 = tpu.memref_squeeze %dma_start3A_436 : memref<1x64xi32, #tpu.memory_space<hbm>> -> memref<64xi32, #tpu.memory_space<hbm>>
    tpu.enqueue_dma source(%dma_start3A_437 : memref<64xi32, #tpu.memory_space<hbm>>) target(%dma_start3A_435 : memref<64xi32, #tpu.memory_space<vmem>>) target_semaphore(%arg23 : memref<!tpu.dma_semaphore, #tpu.memory_space<semaphore_mem>>)
    %add3A_438 = arith.constant 224 : i32
    %add3A_439 = arith.addi %add3A, %add3A_438 : i32
    %mul3A_440 = arith.constant 64 : i32
    %mul3A_441 = arith.muli %add3A_439, %mul3A_440 : i32
    %rem3A_442 = arith.constant 7 : i32
    %rem3A_443 = arith.constant 8 : i32
    %rem3A_444 = arith.remsi %rem3A_442, %rem3A_443 : i32
    %dma_start3A_445 = arith.constant 1 : i32
    %dma_start3A_446 = arith.constant 0 : i32
    %dma_start3A_447 = tpu.memref_slice %arg16[%rem3A_444, %dma_start3A_446] : memref<8x64xi32, #tpu.memory_space<vmem>> -> memref<1x64xi32, #tpu.memory_space<vmem>>
    %dma_start3A_448 = tpu.memref_squeeze %dma_start3A_447 : memref<1x64xi32, #tpu.memory_space<vmem>> -> memref<64xi32, #tpu.memory_space<vmem>>
    %dma_start3A_449 = tpu.memref_slice %arg6[%dma_start3A_445, %mul3A_441] : memref<2x320000xi32, #tpu.memory_space<hbm>> -> memref<1x64xi32, #tpu.memory_space<hbm>>
    %dma_start3A_450 = tpu.memref_squeeze %dma_start3A_449 : memref<1x64xi32, #tpu.memory_space<hbm>> -> memref<64xi32, #tpu.memory_space<hbm>>
    %dma_start3A_451 = arith.constant 0 : i32
    %dma_start3A_452 = tpu.memref_slice %arg16[%rem3A_444, %dma_start3A_451] : memref<8x64xi32, #tpu.memory_space<vmem>> -> memref<1x64xi32, #tpu.memory_space<vmem>>
    %dma_start3A_453 = tpu.memref_squeeze %dma_start3A_452 : memref<1x64xi32, #tpu.memory_space<vmem>> -> memref<64xi32, #tpu.memory_space<vmem>>
    %dma_start3A_454 = tpu.memref_slice %arg6[%dma_start3A_445, %mul3A_441] : memref<2x320000xi32, #tpu.memory_space<hbm>> -> memref<1x64xi32, #tpu.memory_space<hbm>>
    %dma_start3A_455 = tpu.memref_squeeze %dma_start3A_454 : memref<1x64xi32, #tpu.memory_space<hbm>> -> memref<64xi32, #tpu.memory_space<hbm>>
    tpu.enqueue_dma source(%dma_start3A_455 : memref<64xi32, #tpu.memory_space<hbm>>) target(%dma_start3A_453 : memref<64xi32, #tpu.memory_space<vmem>>) target_semaphore(%arg26 : memref<!tpu.dma_semaphore, #tpu.memory_space<semaphore_mem>>)
    %dma_start3A_456 = arith.constant 0 : i32
    %dma_start3A_457 = arith.constant 0 : i32
    %dma_start3A_458 = tpu.memref_slice %arg17[%rem3A_444, %dma_start3A_457] : memref<8x64xi32, #tpu.memory_space<vmem>> -> memref<1x64xi32, #tpu.memory_space<vmem>>
    %dma_start3A_459 = tpu.memref_squeeze %dma_start3A_458 : memref<1x64xi32, #tpu.memory_space<vmem>> -> memref<64xi32, #tpu.memory_space<vmem>>
    %dma_start3A_460 = tpu.memref_slice %arg6[%dma_start3A_456, %mul3A_441] : memref<2x320000xi32, #tpu.memory_space<hbm>> -> memref<1x64xi32, #tpu.memory_space<hbm>>
    %dma_start3A_461 = tpu.memref_squeeze %dma_start3A_460 : memref<1x64xi32, #tpu.memory_space<hbm>> -> memref<64xi32, #tpu.memory_space<hbm>>
    %dma_start3A_462 = arith.constant 0 : i32
    %dma_start3A_463 = tpu.memref_slice %arg17[%rem3A_444, %dma_start3A_462] : memref<8x64xi32, #tpu.memory_space<vmem>> -> memref<1x64xi32, #tpu.memory_space<vmem>>
    %dma_start3A_464 = tpu.memref_squeeze %dma_start3A_463 : memref<1x64xi32, #tpu.memory_space<vmem>> -> memref<64xi32, #tpu.memory_space<vmem>>
    %dma_start3A_465 = tpu.memref_slice %arg6[%dma_start3A_456, %mul3A_441] : memref<2x320000xi32, #tpu.memory_space<hbm>> -> memref<1x64xi32, #tpu.memory_space<hbm>>
    %dma_start3A_466 = tpu.memref_squeeze %dma_start3A_465 : memref<1x64xi32, #tpu.memory_space<hbm>> -> memref<64xi32, #tpu.memory_space<hbm>>
    tpu.enqueue_dma source(%dma_start3A_466 : memref<64xi32, #tpu.memory_space<hbm>>) target(%dma_start3A_464 : memref<64xi32, #tpu.memory_space<vmem>>) target_semaphore(%arg26 : memref<!tpu.dma_semaphore, #tpu.memory_space<semaphore_mem>>)
    %add3A_467 = arith.constant 0 : i32
    %add3A_468 = arith.addi %add3A, %add3A_467 : i32
    %lt3A = arith.constant 156 : i32
    %lt3A_469 = arith.cmpi slt, %add3A_468, %lt3A : i32
    %convert_element_type3A = arith.extui %lt3A_469 : i1 to i32
    %cond3A = arith.constant 0 : i32
    %cond3A_470 = arith.cmpi ne, %convert_element_type3A, %cond3A : i32
    scf.if %cond3A_470 {
      %add3A_535 = arith.constant 0 : i32
      %add3A_536 = arith.addi %add3A, %add3A_535 : i32
      %mul3A_537 = arith.constant 64 : i32
      %mul3A_538 = arith.muli %add3A_536, %mul3A_537 : i32
      %dma_start3A_539 = arith.constant 0 : i32
      %dma_start3A_540 = arith.constant 0 : i32
      %dma_start3A_541 = tpu.memref_slice %arg21[%dma_start3A_539, %dma_start3A_540] : memref<5x64xi32, #tpu.memory_space<vmem>> -> memref<1x64xi32, #tpu.memory_space<vmem>>
      %dma_start3A_542 = tpu.memref_squeeze %dma_start3A_541 : memref<1x64xi32, #tpu.memory_space<vmem>> -> memref<64xi32, #tpu.memory_space<vmem>>
      %dma_start3A_543 = tpu.memref_slice %arg4[%mul3A_538] : memref<10000xi32, #tpu.memory_space<hbm>> -> memref<64xi32, #tpu.memory_space<hbm>>
      %dma_start3A_544 = arith.constant 0 : i32
      %dma_start3A_545 = tpu.memref_slice %arg21[%dma_start3A_539, %dma_start3A_544] : memref<5x64xi32, #tpu.memory_space<vmem>> -> memref<1x64xi32, #tpu.memory_space<vmem>>
      %dma_start3A_546 = tpu.memref_squeeze %dma_start3A_545 : memref<1x64xi32, #tpu.memory_space<vmem>> -> memref<64xi32, #tpu.memory_space<vmem>>
      %dma_start3A_547 = tpu.memref_slice %arg4[%mul3A_538] : memref<10000xi32, #tpu.memory_space<hbm>> -> memref<64xi32, #tpu.memory_space<hbm>>
      tpu.enqueue_dma source(%dma_start3A_547 : memref<64xi32, #tpu.memory_space<hbm>>) target(%dma_start3A_546 : memref<64xi32, #tpu.memory_space<vmem>>) target_semaphore(%arg29 : memref<!tpu.dma_semaphore, #tpu.memory_space<semaphore_mem>>)
    } else {
    }
    %add3A_471 = arith.constant 32 : i32
    %add3A_472 = arith.addi %add3A, %add3A_471 : i32
    %lt3A_473 = arith.constant 156 : i32
    %lt3A_474 = arith.cmpi slt, %add3A_472, %lt3A_473 : i32
    %convert_element_type3A_475 = arith.extui %lt3A_474 : i1 to i32
    %cond3A_476 = arith.constant 0 : i32
    %cond3A_477 = arith.cmpi ne, %convert_element_type3A_475, %cond3A_476 : i32
    scf.if %cond3A_477 {
      %add3A_535 = arith.constant 32 : i32
      %add3A_536 = arith.addi %add3A, %add3A_535 : i32
      %mul3A_537 = arith.constant 64 : i32
      %mul3A_538 = arith.muli %add3A_536, %mul3A_537 : i32
      %dma_start3A_539 = arith.constant 1 : i32
      %dma_start3A_540 = arith.constant 0 : i32
      %dma_start3A_541 = tpu.memref_slice %arg21[%dma_start3A_539, %dma_start3A_540] : memref<5x64xi32, #tpu.memory_space<vmem>> -> memref<1x64xi32, #tpu.memory_space<vmem>>
      %dma_start3A_542 = tpu.memref_squeeze %dma_start3A_541 : memref<1x64xi32, #tpu.memory_space<vmem>> -> memref<64xi32, #tpu.memory_space<vmem>>
      %dma_start3A_543 = tpu.memref_slice %arg4[%mul3A_538] : memref<10000xi32, #tpu.memory_space<hbm>> -> memref<64xi32, #tpu.memory_space<hbm>>
      %dma_start3A_544 = arith.constant 0 : i32
      %dma_start3A_545 = tpu.memref_slice %arg21[%dma_start3A_539, %dma_start3A_544] : memref<5x64xi32, #tpu.memory_space<vmem>> -> memref<1x64xi32, #tpu.memory_space<vmem>>
      %dma_start3A_546 = tpu.memref_squeeze %dma_start3A_545 : memref<1x64xi32, #tpu.memory_space<vmem>> -> memref<64xi32, #tpu.memory_space<vmem>>
      %dma_start3A_547 = tpu.memref_slice %arg4[%mul3A_538] : memref<10000xi32, #tpu.memory_space<hbm>> -> memref<64xi32, #tpu.memory_space<hbm>>
      tpu.enqueue_dma source(%dma_start3A_547 : memref<64xi32, #tpu.memory_space<hbm>>) target(%dma_start3A_546 : memref<64xi32, #tpu.memory_space<vmem>>) target_semaphore(%arg29 : memref<!tpu.dma_semaphore, #tpu.memory_space<semaphore_mem>>)
    } else {
    }
    %add3A_478 = arith.constant 64 : i32
    %add3A_479 = arith.addi %add3A, %add3A_478 : i32
    %lt3A_480 = arith.constant 156 : i32
    %lt3A_481 = arith.cmpi slt, %add3A_479, %lt3A_480 : i32
    %convert_element_type3A_482 = arith.extui %lt3A_481 : i1 to i32
    %cond3A_483 = arith.constant 0 : i32
    %cond3A_484 = arith.cmpi ne, %convert_element_type3A_482, %cond3A_483 : i32
    scf.if %cond3A_484 {
      %add3A_535 = arith.constant 64 : i32
      %add3A_536 = arith.addi %add3A, %add3A_535 : i32
      %mul3A_537 = arith.constant 64 : i32
      %mul3A_538 = arith.muli %add3A_536, %mul3A_537 : i32
      %dma_start3A_539 = arith.constant 2 : i32
      %dma_start3A_540 = arith.constant 0 : i32
      %dma_start3A_541 = tpu.memref_slice %arg21[%dma_start3A_539, %dma_start3A_540] : memref<5x64xi32, #tpu.memory_space<vmem>> -> memref<1x64xi32, #tpu.memory_space<vmem>>
      %dma_start3A_542 = tpu.memref_squeeze %dma_start3A_541 : memref<1x64xi32, #tpu.memory_space<vmem>> -> memref<64xi32, #tpu.memory_space<vmem>>
      %dma_start3A_543 = tpu.memref_slice %arg4[%mul3A_538] : memref<10000xi32, #tpu.memory_space<hbm>> -> memref<64xi32, #tpu.memory_space<hbm>>
      %dma_start3A_544 = arith.constant 0 : i32
      %dma_start3A_545 = tpu.memref_slice %arg21[%dma_start3A_539, %dma_start3A_544] : memref<5x64xi32, #tpu.memory_space<vmem>> -> memref<1x64xi32, #tpu.memory_space<vmem>>
      %dma_start3A_546 = tpu.memref_squeeze %dma_start3A_545 : memref<1x64xi32, #tpu.memory_space<vmem>> -> memref<64xi32, #tpu.memory_space<vmem>>
      %dma_start3A_547 = tpu.memref_slice %arg4[%mul3A_538] : memref<10000xi32, #tpu.memory_space<hbm>> -> memref<64xi32, #tpu.memory_space<hbm>>
      tpu.enqueue_dma source(%dma_start3A_547 : memref<64xi32, #tpu.memory_space<hbm>>) target(%dma_start3A_546 : memref<64xi32, #tpu.memory_space<vmem>>) target_semaphore(%arg29 : memref<!tpu.dma_semaphore, #tpu.memory_space<semaphore_mem>>)
    } else {
    }
    %add3A_485 = arith.constant 96 : i32
    %add3A_486 = arith.addi %add3A, %add3A_485 : i32
    %lt3A_487 = arith.constant 156 : i32
    %lt3A_488 = arith.cmpi slt, %add3A_486, %lt3A_487 : i32
    %convert_element_type3A_489 = arith.extui %lt3A_488 : i1 to i32
    %cond3A_490 = arith.constant 0 : i32
    %cond3A_491 = arith.cmpi ne, %convert_element_type3A_489, %cond3A_490 : i32
    scf.if %cond3A_491 {
      %add3A_535 = arith.constant 96 : i32
      %add3A_536 = arith.addi %add3A, %add3A_535 : i32
      %mul3A_537 = arith.constant 64 : i32
      %mul3A_538 = arith.muli %add3A_536, %mul3A_537 : i32
      %dma_start3A_539 = arith.constant 3 : i32
      %dma_start3A_540 = arith.constant 0 : i32
      %dma_start3A_541 = tpu.memref_slice %arg21[%dma_start3A_539, %dma_start3A_540] : memref<5x64xi32, #tpu.memory_space<vmem>> -> memref<1x64xi32, #tpu.memory_space<vmem>>
      %dma_start3A_542 = tpu.memref_squeeze %dma_start3A_541 : memref<1x64xi32, #tpu.memory_space<vmem>> -> memref<64xi32, #tpu.memory_space<vmem>>
      %dma_start3A_543 = tpu.memref_slice %arg4[%mul3A_538] : memref<10000xi32, #tpu.memory_space<hbm>> -> memref<64xi32, #tpu.memory_space<hbm>>
      %dma_start3A_544 = arith.constant 0 : i32
      %dma_start3A_545 = tpu.memref_slice %arg21[%dma_start3A_539, %dma_start3A_544] : memref<5x64xi32, #tpu.memory_space<vmem>> -> memref<1x64xi32, #tpu.memory_space<vmem>>
      %dma_start3A_546 = tpu.memref_squeeze %dma_start3A_545 : memref<1x64xi32, #tpu.memory_space<vmem>> -> memref<64xi32, #tpu.memory_space<vmem>>
      %dma_start3A_547 = tpu.memref_slice %arg4[%mul3A_538] : memref<10000xi32, #tpu.memory_space<hbm>> -> memref<64xi32, #tpu.memory_space<hbm>>
      tpu.enqueue_dma source(%dma_start3A_547 : memref<64xi32, #tpu.memory_space<hbm>>) target(%dma_start3A_546 : memref<64xi32, #tpu.memory_space<vmem>>) target_semaphore(%arg29 : memref<!tpu.dma_semaphore, #tpu.memory_space<semaphore_mem>>)
    } else {
    }
    %add3A_492 = arith.constant 128 : i32
    %add3A_493 = arith.addi %add3A, %add3A_492 : i32
    %lt3A_494 = arith.constant 156 : i32
    %lt3A_495 = arith.cmpi slt, %add3A_493, %lt3A_494 : i32
    %convert_element_type3A_496 = arith.extui %lt3A_495 : i1 to i32
    %cond3A_497 = arith.constant 0 : i32
    %cond3A_498 = arith.cmpi ne, %convert_element_type3A_496, %cond3A_497 : i32
    scf.if %cond3A_498 {
      %add3A_535 = arith.constant 128 : i32
      %add3A_536 = arith.addi %add3A, %add3A_535 : i32
      %mul3A_537 = arith.constant 64 : i32
      %mul3A_538 = arith.muli %add3A_536, %mul3A_537 : i32
      %dma_start3A_539 = arith.constant 4 : i32
      %dma_start3A_540 = arith.constant 0 : i32
      %dma_start3A_541 = tpu.memref_slice %arg21[%dma_start3A_539, %dma_start3A_540] : memref<5x64xi32, #tpu.memory_space<vmem>> -> memref<1x64xi32, #tpu.memory_space<vmem>>
      %dma_start3A_542 = tpu.memref_squeeze %dma_start3A_541 : memref<1x64xi32, #tpu.memory_space<vmem>> -> memref<64xi32, #tpu.memory_space<vmem>>
      %dma_start3A_543 = tpu.memref_slice %arg4[%mul3A_538] : memref<10000xi32, #tpu.memory_space<hbm>> -> memref<64xi32, #tpu.memory_space<hbm>>
      %dma_start3A_544 = arith.constant 0 : i32
      %dma_start3A_545 = tpu.memref_slice %arg21[%dma_start3A_539, %dma_start3A_544] : memref<5x64xi32, #tpu.memory_space<vmem>> -> memref<1x64xi32, #tpu.memory_space<vmem>>
      %dma_start3A_546 = tpu.memref_squeeze %dma_start3A_545 : memref<1x64xi32, #tpu.memory_space<vmem>> -> memref<64xi32, #tpu.memory_space<vmem>>
      %dma_start3A_547 = tpu.memref_slice %arg4[%mul3A_538] : memref<10000xi32, #tpu.memory_space<hbm>> -> memref<64xi32, #tpu.memory_space<hbm>>
      tpu.enqueue_dma source(%dma_start3A_547 : memref<64xi32, #tpu.memory_space<hbm>>) target(%dma_start3A_546 : memref<64xi32, #tpu.memory_space<vmem>>) target_semaphore(%arg29 : memref<!tpu.dma_semaphore, #tpu.memory_space<semaphore_mem>>)
    } else {
    }
    %scan3A_499 = arith.constant 0 : i32
    %scan3A_500 = arith.constant 157 : i32
    %scan3A_501 = arith.addi %scan3A_499, %scan3A_500 : i32
    %scan3A_502 = arith.constant 1 : i32
    scf.for %scan3A_535 = %scan3A_499 to %scan3A_501 step %scan3A_502  : i32 {
      %mul3A_536 = arith.constant 32 : i32
      %mul3A_537 = arith.muli %mul3A_536, %scan3A_535 : i32
      %add3A_538 = arith.addi %add3A, %mul3A_537 : i32
      %lt3A_539 = arith.constant 5000 : i32
      %lt3A_540 = arith.cmpi slt, %add3A_538, %lt3A_539 : i32
      %convert_element_type3A_541 = arith.extui %lt3A_540 : i1 to i32
      %cond3A_542 = arith.constant 0 : i32
      %cond3A_543 = arith.cmpi ne, %convert_element_type3A_541, %cond3A_542 : i32
      scf.if %cond3A_543 {
        %dma_wait3A = arith.constant 1 : i32
        %dma_wait3A_643 = arith.constant 0 : i32
        %dma_wait3A_644 = arith.constant 0 : i32
        %dma_wait3A_645 = tpu.memref_slice %arg14[%dma_wait3A_643, %dma_wait3A_644] : memref<8x64xi32, #tpu.memory_space<vmem>> -> memref<1x64xi32, #tpu.memory_space<vmem>>
        %dma_wait3A_646 = tpu.memref_squeeze %dma_wait3A_645 : memref<1x64xi32, #tpu.memory_space<vmem>> -> memref<64xi32, #tpu.memory_space<vmem>>
        %dma_wait3A_647 = arith.constant 0 : i32
        %dma_wait3A_648 = tpu.memref_slice %arg5[%dma_wait3A, %dma_wait3A_647] : memref<2x320000xi32, #tpu.memory_space<hbm>> -> memref<1x64xi32, #tpu.memory_space<hbm>>
        %dma_wait3A_649 = tpu.memref_squeeze %dma_wait3A_648 : memref<1x64xi32, #tpu.memory_space<hbm>> -> memref<64xi32, #tpu.memory_space<hbm>>
        %dma_wait3A_650 = arith.constant 0 : i32
        %dma_wait3A_651 = tpu.memref_slice %arg14[%dma_wait3A_643, %dma_wait3A_650] : memref<8x64xi32, #tpu.memory_space<vmem>> -> memref<1x64xi32, #tpu.memory_space<vmem>>
        %dma_wait3A_652 = tpu.memref_squeeze %dma_wait3A_651 : memref<1x64xi32, #tpu.memory_space<vmem>> -> memref<64xi32, #tpu.memory_space<vmem>>
        %dma_wait3A_653 = arith.constant 0 : i32
        %dma_wait3A_654 = tpu.memref_slice %arg5[%dma_wait3A, %dma_wait3A_653] : memref<2x320000xi32, #tpu.memory_space<hbm>> -> memref<1x64xi32, #tpu.memory_space<hbm>>
        %dma_wait3A_655 = tpu.memref_squeeze %dma_wait3A_654 : memref<1x64xi32, #tpu.memory_space<hbm>> -> memref<64xi32, #tpu.memory_space<hbm>>
        tpu.wait_dma2 semaphore(%arg23 : memref<!tpu.dma_semaphore, #tpu.memory_space<semaphore_mem>>) src(%dma_wait3A_655 : memref<64xi32, #tpu.memory_space<hbm>>) dst(%dma_wait3A_652 : memref<64xi32, #tpu.memory_space<vmem>>)
        %dma_wait3A_656 = arith.constant 0 : i32
        %dma_wait3A_657 = arith.constant 0 : i32
        %dma_wait3A_658 = arith.constant 0 : i32
        %dma_wait3A_659 = tpu.memref_slice %arg15[%dma_wait3A_657, %dma_wait3A_658] : memref<8x64xi32, #tpu.memory_space<vmem>> -> memref<1x64xi32, #tpu.memory_space<vmem>>
        %dma_wait3A_660 = tpu.memref_squeeze %dma_wait3A_659 : memref<1x64xi32, #tpu.memory_space<vmem>> -> memref<64xi32, #tpu.memory_space<vmem>>
        %dma_wait3A_661 = arith.constant 0 : i32
        %dma_wait3A_662 = tpu.memref_slice %arg5[%dma_wait3A_656, %dma_wait3A_661] : memref<2x320000xi32, #tpu.memory_space<hbm>> -> memref<1x64xi32, #tpu.memory_space<hbm>>
        %dma_wait3A_663 = tpu.memref_squeeze %dma_wait3A_662 : memref<1x64xi32, #tpu.memory_space<hbm>> -> memref<64xi32, #tpu.memory_space<hbm>>
        %dma_wait3A_664 = arith.constant 0 : i32
        %dma_wait3A_665 = tpu.memref_slice %arg15[%dma_wait3A_657, %dma_wait3A_664] : memref<8x64xi32, #tpu.memory_space<vmem>> -> memref<1x64xi32, #tpu.memory_space<vmem>>
        %dma_wait3A_666 = tpu.memref_squeeze %dma_wait3A_665 : memref<1x64xi32, #tpu.memory_space<vmem>> -> memref<64xi32, #tpu.memory_space<vmem>>
        %dma_wait3A_667 = arith.constant 0 : i32
        %dma_wait3A_668 = tpu.memref_slice %arg5[%dma_wait3A_656, %dma_wait3A_667] : memref<2x320000xi32, #tpu.memory_space<hbm>> -> memref<1x64xi32, #tpu.memory_space<hbm>>
        %dma_wait3A_669 = tpu.memref_squeeze %dma_wait3A_668 : memref<1x64xi32, #tpu.memory_space<hbm>> -> memref<64xi32, #tpu.memory_space<hbm>>
        tpu.wait_dma2 semaphore(%arg23 : memref<!tpu.dma_semaphore, #tpu.memory_space<semaphore_mem>>) src(%dma_wait3A_669 : memref<64xi32, #tpu.memory_space<hbm>>) dst(%dma_wait3A_666 : memref<64xi32, #tpu.memory_space<vmem>>)
        %dma_wait3A_670 = arith.constant 1 : i32
        %dma_wait3A_671 = arith.constant 0 : i32
        %dma_wait3A_672 = arith.constant 0 : i32
        %dma_wait3A_673 = tpu.memref_slice %arg16[%dma_wait3A_671, %dma_wait3A_672] : memref<8x64xi32, #tpu.memory_space<vmem>> -> memref<1x64xi32, #tpu.memory_space<vmem>>
        %dma_wait3A_674 = tpu.memref_squeeze %dma_wait3A_673 : memref<1x64xi32, #tpu.memory_space<vmem>> -> memref<64xi32, #tpu.memory_space<vmem>>
        %dma_wait3A_675 = arith.constant 0 : i32
        %dma_wait3A_676 = tpu.memref_slice %arg6[%dma_wait3A_670, %dma_wait3A_675] : memref<2x320000xi32, #tpu.memory_space<hbm>> -> memref<1x64xi32, #tpu.memory_space<hbm>>
        %dma_wait3A_677 = tpu.memref_squeeze %dma_wait3A_676 : memref<1x64xi32, #tpu.memory_space<hbm>> -> memref<64xi32, #tpu.memory_space<hbm>>
        %dma_wait3A_678 = arith.constant 0 : i32
        %dma_wait3A_679 = tpu.memref_slice %arg16[%dma_wait3A_671, %dma_wait3A_678] : memref<8x64xi32, #tpu.memory_space<vmem>> -> memref<1x64xi32, #tpu.memory_space<vmem>>
        %dma_wait3A_680 = tpu.memref_squeeze %dma_wait3A_679 : memref<1x64xi32, #tpu.memory_space<vmem>> -> memref<64xi32, #tpu.memory_space<vmem>>
        %dma_wait3A_681 = arith.constant 0 : i32
        %dma_wait3A_682 = tpu.memref_slice %arg6[%dma_wait3A_670, %dma_wait3A_681] : memref<2x320000xi32, #tpu.memory_space<hbm>> -> memref<1x64xi32, #tpu.memory_space<hbm>>
        %dma_wait3A_683 = tpu.memref_squeeze %dma_wait3A_682 : memref<1x64xi32, #tpu.memory_space<hbm>> -> memref<64xi32, #tpu.memory_space<hbm>>
        tpu.wait_dma2 semaphore(%arg26 : memref<!tpu.dma_semaphore, #tpu.memory_space<semaphore_mem>>) src(%dma_wait3A_683 : memref<64xi32, #tpu.memory_space<hbm>>) dst(%dma_wait3A_680 : memref<64xi32, #tpu.memory_space<vmem>>)
        %dma_wait3A_684 = arith.constant 0 : i32
        %dma_wait3A_685 = arith.constant 0 : i32
        %dma_wait3A_686 = arith.constant 0 : i32
        %dma_wait3A_687 = tpu.memref_slice %arg17[%dma_wait3A_685, %dma_wait3A_686] : memref<8x64xi32, #tpu.memory_space<vmem>> -> memref<1x64xi32, #tpu.memory_space<vmem>>
        %dma_wait3A_688 = tpu.memref_squeeze %dma_wait3A_687 : memref<1x64xi32, #tpu.memory_space<vmem>> -> memref<64xi32, #tpu.memory_space<vmem>>
        %dma_wait3A_689 = arith.constant 0 : i32
        %dma_wait3A_690 = tpu.memref_slice %arg6[%dma_wait3A_684, %dma_wait3A_689] : memref<2x320000xi32, #tpu.memory_space<hbm>> -> memref<1x64xi32, #tpu.memory_space<hbm>>
        %dma_wait3A_691 = tpu.memref_squeeze %dma_wait3A_690 : memref<1x64xi32, #tpu.memory_space<hbm>> -> memref<64xi32, #tpu.memory_space<hbm>>
        %dma_wait3A_692 = arith.constant 0 : i32
        %dma_wait3A_693 = tpu.memref_slice %arg17[%dma_wait3A_685, %dma_wait3A_692] : memref<8x64xi32, #tpu.memory_space<vmem>> -> memref<1x64xi32, #tpu.memory_space<vmem>>
        %dma_wait3A_694 = tpu.memref_squeeze %dma_wait3A_693 : memref<1x64xi32, #tpu.memory_space<vmem>> -> memref<64xi32, #tpu.memory_space<vmem>>
        %dma_wait3A_695 = arith.constant 0 : i32
        %dma_wait3A_696 = tpu.memref_slice %arg6[%dma_wait3A_684, %dma_wait3A_695] : memref<2x320000xi32, #tpu.memory_space<hbm>> -> memref<1x64xi32, #tpu.memory_space<hbm>>
        %dma_wait3A_697 = tpu.memref_squeeze %dma_wait3A_696 : memref<1x64xi32, #tpu.memory_space<hbm>> -> memref<64xi32, #tpu.memory_space<hbm>>
        tpu.wait_dma2 semaphore(%arg26 : memref<!tpu.dma_semaphore, #tpu.memory_space<semaphore_mem>>) src(%dma_wait3A_697 : memref<64xi32, #tpu.memory_space<hbm>>) dst(%dma_wait3A_694 : memref<64xi32, #tpu.memory_space<vmem>>)
      } else {
      }
      %ge3A = arith.constant 2 : i32
      %ge3A_544 = arith.cmpi sge, %scan3A_535, %ge3A : i32
      %sub3A = arith.constant 2 : i32
      %sub3A_545 = arith.subi %scan3A_535, %sub3A : i32
      %mul3A_546 = arith.constant 32 : i32
      %mul3A_547 = arith.muli %mul3A_546, %sub3A_545 : i32
      %add3A_548 = arith.addi %add3A, %mul3A_547 : i32
      %lt3A_549 = arith.constant 5000 : i32
      %lt3A_550 = arith.cmpi slt, %add3A_548, %lt3A_549 : i32
      %and3A = arith.andi %ge3A_544, %lt3A_550 : i1
      %convert_element_type3A_551 = arith.extui %and3A : i1 to i32
      %cond3A_552 = arith.constant 0 : i32
      %cond3A_553 = arith.cmpi ne, %convert_element_type3A_551, %cond3A_552 : i32
      scf.if %cond3A_553 {
        %dma_wait3A = arith.constant 0 : i32
        %dma_wait3A_643 = arith.constant 0 : i32
        %dma_wait3A_644 = arith.constant 0 : i32
        %dma_wait3A_645 = arith.constant 0 : i32
        %dma_wait3A_646 = tpu.memref_slice %arg18[%dma_wait3A, %dma_wait3A_644, %dma_wait3A_645] : memref<2x64x128xf32, #tpu.memory_space<vmem>> -> memref<1x64x128xf32, #tpu.memory_space<vmem>>
        %dma_wait3A_647 = tpu.memref_squeeze %dma_wait3A_646 : memref<1x64x128xf32, #tpu.memory_space<vmem>> -> memref<64x128xf32, #tpu.memory_space<vmem>>
        %dma_wait3A_648 = arith.constant 0 : i32
        %dma_wait3A_649 = tpu.memref_slice %arg15[%dma_wait3A_643, %dma_wait3A_648] : memref<8x64xi32, #tpu.memory_space<vmem>> -> memref<1x64xi32, #tpu.memory_space<vmem>>
        %dma_wait3A_650 = tpu.memref_squeeze %dma_wait3A_649 : memref<1x64xi32, #tpu.memory_space<vmem>> -> memref<64xi32, #tpu.memory_space<vmem>>
        %dma_wait3A_651 = arith.constant 0 : i32
        %dma_wait3A_652 = arith.constant 0 : i32
        %dma_wait3A_653 = tpu.memref_slice %arg12[%dma_wait3A_651, %dma_wait3A_652] : memref<10008x128xf32, #tpu.memory_space<vmem_shared>> -> memref<10008x128xf32, #tpu.memory_space<vmem_shared>>
        tpu.wait_indirect_dma semaphore(%arg25 : memref<!tpu.dma_semaphore, #tpu.memory_space<semaphore_mem>>) src(%dma_wait3A_647 : memref<64x128xf32, #tpu.memory_space<vmem>>) dst(%dma_wait3A_653 : memref<10008x128xf32, #tpu.memory_space<vmem_shared>>)
        %dma_wait3A_654 = arith.constant 0 : i32
        %dma_wait3A_655 = arith.constant 0 : i32
        %dma_wait3A_656 = arith.constant 0 : i32
        %dma_wait3A_657 = arith.constant 0 : i32
        %dma_wait3A_658 = tpu.memref_slice %arg19[%dma_wait3A_654, %dma_wait3A_656, %dma_wait3A_657] : memref<2x64x16xf32, #tpu.memory_space<vmem>> -> memref<1x64x16xf32, #tpu.memory_space<vmem>>
        %dma_wait3A_659 = tpu.memref_squeeze %dma_wait3A_658 : memref<1x64x16xf32, #tpu.memory_space<vmem>> -> memref<64x16xf32, #tpu.memory_space<vmem>>
        %dma_wait3A_660 = arith.constant 0 : i32
        %dma_wait3A_661 = tpu.memref_slice %arg17[%dma_wait3A_655, %dma_wait3A_660] : memref<8x64xi32, #tpu.memory_space<vmem>> -> memref<1x64xi32, #tpu.memory_space<vmem>>
        %dma_wait3A_662 = tpu.memref_squeeze %dma_wait3A_661 : memref<1x64xi32, #tpu.memory_space<vmem>> -> memref<64xi32, #tpu.memory_space<vmem>>
        %dma_wait3A_663 = arith.constant 0 : i32
        %dma_wait3A_664 = arith.constant 0 : i32
        %dma_wait3A_665 = tpu.memref_slice %arg13[%dma_wait3A_663, %dma_wait3A_664] : memref<10008x16xf32, #tpu.memory_space<vmem_shared>> -> memref<10008x16xf32, #tpu.memory_space<vmem_shared>>
        tpu.wait_indirect_dma semaphore(%arg28 : memref<!tpu.dma_semaphore, #tpu.memory_space<semaphore_mem>>) src(%dma_wait3A_659 : memref<64x16xf32, #tpu.memory_space<vmem>>) dst(%dma_wait3A_665 : memref<10008x16xf32, #tpu.memory_space<vmem_shared>>)
      } else {
      }
      %ge3A_554 = arith.constant 2 : i32
      %ge3A_555 = arith.cmpi sge, %scan3A_535, %ge3A_554 : i32
      %sub3A_556 = arith.constant 2 : i32
      %sub3A_557 = arith.subi %scan3A_535, %sub3A_556 : i32
      %add3A_558 = arith.constant 8 : i32
      %add3A_559 = arith.addi %sub3A_557, %add3A_558 : i32
      %lt3A_560 = arith.constant 157 : i32
      %lt3A_561 = arith.cmpi slt, %add3A_559, %lt3A_560 : i32
      %sub3A_562 = arith.constant 2 : i32
      %sub3A_563 = arith.subi %scan3A_535, %sub3A_562 : i32
      %add3A_564 = arith.constant 8 : i32
      %add3A_565 = arith.addi %sub3A_563, %add3A_564 : i32
      %mul3A_566 = arith.constant 32 : i32
      %mul3A_567 = arith.muli %mul3A_566, %add3A_565 : i32
      %add3A_568 = arith.addi %add3A, %mul3A_567 : i32
      %lt3A_569 = arith.constant 5000 : i32
      %lt3A_570 = arith.cmpi slt, %add3A_568, %lt3A_569 : i32
      %and3A_571 = arith.andi %lt3A_561, %lt3A_570 : i1
      %and3A_572 = arith.andi %ge3A_555, %and3A_571 : i1
      %convert_element_type3A_573 = arith.extui %and3A_572 : i1 to i32
      %cond3A_574 = arith.constant 0 : i32
      %cond3A_575 = arith.cmpi ne, %convert_element_type3A_573, %cond3A_574 : i32
      scf.if %cond3A_575 {
        %sub3A_643 = arith.constant 2 : i32
        %sub3A_644 = arith.subi %scan3A_535, %sub3A_643 : i32
        %add3A_645 = arith.constant 8 : i32
        %add3A_646 = arith.addi %sub3A_644, %add3A_645 : i32
        %mul3A_647 = arith.constant 32 : i32
        %mul3A_648 = arith.muli %mul3A_647, %add3A_646 : i32
        %add3A_649 = arith.addi %add3A, %mul3A_648 : i32
        %mul3A_650 = arith.constant 64 : i32
        %mul3A_651 = arith.muli %add3A_649, %mul3A_650 : i32
        %rem3A_652 = arith.constant 8 : i32
        %rem3A_653 = arith.remsi %add3A_646, %rem3A_652 : i32
        %dma_start3A_654 = arith.constant 1 : i32
        %dma_start3A_655 = arith.constant 0 : i32
        %dma_start3A_656 = tpu.memref_slice %arg14[%rem3A_653, %dma_start3A_655] : memref<8x64xi32, #tpu.memory_space<vmem>> -> memref<1x64xi32, #tpu.memory_space<vmem>>
        %dma_start3A_657 = tpu.memref_squeeze %dma_start3A_656 : memref<1x64xi32, #tpu.memory_space<vmem>> -> memref<64xi32, #tpu.memory_space<vmem>>
        %dma_start3A_658 = tpu.memref_slice %arg5[%dma_start3A_654, %mul3A_651] : memref<2x320000xi32, #tpu.memory_space<hbm>> -> memref<1x64xi32, #tpu.memory_space<hbm>>
        %dma_start3A_659 = tpu.memref_squeeze %dma_start3A_658 : memref<1x64xi32, #tpu.memory_space<hbm>> -> memref<64xi32, #tpu.memory_space<hbm>>
        %dma_start3A_660 = arith.constant 0 : i32
        %dma_start3A_661 = tpu.memref_slice %arg14[%rem3A_653, %dma_start3A_660] : memref<8x64xi32, #tpu.memory_space<vmem>> -> memref<1x64xi32, #tpu.memory_space<vmem>>
        %dma_start3A_662 = tpu.memref_squeeze %dma_start3A_661 : memref<1x64xi32, #tpu.memory_space<vmem>> -> memref<64xi32, #tpu.memory_space<vmem>>
        %dma_start3A_663 = tpu.memref_slice %arg5[%dma_start3A_654, %mul3A_651] : memref<2x320000xi32, #tpu.memory_space<hbm>> -> memref<1x64xi32, #tpu.memory_space<hbm>>
        %dma_start3A_664 = tpu.memref_squeeze %dma_start3A_663 : memref<1x64xi32, #tpu.memory_space<hbm>> -> memref<64xi32, #tpu.memory_space<hbm>>
        tpu.enqueue_dma source(%dma_start3A_664 : memref<64xi32, #tpu.memory_space<hbm>>) target(%dma_start3A_662 : memref<64xi32, #tpu.memory_space<vmem>>) target_semaphore(%arg23 : memref<!tpu.dma_semaphore, #tpu.memory_space<semaphore_mem>>)
        %dma_start3A_665 = arith.constant 0 : i32
        %dma_start3A_666 = arith.constant 0 : i32
        %dma_start3A_667 = tpu.memref_slice %arg15[%rem3A_653, %dma_start3A_666] : memref<8x64xi32, #tpu.memory_space<vmem>> -> memref<1x64xi32, #tpu.memory_space<vmem>>
        %dma_start3A_668 = tpu.memref_squeeze %dma_start3A_667 : memref<1x64xi32, #tpu.memory_space<vmem>> -> memref<64xi32, #tpu.memory_space<vmem>>
        %dma_start3A_669 = tpu.memref_slice %arg5[%dma_start3A_665, %mul3A_651] : memref<2x320000xi32, #tpu.memory_space<hbm>> -> memref<1x64xi32, #tpu.memory_space<hbm>>
        %dma_start3A_670 = tpu.memref_squeeze %dma_start3A_669 : memref<1x64xi32, #tpu.memory_space<hbm>> -> memref<64xi32, #tpu.memory_space<hbm>>
        %dma_start3A_671 = arith.constant 0 : i32
        %dma_start3A_672 = tpu.memref_slice %arg15[%rem3A_653, %dma_start3A_671] : memref<8x64xi32, #tpu.memory_space<vmem>> -> memref<1x64xi32, #tpu.memory_space<vmem>>
        %dma_start3A_673 = tpu.memref_squeeze %dma_start3A_672 : memref<1x64xi32, #tpu.memory_space<vmem>> -> memref<64xi32, #tpu.memory_space<vmem>>
        %dma_start3A_674 = tpu.memref_slice %arg5[%dma_start3A_665, %mul3A_651] : memref<2x320000xi32, #tpu.memory_space<hbm>> -> memref<1x64xi32, #tpu.memory_space<hbm>>
        %dma_start3A_675 = tpu.memref_squeeze %dma_start3A_674 : memref<1x64xi32, #tpu.memory_space<hbm>> -> memref<64xi32, #tpu.memory_space<hbm>>
        tpu.enqueue_dma source(%dma_start3A_675 : memref<64xi32, #tpu.memory_space<hbm>>) target(%dma_start3A_673 : memref<64xi32, #tpu.memory_space<vmem>>) target_semaphore(%arg23 : memref<!tpu.dma_semaphore, #tpu.memory_space<semaphore_mem>>)
        %sub3A_676 = arith.constant 2 : i32
        %sub3A_677 = arith.subi %scan3A_535, %sub3A_676 : i32
        %add3A_678 = arith.constant 8 : i32
        %add3A_679 = arith.addi %sub3A_677, %add3A_678 : i32
        %mul3A_680 = arith.constant 32 : i32
        %mul3A_681 = arith.muli %mul3A_680, %add3A_679 : i32
        %add3A_682 = arith.addi %add3A, %mul3A_681 : i32
        %mul3A_683 = arith.constant 64 : i32
        %mul3A_684 = arith.muli %add3A_682, %mul3A_683 : i32
        %rem3A_685 = arith.constant 8 : i32
        %rem3A_686 = arith.remsi %add3A_679, %rem3A_685 : i32
        %dma_start3A_687 = arith.constant 1 : i32
        %dma_start3A_688 = arith.constant 0 : i32
        %dma_start3A_689 = tpu.memref_slice %arg16[%rem3A_686, %dma_start3A_688] : memref<8x64xi32, #tpu.memory_space<vmem>> -> memref<1x64xi32, #tpu.memory_space<vmem>>
        %dma_start3A_690 = tpu.memref_squeeze %dma_start3A_689 : memref<1x64xi32, #tpu.memory_space<vmem>> -> memref<64xi32, #tpu.memory_space<vmem>>
        %dma_start3A_691 = tpu.memref_slice %arg6[%dma_start3A_687, %mul3A_684] : memref<2x320000xi32, #tpu.memory_space<hbm>> -> memref<1x64xi32, #tpu.memory_space<hbm>>
        %dma_start3A_692 = tpu.memref_squeeze %dma_start3A_691 : memref<1x64xi32, #tpu.memory_space<hbm>> -> memref<64xi32, #tpu.memory_space<hbm>>
        %dma_start3A_693 = arith.constant 0 : i32
        %dma_start3A_694 = tpu.memref_slice %arg16[%rem3A_686, %dma_start3A_693] : memref<8x64xi32, #tpu.memory_space<vmem>> -> memref<1x64xi32, #tpu.memory_space<vmem>>
        %dma_start3A_695 = tpu.memref_squeeze %dma_start3A_694 : memref<1x64xi32, #tpu.memory_space<vmem>> -> memref<64xi32, #tpu.memory_space<vmem>>
        %dma_start3A_696 = tpu.memref_slice %arg6[%dma_start3A_687, %mul3A_684] : memref<2x320000xi32, #tpu.memory_space<hbm>> -> memref<1x64xi32, #tpu.memory_space<hbm>>
        %dma_start3A_697 = tpu.memref_squeeze %dma_start3A_696 : memref<1x64xi32, #tpu.memory_space<hbm>> -> memref<64xi32, #tpu.memory_space<hbm>>
        tpu.enqueue_dma source(%dma_start3A_697 : memref<64xi32, #tpu.memory_space<hbm>>) target(%dma_start3A_695 : memref<64xi32, #tpu.memory_space<vmem>>) target_semaphore(%arg26 : memref<!tpu.dma_semaphore, #tpu.memory_space<semaphore_mem>>)
        %dma_start3A_698 = arith.constant 0 : i32
        %dma_start3A_699 = arith.constant 0 : i32
        %dma_start3A_700 = tpu.memref_slice %arg17[%rem3A_686, %dma_start3A_699] : memref<8x64xi32, #tpu.memory_space<vmem>> -> memref<1x64xi32, #tpu.memory_space<vmem>>
        %dma_start3A_701 = tpu.memref_squeeze %dma_start3A_700 : memref<1x64xi32, #tpu.memory_space<vmem>> -> memref<64xi32, #tpu.memory_space<vmem>>
        %dma_start3A_702 = tpu.memref_slice %arg6[%dma_start3A_698, %mul3A_684] : memref<2x320000xi32, #tpu.memory_space<hbm>> -> memref<1x64xi32, #tpu.memory_space<hbm>>
        %dma_start3A_703 = tpu.memref_squeeze %dma_start3A_702 : memref<1x64xi32, #tpu.memory_space<hbm>> -> memref<64xi32, #tpu.memory_space<hbm>>
        %dma_start3A_704 = arith.constant 0 : i32
        %dma_start3A_705 = tpu.memref_slice %arg17[%rem3A_686, %dma_start3A_704] : memref<8x64xi32, #tpu.memory_space<vmem>> -> memref<1x64xi32, #tpu.memory_space<vmem>>
        %dma_start3A_706 = tpu.memref_squeeze %dma_start3A_705 : memref<1x64xi32, #tpu.memory_space<vmem>> -> memref<64xi32, #tpu.memory_space<vmem>>
        %dma_start3A_707 = tpu.memref_slice %arg6[%dma_start3A_698, %mul3A_684] : memref<2x320000xi32, #tpu.memory_space<hbm>> -> memref<1x64xi32, #tpu.memory_space<hbm>>
        %dma_start3A_708 = tpu.memref_squeeze %dma_start3A_707 : memref<1x64xi32, #tpu.memory_space<hbm>> -> memref<64xi32, #tpu.memory_space<hbm>>
        tpu.enqueue_dma source(%dma_start3A_708 : memref<64xi32, #tpu.memory_space<hbm>>) target(%dma_start3A_706 : memref<64xi32, #tpu.memory_space<vmem>>) target_semaphore(%arg26 : memref<!tpu.dma_semaphore, #tpu.memory_space<semaphore_mem>>)
      } else {
      }
      %mul3A_576 = arith.constant 32 : i32
      %mul3A_577 = arith.muli %mul3A_576, %scan3A_535 : i32
      %add3A_578 = arith.addi %add3A, %mul3A_577 : i32
      %lt3A_579 = arith.constant 5000 : i32
      %lt3A_580 = arith.cmpi slt, %add3A_578, %lt3A_579 : i32
      %convert_element_type3A_581 = arith.extui %lt3A_580 : i1 to i32
      %cond3A_582 = arith.constant 0 : i32
      %cond3A_583 = arith.cmpi ne, %convert_element_type3A_581, %cond3A_582 : i32
      scf.if %cond3A_583 {
        %rem3A_643 = arith.constant 8 : i32
        %rem3A_644 = arith.remsi %scan3A_535, %rem3A_643 : i32
        %rem3A_645 = arith.constant 2 : i32
        %rem3A_646 = arith.remsi %scan3A_535, %rem3A_645 : i32
        %dma_start3A_647 = arith.constant 0 : i32
        %dma_start3A_648 = arith.constant 0 : i32
        %dma_start3A_649 = tpu.memref_slice %arg18[%rem3A_646, %dma_start3A_647, %dma_start3A_648] : memref<2x64x128xf32, #tpu.memory_space<vmem>> -> memref<1x64x128xf32, #tpu.memory_space<vmem>>
        %dma_start3A_650 = tpu.memref_squeeze %dma_start3A_649 : memref<1x64x128xf32, #tpu.memory_space<vmem>> -> memref<64x128xf32, #tpu.memory_space<vmem>>
        %dma_start3A_651 = arith.constant 0 : i32
        %dma_start3A_652 = tpu.memref_slice %arg14[%rem3A_644, %dma_start3A_651] : memref<8x64xi32, #tpu.memory_space<vmem>> -> memref<1x64xi32, #tpu.memory_space<vmem>>
        %dma_start3A_653 = tpu.memref_squeeze %dma_start3A_652 : memref<1x64xi32, #tpu.memory_space<vmem>> -> memref<64xi32, #tpu.memory_space<vmem>>
        %dma_start3A_654 = arith.constant 0 : i32
        %dma_start3A_655 = arith.constant 0 : i32
        %dma_start3A_656 = tpu.memref_slice %arg2[%dma_start3A_654, %dma_start3A_655] : memref<10000x128xf32, #tpu.memory_space<hbm>> -> memref<10000x128xf32, #tpu.memory_space<hbm>>
        tpu.enqueue_indirect_dma source(%dma_start3A_656 : memref<10000x128xf32, #tpu.memory_space<hbm>>) target(%dma_start3A_650 : memref<64x128xf32, #tpu.memory_space<vmem>>) offsets(%dma_start3A_653 : memref<64xi32, #tpu.memory_space<vmem>>) semaphore(%arg24 : memref<!tpu.dma_semaphore, #tpu.memory_space<semaphore_mem>>)
        %rem3A_657 = arith.constant 8 : i32
        %rem3A_658 = arith.remsi %scan3A_535, %rem3A_657 : i32
        %rem3A_659 = arith.constant 2 : i32
        %rem3A_660 = arith.remsi %scan3A_535, %rem3A_659 : i32
        %dma_start3A_661 = arith.constant 0 : i32
        %dma_start3A_662 = arith.constant 0 : i32
        %dma_start3A_663 = tpu.memref_slice %arg19[%rem3A_660, %dma_start3A_661, %dma_start3A_662] : memref<2x64x16xf32, #tpu.memory_space<vmem>> -> memref<1x64x16xf32, #tpu.memory_space<vmem>>
        %dma_start3A_664 = tpu.memref_squeeze %dma_start3A_663 : memref<1x64x16xf32, #tpu.memory_space<vmem>> -> memref<64x16xf32, #tpu.memory_space<vmem>>
        %dma_start3A_665 = arith.constant 0 : i32
        %dma_start3A_666 = tpu.memref_slice %arg16[%rem3A_658, %dma_start3A_665] : memref<8x64xi32, #tpu.memory_space<vmem>> -> memref<1x64xi32, #tpu.memory_space<vmem>>
        %dma_start3A_667 = tpu.memref_squeeze %dma_start3A_666 : memref<1x64xi32, #tpu.memory_space<vmem>> -> memref<64xi32, #tpu.memory_space<vmem>>
        %dma_start3A_668 = arith.constant 0 : i32
        %dma_start3A_669 = arith.constant 0 : i32
        %dma_start3A_670 = tpu.memref_slice %arg3[%dma_start3A_668, %dma_start3A_669] : memref<10000x16xf32, #tpu.memory_space<hbm>> -> memref<10000x16xf32, #tpu.memory_space<hbm>>
        tpu.enqueue_indirect_dma source(%dma_start3A_670 : memref<10000x16xf32, #tpu.memory_space<hbm>>) target(%dma_start3A_664 : memref<64x16xf32, #tpu.memory_space<vmem>>) offsets(%dma_start3A_667 : memref<64xi32, #tpu.memory_space<vmem>>) semaphore(%arg27 : memref<!tpu.dma_semaphore, #tpu.memory_space<semaphore_mem>>)
      } else {
      }
      %gt3A = arith.constant 0 : i32
      %gt3A_584 = arith.cmpi sgt, %scan3A_535, %gt3A : i32
      %sub3A_585 = arith.constant 1 : i32
      %sub3A_586 = arith.subi %scan3A_535, %sub3A_585 : i32
      %mul3A_587 = arith.constant 32 : i32
      %mul3A_588 = arith.muli %mul3A_587, %sub3A_586 : i32
      %add3A_589 = arith.addi %add3A, %mul3A_588 : i32
      %lt3A_590 = arith.constant 5000 : i32
      %lt3A_591 = arith.cmpi slt, %add3A_589, %lt3A_590 : i32
      %and3A_592 = arith.andi %gt3A_584, %lt3A_591 : i1
      %convert_element_type3A_593 = arith.extui %and3A_592 : i1 to i32
      %cond3A_594 = arith.constant 0 : i32
      %cond3A_595 = arith.cmpi ne, %convert_element_type3A_593, %cond3A_594 : i32
      scf.if %cond3A_595 {
        %dma_wait3A = arith.constant 0 : i32
        %dma_wait3A_643 = arith.constant 0 : i32
        %dma_wait3A_644 = arith.constant 0 : i32
        %dma_wait3A_645 = arith.constant 0 : i32
        %dma_wait3A_646 = tpu.memref_slice %arg18[%dma_wait3A_643, %dma_wait3A_644, %dma_wait3A_645] : memref<2x64x128xf32, #tpu.memory_space<vmem>> -> memref<1x64x128xf32, #tpu.memory_space<vmem>>
        %dma_wait3A_647 = tpu.memref_squeeze %dma_wait3A_646 : memref<1x64x128xf32, #tpu.memory_space<vmem>> -> memref<64x128xf32, #tpu.memory_space<vmem>>
        %dma_wait3A_648 = arith.constant 0 : i32
        %dma_wait3A_649 = tpu.memref_slice %arg14[%dma_wait3A, %dma_wait3A_648] : memref<8x64xi32, #tpu.memory_space<vmem>> -> memref<1x64xi32, #tpu.memory_space<vmem>>
        %dma_wait3A_650 = tpu.memref_squeeze %dma_wait3A_649 : memref<1x64xi32, #tpu.memory_space<vmem>> -> memref<64xi32, #tpu.memory_space<vmem>>
        %dma_wait3A_651 = arith.constant 0 : i32
        %dma_wait3A_652 = arith.constant 0 : i32
        %dma_wait3A_653 = tpu.memref_slice %arg2[%dma_wait3A_651, %dma_wait3A_652] : memref<10000x128xf32, #tpu.memory_space<hbm>> -> memref<10000x128xf32, #tpu.memory_space<hbm>>
        tpu.wait_indirect_dma semaphore(%arg24 : memref<!tpu.dma_semaphore, #tpu.memory_space<semaphore_mem>>) src(%dma_wait3A_653 : memref<10000x128xf32, #tpu.memory_space<hbm>>) dst(%dma_wait3A_647 : memref<64x128xf32, #tpu.memory_space<vmem>>)
        %sub3A_654 = arith.constant 1 : i32
        %sub3A_655 = arith.subi %scan3A_535, %sub3A_654 : i32
        %rem3A_656 = arith.constant 8 : i32
        %rem3A_657 = arith.remsi %sub3A_655, %rem3A_656 : i32
        %rem3A_658 = arith.constant 2 : i32
        %rem3A_659 = arith.remsi %sub3A_655, %rem3A_658 : i32
        %dma_start3A_660 = arith.constant 0 : i32
        %dma_start3A_661 = arith.constant 0 : i32
        %dma_start3A_662 = tpu.memref_slice %arg18[%rem3A_659, %dma_start3A_660, %dma_start3A_661] : memref<2x64x128xf32, #tpu.memory_space<vmem>> -> memref<1x64x128xf32, #tpu.memory_space<vmem>>
        %dma_start3A_663 = tpu.memref_squeeze %dma_start3A_662 : memref<1x64x128xf32, #tpu.memory_space<vmem>> -> memref<64x128xf32, #tpu.memory_space<vmem>>
        %dma_start3A_664 = arith.constant 0 : i32
        %dma_start3A_665 = tpu.memref_slice %arg15[%rem3A_657, %dma_start3A_664] : memref<8x64xi32, #tpu.memory_space<vmem>> -> memref<1x64xi32, #tpu.memory_space<vmem>>
        %dma_start3A_666 = tpu.memref_squeeze %dma_start3A_665 : memref<1x64xi32, #tpu.memory_space<vmem>> -> memref<64xi32, #tpu.memory_space<vmem>>
        %dma_start3A_667 = arith.constant 0 : i32
        %dma_start3A_668 = arith.constant 0 : i32
        %dma_start3A_669 = tpu.memref_slice %arg12[%dma_start3A_667, %dma_start3A_668] : memref<10008x128xf32, #tpu.memory_space<vmem_shared>> -> memref<10008x128xf32, #tpu.memory_space<vmem_shared>>
        tpu.enqueue_indirect_dma source(%dma_start3A_663 : memref<64x128xf32, #tpu.memory_space<vmem>>) target(%dma_start3A_669 : memref<10008x128xf32, #tpu.memory_space<vmem_shared>>) offsets(%dma_start3A_666 : memref<64xi32, #tpu.memory_space<vmem>>) semaphore(%arg25 : memref<!tpu.dma_semaphore, #tpu.memory_space<semaphore_mem>>) {add = true}
        %dma_wait3A_670 = arith.constant 0 : i32
        %dma_wait3A_671 = arith.constant 0 : i32
        %dma_wait3A_672 = arith.constant 0 : i32
        %dma_wait3A_673 = arith.constant 0 : i32
        %dma_wait3A_674 = tpu.memref_slice %arg19[%dma_wait3A_671, %dma_wait3A_672, %dma_wait3A_673] : memref<2x64x16xf32, #tpu.memory_space<vmem>> -> memref<1x64x16xf32, #tpu.memory_space<vmem>>
        %dma_wait3A_675 = tpu.memref_squeeze %dma_wait3A_674 : memref<1x64x16xf32, #tpu.memory_space<vmem>> -> memref<64x16xf32, #tpu.memory_space<vmem>>
        %dma_wait3A_676 = arith.constant 0 : i32
        %dma_wait3A_677 = tpu.memref_slice %arg16[%dma_wait3A_670, %dma_wait3A_676] : memref<8x64xi32, #tpu.memory_space<vmem>> -> memref<1x64xi32, #tpu.memory_space<vmem>>
        %dma_wait3A_678 = tpu.memref_squeeze %dma_wait3A_677 : memref<1x64xi32, #tpu.memory_space<vmem>> -> memref<64xi32, #tpu.memory_space<vmem>>
        %dma_wait3A_679 = arith.constant 0 : i32
        %dma_wait3A_680 = arith.constant 0 : i32
        %dma_wait3A_681 = tpu.memref_slice %arg3[%dma_wait3A_679, %dma_wait3A_680] : memref<10000x16xf32, #tpu.memory_space<hbm>> -> memref<10000x16xf32, #tpu.memory_space<hbm>>
        tpu.wait_indirect_dma semaphore(%arg27 : memref<!tpu.dma_semaphore, #tpu.memory_space<semaphore_mem>>) src(%dma_wait3A_681 : memref<10000x16xf32, #tpu.memory_space<hbm>>) dst(%dma_wait3A_675 : memref<64x16xf32, #tpu.memory_space<vmem>>)
        %sub3A_682 = arith.constant 1 : i32
        %sub3A_683 = arith.subi %scan3A_535, %sub3A_682 : i32
        %rem3A_684 = arith.constant 8 : i32
        %rem3A_685 = arith.remsi %sub3A_683, %rem3A_684 : i32
        %rem3A_686 = arith.constant 2 : i32
        %rem3A_687 = arith.remsi %sub3A_683, %rem3A_686 : i32
        %dma_start3A_688 = arith.constant 0 : i32
        %dma_start3A_689 = arith.constant 0 : i32
        %dma_start3A_690 = tpu.memref_slice %arg19[%rem3A_687, %dma_start3A_688, %dma_start3A_689] : memref<2x64x16xf32, #tpu.memory_space<vmem>> -> memref<1x64x16xf32, #tpu.memory_space<vmem>>
        %dma_start3A_691 = tpu.memref_squeeze %dma_start3A_690 : memref<1x64x16xf32, #tpu.memory_space<vmem>> -> memref<64x16xf32, #tpu.memory_space<vmem>>
        %dma_start3A_692 = arith.constant 0 : i32
        %dma_start3A_693 = tpu.memref_slice %arg17[%rem3A_685, %dma_start3A_692] : memref<8x64xi32, #tpu.memory_space<vmem>> -> memref<1x64xi32, #tpu.memory_space<vmem>>
        %dma_start3A_694 = tpu.memref_squeeze %dma_start3A_693 : memref<1x64xi32, #tpu.memory_space<vmem>> -> memref<64xi32, #tpu.memory_space<vmem>>
        %dma_start3A_695 = arith.constant 0 : i32
        %dma_start3A_696 = arith.constant 0 : i32
        %dma_start3A_697 = tpu.memref_slice %arg13[%dma_start3A_695, %dma_start3A_696] : memref<10008x16xf32, #tpu.memory_space<vmem_shared>> -> memref<10008x16xf32, #tpu.memory_space<vmem_shared>>
        tpu.enqueue_indirect_dma source(%dma_start3A_691 : memref<64x16xf32, #tpu.memory_space<vmem>>) target(%dma_start3A_697 : memref<10008x16xf32, #tpu.memory_space<vmem_shared>>) offsets(%dma_start3A_694 : memref<64xi32, #tpu.memory_space<vmem>>) semaphore(%arg28 : memref<!tpu.dma_semaphore, #tpu.memory_space<semaphore_mem>>) {add = true}
      } else {
      }
      %lt3A_596 = arith.constant 5 : i32
      %lt3A_597 = arith.cmpi slt, %scan3A_535, %lt3A_596 : i32
      %mul3A_598 = arith.constant 32 : i32
      %mul3A_599 = arith.muli %mul3A_598, %scan3A_535 : i32
      %add3A_600 = arith.addi %add3A, %mul3A_599 : i32
      %lt3A_601 = arith.constant 156 : i32
      %lt3A_602 = arith.cmpi slt, %add3A_600, %lt3A_601 : i32
      %and3A_603 = arith.andi %lt3A_597, %lt3A_602 : i1
      %convert_element_type3A_604 = arith.extui %and3A_603 : i1 to i32
      %cond3A_605 = arith.constant 0 : i32
      %cond3A_606 = arith.cmpi ne, %convert_element_type3A_604, %cond3A_605 : i32
      scf.if %cond3A_606 {
        %dma_wait3A = arith.constant 0 : i32
        %dma_wait3A_643 = arith.constant 0 : i32
        %dma_wait3A_644 = tpu.memref_slice %arg21[%dma_wait3A, %dma_wait3A_643] : memref<5x64xi32, #tpu.memory_space<vmem>> -> memref<1x64xi32, #tpu.memory_space<vmem>>
        %dma_wait3A_645 = tpu.memref_squeeze %dma_wait3A_644 : memref<1x64xi32, #tpu.memory_space<vmem>> -> memref<64xi32, #tpu.memory_space<vmem>>
        %dma_wait3A_646 = arith.constant 0 : i32
        %dma_wait3A_647 = tpu.memref_slice %arg4[%dma_wait3A_646] : memref<10000xi32, #tpu.memory_space<hbm>> -> memref<64xi32, #tpu.memory_space<hbm>>
        %dma_wait3A_648 = arith.constant 0 : i32
        %dma_wait3A_649 = tpu.memref_slice %arg21[%dma_wait3A, %dma_wait3A_648] : memref<5x64xi32, #tpu.memory_space<vmem>> -> memref<1x64xi32, #tpu.memory_space<vmem>>
        %dma_wait3A_650 = tpu.memref_squeeze %dma_wait3A_649 : memref<1x64xi32, #tpu.memory_space<vmem>> -> memref<64xi32, #tpu.memory_space<vmem>>
        %dma_wait3A_651 = arith.constant 0 : i32
        %dma_wait3A_652 = tpu.memref_slice %arg4[%dma_wait3A_651] : memref<10000xi32, #tpu.memory_space<hbm>> -> memref<64xi32, #tpu.memory_space<hbm>>
        tpu.wait_dma2 semaphore(%arg29 : memref<!tpu.dma_semaphore, #tpu.memory_space<semaphore_mem>>) src(%dma_wait3A_652 : memref<64xi32, #tpu.memory_space<hbm>>) dst(%dma_wait3A_650 : memref<64xi32, #tpu.memory_space<vmem>>)
        %rem3A_653 = arith.constant 2 : i32
        %rem3A_654 = arith.remsi %scan3A_535, %rem3A_653 : i32
        %dma_start3A_655 = arith.constant 0 : i32
        %dma_start3A_656 = arith.constant 0 : i32
        %dma_start3A_657 = tpu.memref_slice %arg22[%rem3A_654, %dma_start3A_655, %dma_start3A_656] : memref<2x64x128xf32, #tpu.memory_space<vmem>> -> memref<1x64x128xf32, #tpu.memory_space<vmem>>
        %dma_start3A_658 = tpu.memref_squeeze %dma_start3A_657 : memref<1x64x128xf32, #tpu.memory_space<vmem>> -> memref<64x128xf32, #tpu.memory_space<vmem>>
        %dma_start3A_659 = arith.constant 0 : i32
        %dma_start3A_660 = tpu.memref_slice %arg21[%scan3A_535, %dma_start3A_659] : memref<5x64xi32, #tpu.memory_space<vmem>> -> memref<1x64xi32, #tpu.memory_space<vmem>>
        %dma_start3A_661 = tpu.memref_squeeze %dma_start3A_660 : memref<1x64xi32, #tpu.memory_space<vmem>> -> memref<64xi32, #tpu.memory_space<vmem>>
        %dma_start3A_662 = arith.constant 0 : i32
        %dma_start3A_663 = arith.constant 0 : i32
        %dma_start3A_664 = tpu.memref_slice %arg2[%dma_start3A_662, %dma_start3A_663] : memref<10000x128xf32, #tpu.memory_space<hbm>> -> memref<10000x128xf32, #tpu.memory_space<hbm>>
        tpu.enqueue_indirect_dma source(%dma_start3A_664 : memref<10000x128xf32, #tpu.memory_space<hbm>>) target(%dma_start3A_658 : memref<64x128xf32, #tpu.memory_space<vmem>>) offsets(%dma_start3A_661 : memref<64xi32, #tpu.memory_space<vmem>>) semaphore(%arg30 : memref<!tpu.dma_semaphore, #tpu.memory_space<semaphore_mem>>)
      } else {
      }
      %ge3A_607 = arith.constant 1 : i32
      %ge3A_608 = arith.cmpi sge, %scan3A_535, %ge3A_607 : i32
      %sub3A_609 = arith.constant 1 : i32
      %sub3A_610 = arith.subi %scan3A_535, %sub3A_609 : i32
      %lt3A_611 = arith.constant 5 : i32
      %lt3A_612 = arith.cmpi slt, %sub3A_610, %lt3A_611 : i32
      %and3A_613 = arith.andi %ge3A_608, %lt3A_612 : i1
      %sub3A_614 = arith.constant 1 : i32
      %sub3A_615 = arith.subi %scan3A_535, %sub3A_614 : i32
      %mul3A_616 = arith.constant 32 : i32
      %mul3A_617 = arith.muli %mul3A_616, %sub3A_615 : i32
      %add3A_618 = arith.addi %add3A, %mul3A_617 : i32
      %lt3A_619 = arith.constant 156 : i32
      %lt3A_620 = arith.cmpi slt, %add3A_618, %lt3A_619 : i32
      %and3A_621 = arith.andi %and3A_613, %lt3A_620 : i1
      %convert_element_type3A_622 = arith.extui %and3A_621 : i1 to i32
      %cond3A_623 = arith.constant 0 : i32
      %cond3A_624 = arith.cmpi ne, %convert_element_type3A_622, %cond3A_623 : i32
      scf.if %cond3A_624 {
        %dma_wait3A = arith.constant 0 : i32
        %dma_wait3A_643 = arith.constant 0 : i32
        %dma_wait3A_644 = arith.constant 0 : i32
        %dma_wait3A_645 = arith.constant 0 : i32
        %dma_wait3A_646 = tpu.memref_slice %arg22[%dma_wait3A_643, %dma_wait3A_644, %dma_wait3A_645] : memref<2x64x128xf32, #tpu.memory_space<vmem>> -> memref<1x64x128xf32, #tpu.memory_space<vmem>>
        %dma_wait3A_647 = tpu.memref_squeeze %dma_wait3A_646 : memref<1x64x128xf32, #tpu.memory_space<vmem>> -> memref<64x128xf32, #tpu.memory_space<vmem>>
        %dma_wait3A_648 = arith.constant 0 : i32
        %dma_wait3A_649 = tpu.memref_slice %arg21[%dma_wait3A, %dma_wait3A_648] : memref<5x64xi32, #tpu.memory_space<vmem>> -> memref<1x64xi32, #tpu.memory_space<vmem>>
        %dma_wait3A_650 = tpu.memref_squeeze %dma_wait3A_649 : memref<1x64xi32, #tpu.memory_space<vmem>> -> memref<64xi32, #tpu.memory_space<vmem>>
        %dma_wait3A_651 = arith.constant 0 : i32
        %dma_wait3A_652 = arith.constant 0 : i32
        %dma_wait3A_653 = tpu.memref_slice %arg2[%dma_wait3A_651, %dma_wait3A_652] : memref<10000x128xf32, #tpu.memory_space<hbm>> -> memref<10000x128xf32, #tpu.memory_space<hbm>>
        tpu.wait_indirect_dma semaphore(%arg30 : memref<!tpu.dma_semaphore, #tpu.memory_space<semaphore_mem>>) src(%dma_wait3A_653 : memref<10000x128xf32, #tpu.memory_space<hbm>>) dst(%dma_wait3A_647 : memref<64x128xf32, #tpu.memory_space<vmem>>)
        %sub3A_654 = arith.constant 1 : i32
        %sub3A_655 = arith.subi %scan3A_535, %sub3A_654 : i32
        %rem3A_656 = arith.constant 2 : i32
        %rem3A_657 = arith.remsi %sub3A_655, %rem3A_656 : i32
        %mul3A_658 = arith.constant 32 : i32
        %mul3A_659 = arith.muli %mul3A_658, %sub3A_655 : i32
        %add3A_660 = arith.addi %add3A, %mul3A_659 : i32
        %mul3A_661 = arith.constant 64 : i32
        %mul3A_662 = arith.muli %add3A_660, %mul3A_661 : i32
        %dma_start3A_663 = arith.constant 0 : i32
        %dma_start3A_664 = arith.constant 0 : i32
        %dma_start3A_665 = tpu.memref_slice %arg22[%rem3A_657, %dma_start3A_663, %dma_start3A_664] : memref<2x64x128xf32, #tpu.memory_space<vmem>> -> memref<1x64x128xf32, #tpu.memory_space<vmem>>
        %dma_start3A_666 = tpu.memref_squeeze %dma_start3A_665 : memref<1x64x128xf32, #tpu.memory_space<vmem>> -> memref<64x128xf32, #tpu.memory_space<vmem>>
        %dma_start3A_667 = arith.constant 0 : i32
        %dma_start3A_668 = tpu.memref_slice %arg9[%mul3A_662, %dma_start3A_667] : memref<10000x128xf32, #tpu.memory_space<hbm>> -> memref<64x128xf32, #tpu.memory_space<hbm>>
        %dma_start3A_669 = arith.constant 0 : i32
        %dma_start3A_670 = tpu.memref_slice %arg9[%mul3A_662, %dma_start3A_669] : memref<10000x128xf32, #tpu.memory_space<hbm>> -> memref<64x128xf32, #tpu.memory_space<hbm>>
        %dma_start3A_671 = arith.constant 0 : i32
        %dma_start3A_672 = arith.constant 0 : i32
        %dma_start3A_673 = tpu.memref_slice %arg22[%rem3A_657, %dma_start3A_671, %dma_start3A_672] : memref<2x64x128xf32, #tpu.memory_space<vmem>> -> memref<1x64x128xf32, #tpu.memory_space<vmem>>
        %dma_start3A_674 = tpu.memref_squeeze %dma_start3A_673 : memref<1x64x128xf32, #tpu.memory_space<vmem>> -> memref<64x128xf32, #tpu.memory_space<vmem>>
        tpu.enqueue_dma source(%dma_start3A_674 : memref<64x128xf32, #tpu.memory_space<vmem>>) target(%dma_start3A_670 : memref<64x128xf32, #tpu.memory_space<hbm>>) target_semaphore(%arg31 : memref<!tpu.dma_semaphore, #tpu.memory_space<semaphore_mem>>)
      } else {
      }
      %ge3A_625 = arith.constant 2 : i32
      %ge3A_626 = arith.cmpi sge, %scan3A_535, %ge3A_625 : i32
      %sub3A_627 = arith.constant 2 : i32
      %sub3A_628 = arith.subi %scan3A_535, %sub3A_627 : i32
      %lt3A_629 = arith.constant 5 : i32
      %lt3A_630 = arith.cmpi slt, %sub3A_628, %lt3A_629 : i32
      %and3A_631 = arith.andi %ge3A_626, %lt3A_630 : i1
      %sub3A_632 = arith.constant 2 : i32
      %sub3A_633 = arith.subi %scan3A_535, %sub3A_632 : i32
      %mul3A_634 = arith.constant 32 : i32
      %mul3A_635 = arith.muli %mul3A_634, %sub3A_633 : i32
      %add3A_636 = arith.addi %add3A, %mul3A_635 : i32
      %lt3A_637 = arith.constant 156 : i32
      %lt3A_638 = arith.cmpi slt, %add3A_636, %lt3A_637 : i32
      %and3A_639 = arith.andi %and3A_631, %lt3A_638 : i1
      %convert_element_type3A_640 = arith.extui %and3A_639 : i1 to i32
      %cond3A_641 = arith.constant 0 : i32
      %cond3A_642 = arith.cmpi ne, %convert_element_type3A_640, %cond3A_641 : i32
      scf.if %cond3A_642 {
        %dma_wait3A = arith.constant 0 : i32
        %dma_wait3A_643 = arith.constant 0 : i32
        %dma_wait3A_644 = arith.constant 0 : i32
        %dma_wait3A_645 = tpu.memref_slice %arg22[%dma_wait3A, %dma_wait3A_643, %dma_wait3A_644] : memref<2x64x128xf32, #tpu.memory_space<vmem>> -> memref<1x64x128xf32, #tpu.memory_space<vmem>>
        %dma_wait3A_646 = tpu.memref_squeeze %dma_wait3A_645 : memref<1x64x128xf32, #tpu.memory_space<vmem>> -> memref<64x128xf32, #tpu.memory_space<vmem>>
        %dma_wait3A_647 = arith.constant 0 : i32
        %dma_wait3A_648 = arith.constant 0 : i32
        %dma_wait3A_649 = tpu.memref_slice %arg9[%dma_wait3A_647, %dma_wait3A_648] : memref<10000x128xf32, #tpu.memory_space<hbm>> -> memref<64x128xf32, #tpu.memory_space<hbm>>
        %dma_wait3A_650 = arith.constant 0 : i32
        %dma_wait3A_651 = arith.constant 0 : i32
        %dma_wait3A_652 = tpu.memref_slice %arg9[%dma_wait3A_650, %dma_wait3A_651] : memref<10000x128xf32, #tpu.memory_space<hbm>> -> memref<64x128xf32, #tpu.memory_space<hbm>>
        %dma_wait3A_653 = arith.constant 0 : i32
        %dma_wait3A_654 = arith.constant 0 : i32
        %dma_wait3A_655 = tpu.memref_slice %arg22[%dma_wait3A, %dma_wait3A_653, %dma_wait3A_654] : memref<2x64x128xf32, #tpu.memory_space<vmem>> -> memref<1x64x128xf32, #tpu.memory_space<vmem>>
        %dma_wait3A_656 = tpu.memref_squeeze %dma_wait3A_655 : memref<1x64x128xf32, #tpu.memory_space<vmem>> -> memref<64x128xf32, #tpu.memory_space<vmem>>
        tpu.wait_dma2 semaphore(%arg31 : memref<!tpu.dma_semaphore, #tpu.memory_space<semaphore_mem>>) src(%dma_wait3A_656 : memref<64x128xf32, #tpu.memory_space<vmem>>) dst(%dma_wait3A_652 : memref<64x128xf32, #tpu.memory_space<hbm>>)
      } else {
      }
    }
    %scan3A_503 = arith.constant 157 : i32
    %add3A_504 = arith.constant 4992 : i32
    %add3A_505 = arith.addi %add3A, %add3A_504 : i32
    %lt3A_506 = arith.constant 5000 : i32
    %lt3A_507 = arith.cmpi slt, %add3A_505, %lt3A_506 : i32
    %convert_element_type3A_508 = arith.extui %lt3A_507 : i1 to i32
    %cond3A_509 = arith.constant 0 : i32
    %cond3A_510 = arith.cmpi ne, %convert_element_type3A_508, %cond3A_509 : i32
    scf.if %cond3A_510 {
      %dma_wait3A = arith.constant 0 : i32
      %dma_wait3A_535 = arith.constant 0 : i32
      %dma_wait3A_536 = arith.constant 0 : i32
      %dma_wait3A_537 = arith.constant 0 : i32
      %dma_wait3A_538 = tpu.memref_slice %arg18[%dma_wait3A_535, %dma_wait3A_536, %dma_wait3A_537] : memref<2x64x128xf32, #tpu.memory_space<vmem>> -> memref<1x64x128xf32, #tpu.memory_space<vmem>>
      %dma_wait3A_539 = tpu.memref_squeeze %dma_wait3A_538 : memref<1x64x128xf32, #tpu.memory_space<vmem>> -> memref<64x128xf32, #tpu.memory_space<vmem>>
      %dma_wait3A_540 = arith.constant 0 : i32
      %dma_wait3A_541 = tpu.memref_slice %arg14[%dma_wait3A, %dma_wait3A_540] : memref<8x64xi32, #tpu.memory_space<vmem>> -> memref<1x64xi32, #tpu.memory_space<vmem>>
      %dma_wait3A_542 = tpu.memref_squeeze %dma_wait3A_541 : memref<1x64xi32, #tpu.memory_space<vmem>> -> memref<64xi32, #tpu.memory_space<vmem>>
      %dma_wait3A_543 = arith.constant 0 : i32
      %dma_wait3A_544 = arith.constant 0 : i32
      %dma_wait3A_545 = tpu.memref_slice %arg2[%dma_wait3A_543, %dma_wait3A_544] : memref<10000x128xf32, #tpu.memory_space<hbm>> -> memref<10000x128xf32, #tpu.memory_space<hbm>>
      tpu.wait_indirect_dma semaphore(%arg24 : memref<!tpu.dma_semaphore, #tpu.memory_space<semaphore_mem>>) src(%dma_wait3A_545 : memref<10000x128xf32, #tpu.memory_space<hbm>>) dst(%dma_wait3A_539 : memref<64x128xf32, #tpu.memory_space<vmem>>)
      %rem3A_546 = arith.constant 156 : i32
      %rem3A_547 = arith.constant 8 : i32
      %rem3A_548 = arith.remsi %rem3A_546, %rem3A_547 : i32
      %rem3A_549 = arith.constant 156 : i32
      %rem3A_550 = arith.constant 2 : i32
      %rem3A_551 = arith.remsi %rem3A_549, %rem3A_550 : i32
      %dma_start3A_552 = arith.constant 0 : i32
      %dma_start3A_553 = arith.constant 0 : i32
      %dma_start3A_554 = tpu.memref_slice %arg18[%rem3A_551, %dma_start3A_552, %dma_start3A_553] : memref<2x64x128xf32, #tpu.memory_space<vmem>> -> memref<1x64x128xf32, #tpu.memory_space<vmem>>
      %dma_start3A_555 = tpu.memref_squeeze %dma_start3A_554 : memref<1x64x128xf32, #tpu.memory_space<vmem>> -> memref<64x128xf32, #tpu.memory_space<vmem>>
      %dma_start3A_556 = arith.constant 0 : i32
      %dma_start3A_557 = tpu.memref_slice %arg15[%rem3A_548, %dma_start3A_556] : memref<8x64xi32, #tpu.memory_space<vmem>> -> memref<1x64xi32, #tpu.memory_space<vmem>>
      %dma_start3A_558 = tpu.memref_squeeze %dma_start3A_557 : memref<1x64xi32, #tpu.memory_space<vmem>> -> memref<64xi32, #tpu.memory_space<vmem>>
      %dma_start3A_559 = arith.constant 0 : i32
      %dma_start3A_560 = arith.constant 0 : i32
      %dma_start3A_561 = tpu.memref_slice %arg12[%dma_start3A_559, %dma_start3A_560] : memref<10008x128xf32, #tpu.memory_space<vmem_shared>> -> memref<10008x128xf32, #tpu.memory_space<vmem_shared>>
      tpu.enqueue_indirect_dma source(%dma_start3A_555 : memref<64x128xf32, #tpu.memory_space<vmem>>) target(%dma_start3A_561 : memref<10008x128xf32, #tpu.memory_space<vmem_shared>>) offsets(%dma_start3A_558 : memref<64xi32, #tpu.memory_space<vmem>>) semaphore(%arg25 : memref<!tpu.dma_semaphore, #tpu.memory_space<semaphore_mem>>) {add = true}
      %dma_wait3A_562 = arith.constant 0 : i32
      %dma_wait3A_563 = arith.constant 0 : i32
      %dma_wait3A_564 = arith.constant 0 : i32
      %dma_wait3A_565 = arith.constant 0 : i32
      %dma_wait3A_566 = tpu.memref_slice %arg19[%dma_wait3A_563, %dma_wait3A_564, %dma_wait3A_565] : memref<2x64x16xf32, #tpu.memory_space<vmem>> -> memref<1x64x16xf32, #tpu.memory_space<vmem>>
      %dma_wait3A_567 = tpu.memref_squeeze %dma_wait3A_566 : memref<1x64x16xf32, #tpu.memory_space<vmem>> -> memref<64x16xf32, #tpu.memory_space<vmem>>
      %dma_wait3A_568 = arith.constant 0 : i32
      %dma_wait3A_569 = tpu.memref_slice %arg16[%dma_wait3A_562, %dma_wait3A_568] : memref<8x64xi32, #tpu.memory_space<vmem>> -> memref<1x64xi32, #tpu.memory_space<vmem>>
      %dma_wait3A_570 = tpu.memref_squeeze %dma_wait3A_569 : memref<1x64xi32, #tpu.memory_space<vmem>> -> memref<64xi32, #tpu.memory_space<vmem>>
      %dma_wait3A_571 = arith.constant 0 : i32
      %dma_wait3A_572 = arith.constant 0 : i32
      %dma_wait3A_573 = tpu.memref_slice %arg3[%dma_wait3A_571, %dma_wait3A_572] : memref<10000x16xf32, #tpu.memory_space<hbm>> -> memref<10000x16xf32, #tpu.memory_space<hbm>>
      tpu.wait_indirect_dma semaphore(%arg27 : memref<!tpu.dma_semaphore, #tpu.memory_space<semaphore_mem>>) src(%dma_wait3A_573 : memref<10000x16xf32, #tpu.memory_space<hbm>>) dst(%dma_wait3A_567 : memref<64x16xf32, #tpu.memory_space<vmem>>)
      %rem3A_574 = arith.constant 156 : i32
      %rem3A_575 = arith.constant 8 : i32
      %rem3A_576 = arith.remsi %rem3A_574, %rem3A_575 : i32
      %rem3A_577 = arith.constant 156 : i32
      %rem3A_578 = arith.constant 2 : i32
      %rem3A_579 = arith.remsi %rem3A_577, %rem3A_578 : i32
      %dma_start3A_580 = arith.constant 0 : i32
      %dma_start3A_581 = arith.constant 0 : i32
      %dma_start3A_582 = tpu.memref_slice %arg19[%rem3A_579, %dma_start3A_580, %dma_start3A_581] : memref<2x64x16xf32, #tpu.memory_space<vmem>> -> memref<1x64x16xf32, #tpu.memory_space<vmem>>
      %dma_start3A_583 = tpu.memref_squeeze %dma_start3A_582 : memref<1x64x16xf32, #tpu.memory_space<vmem>> -> memref<64x16xf32, #tpu.memory_space<vmem>>
      %dma_start3A_584 = arith.constant 0 : i32
      %dma_start3A_585 = tpu.memref_slice %arg17[%rem3A_576, %dma_start3A_584] : memref<8x64xi32, #tpu.memory_space<vmem>> -> memref<1x64xi32, #tpu.memory_space<vmem>>
      %dma_start3A_586 = tpu.memref_squeeze %dma_start3A_585 : memref<1x64xi32, #tpu.memory_space<vmem>> -> memref<64xi32, #tpu.memory_space<vmem>>
      %dma_start3A_587 = arith.constant 0 : i32
      %dma_start3A_588 = arith.constant 0 : i32
      %dma_start3A_589 = tpu.memref_slice %arg13[%dma_start3A_587, %dma_start3A_588] : memref<10008x16xf32, #tpu.memory_space<vmem_shared>> -> memref<10008x16xf32, #tpu.memory_space<vmem_shared>>
      tpu.enqueue_indirect_dma source(%dma_start3A_583 : memref<64x16xf32, #tpu.memory_space<vmem>>) target(%dma_start3A_589 : memref<10008x16xf32, #tpu.memory_space<vmem_shared>>) offsets(%dma_start3A_586 : memref<64xi32, #tpu.memory_space<vmem>>) semaphore(%arg28 : memref<!tpu.dma_semaphore, #tpu.memory_space<semaphore_mem>>) {add = true}
    } else {
    }
    %add3A_511 = arith.constant 4960 : i32
    %add3A_512 = arith.addi %add3A, %add3A_511 : i32
    %lt3A_513 = arith.constant 5000 : i32
    %lt3A_514 = arith.cmpi slt, %add3A_512, %lt3A_513 : i32
    %convert_element_type3A_515 = arith.extui %lt3A_514 : i1 to i32
    %cond3A_516 = arith.constant 0 : i32
    %cond3A_517 = arith.cmpi ne, %convert_element_type3A_515, %cond3A_516 : i32
    scf.if %cond3A_517 {
      %dma_wait3A = arith.constant 0 : i32
      %dma_wait3A_535 = arith.constant 0 : i32
      %dma_wait3A_536 = arith.constant 0 : i32
      %dma_wait3A_537 = arith.constant 0 : i32
      %dma_wait3A_538 = tpu.memref_slice %arg18[%dma_wait3A, %dma_wait3A_536, %dma_wait3A_537] : memref<2x64x128xf32, #tpu.memory_space<vmem>> -> memref<1x64x128xf32, #tpu.memory_space<vmem>>
      %dma_wait3A_539 = tpu.memref_squeeze %dma_wait3A_538 : memref<1x64x128xf32, #tpu.memory_space<vmem>> -> memref<64x128xf32, #tpu.memory_space<vmem>>
      %dma_wait3A_540 = arith.constant 0 : i32
      %dma_wait3A_541 = tpu.memref_slice %arg15[%dma_wait3A_535, %dma_wait3A_540] : memref<8x64xi32, #tpu.memory_space<vmem>> -> memref<1x64xi32, #tpu.memory_space<vmem>>
      %dma_wait3A_542 = tpu.memref_squeeze %dma_wait3A_541 : memref<1x64xi32, #tpu.memory_space<vmem>> -> memref<64xi32, #tpu.memory_space<vmem>>
      %dma_wait3A_543 = arith.constant 0 : i32
      %dma_wait3A_544 = arith.constant 0 : i32
      %dma_wait3A_545 = tpu.memref_slice %arg12[%dma_wait3A_543, %dma_wait3A_544] : memref<10008x128xf32, #tpu.memory_space<vmem_shared>> -> memref<10008x128xf32, #tpu.memory_space<vmem_shared>>
      tpu.wait_indirect_dma semaphore(%arg25 : memref<!tpu.dma_semaphore, #tpu.memory_space<semaphore_mem>>) src(%dma_wait3A_539 : memref<64x128xf32, #tpu.memory_space<vmem>>) dst(%dma_wait3A_545 : memref<10008x128xf32, #tpu.memory_space<vmem_shared>>)
      %dma_wait3A_546 = arith.constant 0 : i32
      %dma_wait3A_547 = arith.constant 0 : i32
      %dma_wait3A_548 = arith.constant 0 : i32
      %dma_wait3A_549 = arith.constant 0 : i32
      %dma_wait3A_550 = tpu.memref_slice %arg19[%dma_wait3A_546, %dma_wait3A_548, %dma_wait3A_549] : memref<2x64x16xf32, #tpu.memory_space<vmem>> -> memref<1x64x16xf32, #tpu.memory_space<vmem>>
      %dma_wait3A_551 = tpu.memref_squeeze %dma_wait3A_550 : memref<1x64x16xf32, #tpu.memory_space<vmem>> -> memref<64x16xf32, #tpu.memory_space<vmem>>
      %dma_wait3A_552 = arith.constant 0 : i32
      %dma_wait3A_553 = tpu.memref_slice %arg17[%dma_wait3A_547, %dma_wait3A_552] : memref<8x64xi32, #tpu.memory_space<vmem>> -> memref<1x64xi32, #tpu.memory_space<vmem>>
      %dma_wait3A_554 = tpu.memref_squeeze %dma_wait3A_553 : memref<1x64xi32, #tpu.memory_space<vmem>> -> memref<64xi32, #tpu.memory_space<vmem>>
      %dma_wait3A_555 = arith.constant 0 : i32
      %dma_wait3A_556 = arith.constant 0 : i32
      %dma_wait3A_557 = tpu.memref_slice %arg13[%dma_wait3A_555, %dma_wait3A_556] : memref<10008x16xf32, #tpu.memory_space<vmem_shared>> -> memref<10008x16xf32, #tpu.memory_space<vmem_shared>>
      tpu.wait_indirect_dma semaphore(%arg28 : memref<!tpu.dma_semaphore, #tpu.memory_space<semaphore_mem>>) src(%dma_wait3A_551 : memref<64x16xf32, #tpu.memory_space<vmem>>) dst(%dma_wait3A_557 : memref<10008x16xf32, #tpu.memory_space<vmem_shared>>)
    } else {
    }
    %add3A_518 = arith.constant 4992 : i32
    %add3A_519 = arith.addi %add3A, %add3A_518 : i32
    %lt3A_520 = arith.constant 5000 : i32
    %lt3A_521 = arith.cmpi slt, %add3A_519, %lt3A_520 : i32
    %convert_element_type3A_522 = arith.extui %lt3A_521 : i1 to i32
    %cond3A_523 = arith.constant 0 : i32
    %cond3A_524 = arith.cmpi ne, %convert_element_type3A_522, %cond3A_523 : i32
    scf.if %cond3A_524 {
      %dma_wait3A = arith.constant 0 : i32
      %dma_wait3A_535 = arith.constant 0 : i32
      %dma_wait3A_536 = arith.constant 0 : i32
      %dma_wait3A_537 = arith.constant 0 : i32
      %dma_wait3A_538 = tpu.memref_slice %arg18[%dma_wait3A, %dma_wait3A_536, %dma_wait3A_537] : memref<2x64x128xf32, #tpu.memory_space<vmem>> -> memref<1x64x128xf32, #tpu.memory_space<vmem>>
      %dma_wait3A_539 = tpu.memref_squeeze %dma_wait3A_538 : memref<1x64x128xf32, #tpu.memory_space<vmem>> -> memref<64x128xf32, #tpu.memory_space<vmem>>
      %dma_wait3A_540 = arith.constant 0 : i32
      %dma_wait3A_541 = tpu.memref_slice %arg15[%dma_wait3A_535, %dma_wait3A_540] : memref<8x64xi32, #tpu.memory_space<vmem>> -> memref<1x64xi32, #tpu.memory_space<vmem>>
      %dma_wait3A_542 = tpu.memref_squeeze %dma_wait3A_541 : memref<1x64xi32, #tpu.memory_space<vmem>> -> memref<64xi32, #tpu.memory_space<vmem>>
      %dma_wait3A_543 = arith.constant 0 : i32
      %dma_wait3A_544 = arith.constant 0 : i32
      %dma_wait3A_545 = tpu.memref_slice %arg12[%dma_wait3A_543, %dma_wait3A_544] : memref<10008x128xf32, #tpu.memory_space<vmem_shared>> -> memref<10008x128xf32, #tpu.memory_space<vmem_shared>>
      tpu.wait_indirect_dma semaphore(%arg25 : memref<!tpu.dma_semaphore, #tpu.memory_space<semaphore_mem>>) src(%dma_wait3A_539 : memref<64x128xf32, #tpu.memory_space<vmem>>) dst(%dma_wait3A_545 : memref<10008x128xf32, #tpu.memory_space<vmem_shared>>)
      %dma_wait3A_546 = arith.constant 0 : i32
      %dma_wait3A_547 = arith.constant 0 : i32
      %dma_wait3A_548 = arith.constant 0 : i32
      %dma_wait3A_549 = arith.constant 0 : i32
      %dma_wait3A_550 = tpu.memref_slice %arg19[%dma_wait3A_546, %dma_wait3A_548, %dma_wait3A_549] : memref<2x64x16xf32, #tpu.memory_space<vmem>> -> memref<1x64x16xf32, #tpu.memory_space<vmem>>
      %dma_wait3A_551 = tpu.memref_squeeze %dma_wait3A_550 : memref<1x64x16xf32, #tpu.memory_space<vmem>> -> memref<64x16xf32, #tpu.memory_space<vmem>>
      %dma_wait3A_552 = arith.constant 0 : i32
      %dma_wait3A_553 = tpu.memref_slice %arg17[%dma_wait3A_547, %dma_wait3A_552] : memref<8x64xi32, #tpu.memory_space<vmem>> -> memref<1x64xi32, #tpu.memory_space<vmem>>
      %dma_wait3A_554 = tpu.memref_squeeze %dma_wait3A_553 : memref<1x64xi32, #tpu.memory_space<vmem>> -> memref<64xi32, #tpu.memory_space<vmem>>
      %dma_wait3A_555 = arith.constant 0 : i32
      %dma_wait3A_556 = arith.constant 0 : i32
      %dma_wait3A_557 = tpu.memref_slice %arg13[%dma_wait3A_555, %dma_wait3A_556] : memref<10008x16xf32, #tpu.memory_space<vmem_shared>> -> memref<10008x16xf32, #tpu.memory_space<vmem_shared>>
      tpu.wait_indirect_dma semaphore(%arg28 : memref<!tpu.dma_semaphore, #tpu.memory_space<semaphore_mem>>) src(%dma_wait3A_551 : memref<64x16xf32, #tpu.memory_space<vmem>>) dst(%dma_wait3A_557 : memref<10008x16xf32, #tpu.memory_space<vmem_shared>>)
    } else {
    }
    %eq3A = arith.constant 0 : i32
    %eq3A_525 = arith.cmpi eq, %add3A, %eq3A : i32
    %convert_element_type3A_526 = arith.extui %eq3A_525 : i1 to i32
    %cond3A_527 = arith.constant 0 : i32
    %cond3A_528 = arith.cmpi ne, %convert_element_type3A_526, %cond3A_527 : i32
    scf.if %cond3A_528 {
      "tpu.region"() ({
        %run_scoped3A_550 = tpu.sem_alloc : memref<!tpu.dma_semaphore, #tpu.memory_space<semaphore_mem>>
        %dma_start3A_551 = arith.constant 9984 : i32
        %dma_start3A_552 = tpu.memref_slice %arg4[%dma_start3A_551] : memref<10000xi32, #tpu.memory_space<hbm>> -> memref<16xi32, #tpu.memory_space<hbm>>
        %dma_start3A_553 = arith.constant 9984 : i32
        %dma_start3A_554 = tpu.memref_slice %arg4[%dma_start3A_553] : memref<10000xi32, #tpu.memory_space<hbm>> -> memref<16xi32, #tpu.memory_space<hbm>>
        tpu.enqueue_dma source(%dma_start3A_554 : memref<16xi32, #tpu.memory_space<hbm>>) target(%arg20 : memref<16xi32, #tpu.memory_space<vmem>>) target_semaphore(%run_scoped3A_550 : memref<!tpu.dma_semaphore, #tpu.memory_space<semaphore_mem>>)
        %dma_wait3A_555 = arith.constant 9984 : i32
        %dma_wait3A_556 = tpu.memref_slice %arg4[%dma_wait3A_555] : memref<10000xi32, #tpu.memory_space<hbm>> -> memref<16xi32, #tpu.memory_space<hbm>>
        %dma_wait3A_557 = arith.constant 9984 : i32
        %dma_wait3A_558 = tpu.memref_slice %arg4[%dma_wait3A_557] : memref<10000xi32, #tpu.memory_space<hbm>> -> memref<16xi32, #tpu.memory_space<hbm>>
        tpu.wait_dma2 semaphore(%run_scoped3A_550 : memref<!tpu.dma_semaphore, #tpu.memory_space<semaphore_mem>>) src(%dma_wait3A_558 : memref<16xi32, #tpu.memory_space<hbm>>) dst(%arg20 : memref<16xi32, #tpu.memory_space<vmem>>)
        tpu.yield
      }) : () -> ()
      %dma_start3A_535 = arith.constant 0 : i32
      %dma_start3A_536 = arith.constant 0 : i32
      %dma_start3A_537 = arith.constant 0 : i32
      %dma_start3A_538 = tpu.memref_slice %arg18[%dma_start3A_535, %dma_start3A_536, %dma_start3A_537] : memref<2x64x128xf32, #tpu.memory_space<vmem>> -> memref<1x16x128xf32, #tpu.memory_space<vmem>>
      %dma_start3A_539 = tpu.memref_squeeze %dma_start3A_538 : memref<1x16x128xf32, #tpu.memory_space<vmem>> -> memref<16x128xf32, #tpu.memory_space<vmem>>
      %dma_start3A_540 = arith.constant 0 : i32
      %dma_start3A_541 = arith.constant 0 : i32
      %dma_start3A_542 = tpu.memref_slice %arg2[%dma_start3A_540, %dma_start3A_541] : memref<10000x128xf32, #tpu.memory_space<hbm>> -> memref<10000x128xf32, #tpu.memory_space<hbm>>
      tpu.enqueue_indirect_dma source(%dma_start3A_542 : memref<10000x128xf32, #tpu.memory_space<hbm>>) target(%dma_start3A_539 : memref<16x128xf32, #tpu.memory_space<vmem>>) offsets(%arg20 : memref<16xi32, #tpu.memory_space<vmem>>) semaphore(%arg24 : memref<!tpu.dma_semaphore, #tpu.memory_space<semaphore_mem>>)
      %dma_wait3A = arith.constant 0 : i32
      %dma_wait3A_543 = arith.constant 0 : i32
      %dma_wait3A_544 = arith.constant 0 : i32
      %dma_wait3A_545 = tpu.memref_slice %arg18[%dma_wait3A, %dma_wait3A_543, %dma_wait3A_544] : memref<2x64x128xf32, #tpu.memory_space<vmem>> -> memref<1x16x128xf32, #tpu.memory_space<vmem>>
      %dma_wait3A_546 = tpu.memref_squeeze %dma_wait3A_545 : memref<1x16x128xf32, #tpu.memory_space<vmem>> -> memref<16x128xf32, #tpu.memory_space<vmem>>
      %dma_wait3A_547 = arith.constant 0 : i32
      %dma_wait3A_548 = arith.constant 0 : i32
      %dma_wait3A_549 = tpu.memref_slice %arg2[%dma_wait3A_547, %dma_wait3A_548] : memref<10000x128xf32, #tpu.memory_space<hbm>> -> memref<10000x128xf32, #tpu.memory_space<hbm>>
      tpu.wait_indirect_dma semaphore(%arg24 : memref<!tpu.dma_semaphore, #tpu.memory_space<semaphore_mem>>) src(%dma_wait3A_549 : memref<10000x128xf32, #tpu.memory_space<hbm>>) dst(%dma_wait3A_546 : memref<16x128xf32, #tpu.memory_space<vmem>>)
      %run_scoped3A = arith.constant 0 : i32
      "tpu.region"() ({
        %run_scoped3A_550 = tpu.sem_alloc : memref<!tpu.dma_semaphore, #tpu.memory_space<semaphore_mem>>
        %dma_start3A_551 = arith.constant 0 : i32
        %dma_start3A_552 = arith.constant 0 : i32
        %dma_start3A_553 = tpu.memref_slice %arg18[%run_scoped3A, %dma_start3A_551, %dma_start3A_552] : memref<2x64x128xf32, #tpu.memory_space<vmem>> -> memref<1x16x128xf32, #tpu.memory_space<vmem>>
        %dma_start3A_554 = tpu.memref_squeeze %dma_start3A_553 : memref<1x16x128xf32, #tpu.memory_space<vmem>> -> memref<16x128xf32, #tpu.memory_space<vmem>>
        %dma_start3A_555 = arith.constant 9984 : i32
        %dma_start3A_556 = arith.constant 0 : i32
        %dma_start3A_557 = tpu.memref_slice %arg9[%dma_start3A_555, %dma_start3A_556] : memref<10000x128xf32, #tpu.memory_space<hbm>> -> memref<16x128xf32, #tpu.memory_space<hbm>>
        %dma_start3A_558 = arith.constant 9984 : i32
        %dma_start3A_559 = arith.constant 0 : i32
        %dma_start3A_560 = tpu.memref_slice %arg9[%dma_start3A_558, %dma_start3A_559] : memref<10000x128xf32, #tpu.memory_space<hbm>> -> memref<16x128xf32, #tpu.memory_space<hbm>>
        %dma_start3A_561 = arith.constant 0 : i32
        %dma_start3A_562 = arith.constant 0 : i32
        %dma_start3A_563 = tpu.memref_slice %arg18[%run_scoped3A, %dma_start3A_561, %dma_start3A_562] : memref<2x64x128xf32, #tpu.memory_space<vmem>> -> memref<1x16x128xf32, #tpu.memory_space<vmem>>
        %dma_start3A_564 = tpu.memref_squeeze %dma_start3A_563 : memref<1x16x128xf32, #tpu.memory_space<vmem>> -> memref<16x128xf32, #tpu.memory_space<vmem>>
        tpu.enqueue_dma source(%dma_start3A_564 : memref<16x128xf32, #tpu.memory_space<vmem>>) target(%dma_start3A_560 : memref<16x128xf32, #tpu.memory_space<hbm>>) target_semaphore(%run_scoped3A_550 : memref<!tpu.dma_semaphore, #tpu.memory_space<semaphore_mem>>)
        %dma_wait3A_565 = arith.constant 0 : i32
        %dma_wait3A_566 = arith.constant 0 : i32
        %dma_wait3A_567 = tpu.memref_slice %arg18[%run_scoped3A, %dma_wait3A_565, %dma_wait3A_566] : memref<2x64x128xf32, #tpu.memory_space<vmem>> -> memref<1x16x128xf32, #tpu.memory_space<vmem>>
        %dma_wait3A_568 = tpu.memref_squeeze %dma_wait3A_567 : memref<1x16x128xf32, #tpu.memory_space<vmem>> -> memref<16x128xf32, #tpu.memory_space<vmem>>
        %dma_wait3A_569 = arith.constant 9984 : i32
        %dma_wait3A_570 = arith.constant 0 : i32
        %dma_wait3A_571 = tpu.memref_slice %arg9[%dma_wait3A_569, %dma_wait3A_570] : memref<10000x128xf32, #tpu.memory_space<hbm>> -> memref<16x128xf32, #tpu.memory_space<hbm>>
        %dma_wait3A_572 = arith.constant 9984 : i32
        %dma_wait3A_573 = arith.constant 0 : i32
        %dma_wait3A_574 = tpu.memref_slice %arg9[%dma_wait3A_572, %dma_wait3A_573] : memref<10000x128xf32, #tpu.memory_space<hbm>> -> memref<16x128xf32, #tpu.memory_space<hbm>>
        %dma_wait3A_575 = arith.constant 0 : i32
        %dma_wait3A_576 = arith.constant 0 : i32
        %dma_wait3A_577 = tpu.memref_slice %arg18[%run_scoped3A, %dma_wait3A_575, %dma_wait3A_576] : memref<2x64x128xf32, #tpu.memory_space<vmem>> -> memref<1x16x128xf32, #tpu.memory_space<vmem>>
        %dma_wait3A_578 = tpu.memref_squeeze %dma_wait3A_577 : memref<1x16x128xf32, #tpu.memory_space<vmem>> -> memref<16x128xf32, #tpu.memory_space<vmem>>
        tpu.wait_dma2 semaphore(%run_scoped3A_550 : memref<!tpu.dma_semaphore, #tpu.memory_space<semaphore_mem>>) src(%dma_wait3A_578 : memref<16x128xf32, #tpu.memory_space<vmem>>) dst(%dma_wait3A_574 : memref<16x128xf32, #tpu.memory_space<hbm>>)
        tpu.yield
      }) : () -> ()
    } else {
    }
    %barrier3A_529 = arith.constant 0 : index
    tpu.barrier barrier_id(%barrier3A_529)
    %scan3A_530 = arith.constant 0 : i32
    %scan3A_531 = arith.constant 2 : i32
    %scan3A_532 = arith.addi %scan3A_530, %scan3A_531 : i32
    %scan3A_533 = arith.constant 1 : i32
    scf.for %scan3A_535 = %scan3A_530 to %scan3A_532 step %scan3A_533  : i32 {
      %mul3A_536 = arith.constant 16 : i32
      %mul3A_537 = arith.muli %mul3A_536, %scan3A_535 : i32
      %add3A_538 = arith.addi %arg1, %mul3A_537 : i32
      %lt3A_539 = arith.constant 25 : i32
      %lt3A_540 = arith.cmpi slt, %add3A_538, %lt3A_539 : i32
      %convert_element_type3A_541 = arith.extui %lt3A_540 : i1 to i32
      %cond3A_542 = arith.constant 0 : i32
      %cond3A_543 = arith.cmpi ne, %convert_element_type3A_541, %cond3A_542 : i32
      scf.if %cond3A_543 {
        %mul3A_544 = arith.constant 400 : i32
        %mul3A_545 = arith.muli %add3A_538, %mul3A_544 : i32
        "tpu.region"() ({
          %run_scoped3A = tpu.sem_alloc : memref<!tpu.dma_semaphore, #tpu.memory_space<semaphore_mem>>
          %dma_start3A_546 = arith.constant 0 : i32
          %dma_start3A_547 = tpu.memref_slice %arg10[%arg0, %mul3A_545, %dma_start3A_546] : memref<2x10000x128xf32, #tpu.memory_space<hbm>> -> memref<1x400x128xf32, #tpu.memory_space<hbm>>
          %dma_start3A_548 = tpu.memref_squeeze %dma_start3A_547 : memref<1x400x128xf32, #tpu.memory_space<hbm>> -> memref<400x128xf32, #tpu.memory_space<hbm>>
          %dma_start3A_549 = arith.constant 0 : i32
          %dma_start3A_550 = tpu.memref_slice %arg12[%mul3A_545, %dma_start3A_549] : memref<10008x128xf32, #tpu.memory_space<vmem_shared>> -> memref<400x128xf32, #tpu.memory_space<vmem_shared>>
          tpu.enqueue_dma source(%dma_start3A_550 : memref<400x128xf32, #tpu.memory_space<vmem_shared>>) target(%dma_start3A_548 : memref<400x128xf32, #tpu.memory_space<hbm>>) target_semaphore(%run_scoped3A : memref<!tpu.dma_semaphore, #tpu.memory_space<semaphore_mem>>)
          %dma_wait3A = arith.constant 0 : i32
          %dma_wait3A_551 = tpu.memref_slice %arg10[%arg0, %mul3A_545, %dma_wait3A] : memref<2x10000x128xf32, #tpu.memory_space<hbm>> -> memref<1x400x128xf32, #tpu.memory_space<hbm>>
          %dma_wait3A_552 = tpu.memref_squeeze %dma_wait3A_551 : memref<1x400x128xf32, #tpu.memory_space<hbm>> -> memref<400x128xf32, #tpu.memory_space<hbm>>
          %dma_wait3A_553 = arith.constant 0 : i32
          %dma_wait3A_554 = tpu.memref_slice %arg12[%mul3A_545, %dma_wait3A_553] : memref<10008x128xf32, #tpu.memory_space<vmem_shared>> -> memref<400x128xf32, #tpu.memory_space<vmem_shared>>
          tpu.wait_dma2 semaphore(%run_scoped3A : memref<!tpu.dma_semaphore, #tpu.memory_space<semaphore_mem>>) src(%dma_wait3A_554 : memref<400x128xf32, #tpu.memory_space<vmem_shared>>) dst(%dma_wait3A_552 : memref<400x128xf32, #tpu.memory_space<hbm>>)
          tpu.yield
        }) : () -> ()
        "tpu.region"() ({
          %run_scoped3A = tpu.sem_alloc : memref<!tpu.dma_semaphore, #tpu.memory_space<semaphore_mem>>
          %dma_start3A_546 = arith.constant 0 : i32
          %dma_start3A_547 = tpu.memref_slice %arg11[%arg0, %mul3A_545, %dma_start3A_546] : memref<2x10000x16xf32, #tpu.memory_space<hbm>> -> memref<1x400x16xf32, #tpu.memory_space<hbm>>
          %dma_start3A_548 = tpu.memref_squeeze %dma_start3A_547 : memref<1x400x16xf32, #tpu.memory_space<hbm>> -> memref<400x16xf32, #tpu.memory_space<hbm>>
          %dma_start3A_549 = arith.constant 0 : i32
          %dma_start3A_550 = tpu.memref_slice %arg13[%mul3A_545, %dma_start3A_549] : memref<10008x16xf32, #tpu.memory_space<vmem_shared>> -> memref<400x16xf32, #tpu.memory_space<vmem_shared>>
          tpu.enqueue_dma source(%dma_start3A_550 : memref<400x16xf32, #tpu.memory_space<vmem_shared>>) target(%dma_start3A_548 : memref<400x16xf32, #tpu.memory_space<hbm>>) target_semaphore(%run_scoped3A : memref<!tpu.dma_semaphore, #tpu.memory_space<semaphore_mem>>)
          %dma_wait3A = arith.constant 0 : i32
          %dma_wait3A_551 = tpu.memref_slice %arg11[%arg0, %mul3A_545, %dma_wait3A] : memref<2x10000x16xf32, #tpu.memory_space<hbm>> -> memref<1x400x16xf32, #tpu.memory_space<hbm>>
          %dma_wait3A_552 = tpu.memref_squeeze %dma_wait3A_551 : memref<1x400x16xf32, #tpu.memory_space<hbm>> -> memref<400x16xf32, #tpu.memory_space<hbm>>
          %dma_wait3A_553 = arith.constant 0 : i32
          %dma_wait3A_554 = tpu.memref_slice %arg13[%mul3A_545, %dma_wait3A_553] : memref<10008x16xf32, #tpu.memory_space<vmem_shared>> -> memref<400x16xf32, #tpu.memory_space<vmem_shared>>
          tpu.wait_dma2 semaphore(%run_scoped3A : memref<!tpu.dma_semaphore, #tpu.memory_space<semaphore_mem>>) src(%dma_wait3A_554 : memref<400x16xf32, #tpu.memory_space<vmem_shared>>) dst(%dma_wait3A_552 : memref<400x16xf32, #tpu.memory_space<hbm>>)
          tpu.yield
        }) : () -> ()
      } else {
      }
    }
    %scan3A_534 = arith.constant 2 : i32
    return
  }
}

module attributes {stable_mosaic.version = 14 : i64} {
  func.func @_tc_self_body(%arg0: i32, %arg1: memref<1000x128xf32, #tpu.memory_space<vmem>>, %arg2: memref<128x128xf32, #tpu.memory_space<vmem>>, %arg3: memref<128xf32, #tpu.memory_space<vmem>>, %arg4: memref<128x64xf32, #tpu.memory_space<vmem>>, %arg5: memref<64xf32, #tpu.memory_space<vmem>>, %arg6: memref<1000x64xf32, #tpu.memory_space<vmem>>) attributes {dimension_semantics = [#tpu.dimension_semantics<arbitrary>], iteration_bounds = array<i64: 10>, scalar_prefetch = 0 : i64, scratch_operands = 0 : i64, tpu.core_type = #tpu.core_type<tc>, window_params = [{transform_indices = @transform_0, window_bounds = array<i64: 1000, 128>}, {pipeline_mode = #tpu.pipeline_mode<synchronous>, transform_indices = @transform_1, window_bounds = array<i64: 128, 128>}, {pipeline_mode = #tpu.pipeline_mode<synchronous>, transform_indices = @transform_2, window_bounds = array<i64: 128>}, {pipeline_mode = #tpu.pipeline_mode<synchronous>, transform_indices = @transform_3, window_bounds = array<i64: 128, 64>}, {pipeline_mode = #tpu.pipeline_mode<synchronous>, transform_indices = @transform_4, window_bounds = array<i64: 64>}, {transform_indices = @transform_5, window_bounds = array<i64: 1000, 64>}]} {
    %get3A = arith.constant 0 : index
    %get3A_0 = arith.constant 0 : index
    %get3A_1 = vector.load %arg1[%get3A, %get3A_0] : memref<1000x128xf32, #tpu.memory_space<vmem>>, vector<1000x128xf32>
    %get3A_2 = arith.constant 0 : index
    %get3A_3 = arith.constant 0 : index
    %get3A_4 = vector.load %arg2[%get3A_2, %get3A_3] : memref<128x128xf32, #tpu.memory_space<vmem>>, vector<128x128xf32>
    %dot_general3A = arith.constant dense<0.000000e+00> : vector<1000x128xf32>
    %dot_general3A_5 = tpu.matmul %get3A_1, %get3A_4, %dot_general3A {dimension_numbers = #tpu.dot_dimension_numbers<[1], [0], [0], [1], [0, 0, 1, 1], [], []>, transpose_lhs_hint = false} : vector<1000x128xf32>, vector<128x128xf32>, vector<1000x128xf32> -> vector<1000x128xf32>
    %get3A_6 = arith.constant 0 : index
    %get3A_7 = vector.load %arg3[%get3A_6] : memref<128xf32, #tpu.memory_space<vmem>>, vector<128xf32>
    %broadcast_in_dim3A = vector.shape_cast %get3A_7 : vector<128xf32> to vector<1x128xf32>
    %add3A = vector.broadcast %broadcast_in_dim3A : vector<1x128xf32> to vector<1000x128xf32>
    %add3A_8 = arith.addf %dot_general3A_5, %add3A : vector<1000x128xf32>
    %max3A = arith.constant 0.000000e+00 : f32
    %max3A_9 = vector.broadcast %max3A : f32 to vector<1000x128xf32>
    %max3A_10 = arith.maximumf %add3A_8, %max3A_9 : vector<1000x128xf32>
    %get3A_11 = arith.constant 0 : index
    %get3A_12 = arith.constant 0 : index
    %get3A_13 = vector.load %arg4[%get3A_11, %get3A_12] : memref<128x64xf32, #tpu.memory_space<vmem>>, vector<128x64xf32>
    %dot_general3A_14 = arith.constant dense<0.000000e+00> : vector<1000x64xf32>
    %dot_general3A_15 = tpu.matmul %max3A_10, %get3A_13, %dot_general3A_14 {dimension_numbers = #tpu.dot_dimension_numbers<[1], [0], [0], [1], [0, 0, 1, 1], [], []>, transpose_lhs_hint = false} : vector<1000x128xf32>, vector<128x64xf32>, vector<1000x64xf32> -> vector<1000x64xf32>
    %get3A_16 = arith.constant 0 : index
    %get3A_17 = vector.load %arg5[%get3A_16] : memref<64xf32, #tpu.memory_space<vmem>>, vector<64xf32>
    %broadcast_in_dim3A_18 = vector.shape_cast %get3A_17 : vector<64xf32> to vector<1x64xf32>
    %add3A_19 = vector.broadcast %broadcast_in_dim3A_18 : vector<1x64xf32> to vector<1000x64xf32>
    %add3A_20 = arith.addf %dot_general3A_15, %add3A_19 : vector<1000x64xf32>
    %swap3A = arith.constant 0 : index
    %swap3A_21 = arith.constant 0 : index
    %swap3A_22 = vector.load %arg6[%swap3A, %swap3A_21] : memref<1000x64xf32, #tpu.memory_space<vmem>>, vector<1000x64xf32>
    tpu.vector_store %arg6[%swap3A, %swap3A_21], %add3A_20 {strides = array<i32>} : memref<1000x64xf32, #tpu.memory_space<vmem>>, vector<1000x64xf32>,
    return
  }
  func.func @transform_0(%arg0: i32) -> (i32, i32) {
    %c0_i32 = arith.constant 0 : i32
    %c0_i32_0 = arith.constant 0 : i32
    return %arg0, %c0_i32 : i32, i32
  }
  func.func @transform_1(%arg0: i32) -> (i32, i32) {
    %c0_i32 = arith.constant 0 : i32
    %c0_i32_0 = arith.constant 0 : i32
    %c0_i32_1 = arith.constant 0 : i32
    return %c0_i32, %c0_i32_0 : i32, i32
  }
  func.func @transform_2(%arg0: i32) -> i32 {
    %c0_i32 = arith.constant 0 : i32
    %c0_i32_0 = arith.constant 0 : i32
    return %c0_i32 : i32
  }
  func.func @transform_3(%arg0: i32) -> (i32, i32) {
    %c0_i32 = arith.constant 0 : i32
    %c0_i32_0 = arith.constant 0 : i32
    %c0_i32_1 = arith.constant 0 : i32
    return %c0_i32, %c0_i32_0 : i32, i32
  }
  func.func @transform_4(%arg0: i32) -> i32 {
    %c0_i32 = arith.constant 0 : i32
    %c0_i32_0 = arith.constant 0 : i32
    return %c0_i32 : i32
  }
  func.func @transform_5(%arg0: i32) -> (i32, i32) {
    %c0_i32 = arith.constant 0 : i32
    %c0_i32_0 = arith.constant 0 : i32
    return %arg0, %c0_i32 : i32, i32
  }
}

module attributes {stable_mosaic.version = 14 : i64} {
  func.func @_tc_body(%arg0: i32, %arg1: memref<1000x64xf32, #tpu.memory_space<vmem>>, %arg2: memref<1000x128xf32, #tpu.memory_space<vmem>>, %arg3: memref<2x1000x128xf32, #tpu.memory_space<vmem>>, %arg4: memref<2x1000x16xf32, #tpu.memory_space<vmem>>, %arg5: memref<128x128xf32, #tpu.memory_space<vmem>>, %arg6: memref<128xf32, #tpu.memory_space<vmem>>, %arg7: memref<128x64xf32, #tpu.memory_space<vmem>>, %arg8: memref<64xf32, #tpu.memory_space<vmem>>, %arg9: memref<128x128xf32, #tpu.memory_space<vmem>>, %arg10: memref<128xf32, #tpu.memory_space<vmem>>, %arg11: memref<128x64xf32, #tpu.memory_space<vmem>>, %arg12: memref<64xf32, #tpu.memory_space<vmem>>, %arg13: memref<16x128xf32, #tpu.memory_space<vmem>>, %arg14: memref<128xf32, #tpu.memory_space<vmem>>, %arg15: memref<128x64xf32, #tpu.memory_space<vmem>>, %arg16: memref<64xf32, #tpu.memory_space<vmem>>, %arg17: memref<256x128xf32, #tpu.memory_space<vmem>>, %arg18: memref<128xf32, #tpu.memory_space<vmem>>, %arg19: memref<128x64xf32, #tpu.memory_space<vmem>>, %arg20: memref<64xf32, #tpu.memory_space<vmem>>, %arg21: memref<64x64xf32, #tpu.memory_space<vmem>>, %arg22: memref<64xf32, #tpu.memory_space<vmem>>, %arg23: memref<1000x64xf32, #tpu.memory_space<vmem>>) attributes {dimension_semantics = [#tpu.dimension_semantics<arbitrary>], iteration_bounds = array<i64: 10>, scalar_prefetch = 0 : i64, scratch_operands = 0 : i64, tpu.core_type = #tpu.core_type<tc>, window_params = [{transform_indices = @transform_0, window_bounds = array<i64: 1000, 64>}, {transform_indices = @transform_1, window_bounds = array<i64: 1000, 128>}, {transform_indices = @transform_2, window_bounds = array<i64: 2, 1000, 128>}, {transform_indices = @transform_3, window_bounds = array<i64: 2, 1000, 16>}, {pipeline_mode = #tpu.pipeline_mode<synchronous>, transform_indices = @transform_4, window_bounds = array<i64: 128, 128>}, {pipeline_mode = #tpu.pipeline_mode<synchronous>, transform_indices = @transform_5, window_bounds = array<i64: 128>}, {pipeline_mode = #tpu.pipeline_mode<synchronous>, transform_indices = @transform_6, window_bounds = array<i64: 128, 64>}, {pipeline_mode = #tpu.pipeline_mode<synchronous>, transform_indices = @transform_7, window_bounds = array<i64: 64>}, {pipeline_mode = #tpu.pipeline_mode<synchronous>, transform_indices = @transform_8, window_bounds = array<i64: 128, 128>}, {pipeline_mode = #tpu.pipeline_mode<synchronous>, transform_indices = @transform_9, window_bounds = array<i64: 128>}, {pipeline_mode = #tpu.pipeline_mode<synchronous>, transform_indices = @transform_10, window_bounds = array<i64: 128, 64>}, {pipeline_mode = #tpu.pipeline_mode<synchronous>, transform_indices = @transform_11, window_bounds = array<i64: 64>}, {pipeline_mode = #tpu.pipeline_mode<synchronous>, transform_indices = @transform_12, window_bounds = array<i64: 16, 128>}, {pipeline_mode = #tpu.pipeline_mode<synchronous>, transform_indices = @transform_13, window_bounds = array<i64: 128>}, {pipeline_mode = #tpu.pipeline_mode<synchronous>, transform_indices = @transform_14, window_bounds = array<i64: 128, 64>}, {pipeline_mode = #tpu.pipeline_mode<synchronous>, transform_indices = @transform_15, window_bounds = array<i64: 64>}, {pipeline_mode = #tpu.pipeline_mode<synchronous>, transform_indices = @transform_16, window_bounds = array<i64: 256, 128>}, {pipeline_mode = #tpu.pipeline_mode<synchronous>, transform_indices = @transform_17, window_bounds = array<i64: 128>}, {pipeline_mode = #tpu.pipeline_mode<synchronous>, transform_indices = @transform_18, window_bounds = array<i64: 128, 64>}, {pipeline_mode = #tpu.pipeline_mode<synchronous>, transform_indices = @transform_19, window_bounds = array<i64: 64>}, {pipeline_mode = #tpu.pipeline_mode<synchronous>, transform_indices = @transform_20, window_bounds = array<i64: 64, 64>}, {pipeline_mode = #tpu.pipeline_mode<synchronous>, transform_indices = @transform_21, window_bounds = array<i64: 64>}, {transform_indices = @transform_22, window_bounds = array<i64: 1000, 64>}]} {
    %get3A = arith.constant 0 : index
    %get3A_0 = arith.constant 0 : index
    %get3A_1 = vector.load %arg1[%get3A, %get3A_0] : memref<1000x64xf32, #tpu.memory_space<vmem>>, vector<1000x64xf32>
    %get3A_2 = arith.constant 0 : index
    %get3A_3 = arith.constant 0 : index
    %get3A_4 = vector.load %arg2[%get3A_2, %get3A_3] : memref<1000x128xf32, #tpu.memory_space<vmem>>, vector<1000x128xf32>
    %get3A_5 = arith.constant 0 : index
    %get3A_6 = arith.constant 0 : index
    %get3A_7 = vector.load %arg5[%get3A_5, %get3A_6] : memref<128x128xf32, #tpu.memory_space<vmem>>, vector<128x128xf32>
    %dot_general3A = arith.constant dense<0.000000e+00> : vector<1000x128xf32>
    %dot_general3A_8 = tpu.matmul %get3A_4, %get3A_7, %dot_general3A {dimension_numbers = #tpu.dot_dimension_numbers<[1], [0], [0], [1], [0, 0, 1, 1], [], []>, transpose_lhs_hint = false} : vector<1000x128xf32>, vector<128x128xf32>, vector<1000x128xf32> -> vector<1000x128xf32>
    %get3A_9 = arith.constant 0 : index
    %get3A_10 = vector.load %arg6[%get3A_9] : memref<128xf32, #tpu.memory_space<vmem>>, vector<128xf32>
    %broadcast_in_dim3A = vector.shape_cast %get3A_10 : vector<128xf32> to vector<1x128xf32>
    %add3A = vector.broadcast %broadcast_in_dim3A : vector<1x128xf32> to vector<1000x128xf32>
    %add3A_11 = arith.addf %dot_general3A_8, %add3A : vector<1000x128xf32>
    %max3A = arith.constant 0.000000e+00 : f32
    %max3A_12 = vector.broadcast %max3A : f32 to vector<1000x128xf32>
    %max3A_13 = arith.maximumf %add3A_11, %max3A_12 : vector<1000x128xf32>
    %get3A_14 = arith.constant 0 : index
    %get3A_15 = arith.constant 0 : index
    %get3A_16 = vector.load %arg7[%get3A_14, %get3A_15] : memref<128x64xf32, #tpu.memory_space<vmem>>, vector<128x64xf32>
    %dot_general3A_17 = arith.constant dense<0.000000e+00> : vector<1000x64xf32>
    %dot_general3A_18 = tpu.matmul %max3A_13, %get3A_16, %dot_general3A_17 {dimension_numbers = #tpu.dot_dimension_numbers<[1], [0], [0], [1], [0, 0, 1, 1], [], []>, transpose_lhs_hint = false} : vector<1000x128xf32>, vector<128x64xf32>, vector<1000x64xf32> -> vector<1000x64xf32>
    %get3A_19 = arith.constant 0 : index
    %get3A_20 = vector.load %arg8[%get3A_19] : memref<64xf32, #tpu.memory_space<vmem>>, vector<64xf32>
    %broadcast_in_dim3A_21 = vector.shape_cast %get3A_20 : vector<64xf32> to vector<1x64xf32>
    %add3A_22 = vector.broadcast %broadcast_in_dim3A_21 : vector<1x64xf32> to vector<1000x64xf32>
    %add3A_23 = arith.addf %dot_general3A_18, %add3A_22 : vector<1000x64xf32>
    %get3A_24 = arith.constant 0 : index
    %get3A_25 = arith.constant 0 : index
    %get3A_26 = arith.constant 0 : index
    %get3A_27 = vector.load %arg3[%get3A_24, %get3A_25, %get3A_26] : memref<2x1000x128xf32, #tpu.memory_space<vmem>>, vector<1x1000x128xf32>
    %get3A_28 = vector.shape_cast %get3A_27 : vector<1x1000x128xf32> to vector<1000x128xf32>
    %get3A_29 = arith.constant 1 : index
    %get3A_30 = arith.constant 0 : index
    %get3A_31 = arith.constant 0 : index
    %get3A_32 = vector.load %arg3[%get3A_29, %get3A_30, %get3A_31] : memref<2x1000x128xf32, #tpu.memory_space<vmem>>, vector<1x1000x128xf32>
    %get3A_33 = vector.shape_cast %get3A_32 : vector<1x1000x128xf32> to vector<1000x128xf32>
    %add3A_34 = arith.addf %get3A_28, %get3A_33 : vector<1000x128xf32>
    %get3A_35 = arith.constant 0 : index
    %get3A_36 = arith.constant 0 : index
    %get3A_37 = vector.load %arg9[%get3A_35, %get3A_36] : memref<128x128xf32, #tpu.memory_space<vmem>>, vector<128x128xf32>
    %dot_general3A_38 = arith.constant dense<0.000000e+00> : vector<1000x128xf32>
    %dot_general3A_39 = tpu.matmul %add3A_34, %get3A_37, %dot_general3A_38 {dimension_numbers = #tpu.dot_dimension_numbers<[1], [0], [0], [1], [0, 0, 1, 1], [], []>, transpose_lhs_hint = false} : vector<1000x128xf32>, vector<128x128xf32>, vector<1000x128xf32> -> vector<1000x128xf32>
    %get3A_40 = arith.constant 0 : index
    %get3A_41 = vector.load %arg10[%get3A_40] : memref<128xf32, #tpu.memory_space<vmem>>, vector<128xf32>
    %broadcast_in_dim3A_42 = vector.shape_cast %get3A_41 : vector<128xf32> to vector<1x128xf32>
    %add3A_43 = vector.broadcast %broadcast_in_dim3A_42 : vector<1x128xf32> to vector<1000x128xf32>
    %add3A_44 = arith.addf %dot_general3A_39, %add3A_43 : vector<1000x128xf32>
    %max3A_45 = arith.constant 0.000000e+00 : f32
    %max3A_46 = vector.broadcast %max3A_45 : f32 to vector<1000x128xf32>
    %max3A_47 = arith.maximumf %add3A_44, %max3A_46 : vector<1000x128xf32>
    %get3A_48 = arith.constant 0 : index
    %get3A_49 = arith.constant 0 : index
    %get3A_50 = vector.load %arg11[%get3A_48, %get3A_49] : memref<128x64xf32, #tpu.memory_space<vmem>>, vector<128x64xf32>
    %dot_general3A_51 = arith.constant dense<0.000000e+00> : vector<1000x64xf32>
    %dot_general3A_52 = tpu.matmul %max3A_47, %get3A_50, %dot_general3A_51 {dimension_numbers = #tpu.dot_dimension_numbers<[1], [0], [0], [1], [0, 0, 1, 1], [], []>, transpose_lhs_hint = false} : vector<1000x128xf32>, vector<128x64xf32>, vector<1000x64xf32> -> vector<1000x64xf32>
    %get3A_53 = arith.constant 0 : index
    %get3A_54 = vector.load %arg12[%get3A_53] : memref<64xf32, #tpu.memory_space<vmem>>, vector<64xf32>
    %broadcast_in_dim3A_55 = vector.shape_cast %get3A_54 : vector<64xf32> to vector<1x64xf32>
    %add3A_56 = vector.broadcast %broadcast_in_dim3A_55 : vector<1x64xf32> to vector<1000x64xf32>
    %add3A_57 = arith.addf %dot_general3A_52, %add3A_56 : vector<1000x64xf32>
    %get3A_58 = arith.constant 0 : index
    %get3A_59 = arith.constant 0 : index
    %get3A_60 = arith.constant 0 : index
    %get3A_61 = vector.load %arg4[%get3A_58, %get3A_59, %get3A_60] : memref<2x1000x16xf32, #tpu.memory_space<vmem>>, vector<1x1000x16xf32>
    %get3A_62 = vector.shape_cast %get3A_61 : vector<1x1000x16xf32> to vector<1000x16xf32>
    %get3A_63 = arith.constant 1 : index
    %get3A_64 = arith.constant 0 : index
    %get3A_65 = arith.constant 0 : index
    %get3A_66 = vector.load %arg4[%get3A_63, %get3A_64, %get3A_65] : memref<2x1000x16xf32, #tpu.memory_space<vmem>>, vector<1x1000x16xf32>
    %get3A_67 = vector.shape_cast %get3A_66 : vector<1x1000x16xf32> to vector<1000x16xf32>
    %add3A_68 = arith.addf %get3A_62, %get3A_67 : vector<1000x16xf32>
    %get3A_69 = arith.constant 0 : index
    %get3A_70 = arith.constant 0 : index
    %get3A_71 = vector.load %arg13[%get3A_69, %get3A_70] : memref<16x128xf32, #tpu.memory_space<vmem>>, vector<16x128xf32>
    %dot_general3A_72 = arith.constant dense<0.000000e+00> : vector<1000x128xf32>
    %dot_general3A_73 = tpu.matmul %add3A_68, %get3A_71, %dot_general3A_72 {dimension_numbers = #tpu.dot_dimension_numbers<[1], [0], [0], [1], [0, 0, 1, 1], [], []>, transpose_lhs_hint = false} : vector<1000x16xf32>, vector<16x128xf32>, vector<1000x128xf32> -> vector<1000x128xf32>
    %get3A_74 = arith.constant 0 : index
    %get3A_75 = vector.load %arg14[%get3A_74] : memref<128xf32, #tpu.memory_space<vmem>>, vector<128xf32>
    %broadcast_in_dim3A_76 = vector.shape_cast %get3A_75 : vector<128xf32> to vector<1x128xf32>
    %add3A_77 = vector.broadcast %broadcast_in_dim3A_76 : vector<1x128xf32> to vector<1000x128xf32>
    %add3A_78 = arith.addf %dot_general3A_73, %add3A_77 : vector<1000x128xf32>
    %max3A_79 = arith.constant 0.000000e+00 : f32
    %max3A_80 = vector.broadcast %max3A_79 : f32 to vector<1000x128xf32>
    %max3A_81 = arith.maximumf %add3A_78, %max3A_80 : vector<1000x128xf32>
    %get3A_82 = arith.constant 0 : index
    %get3A_83 = arith.constant 0 : index
    %get3A_84 = vector.load %arg15[%get3A_82, %get3A_83] : memref<128x64xf32, #tpu.memory_space<vmem>>, vector<128x64xf32>
    %dot_general3A_85 = arith.constant dense<0.000000e+00> : vector<1000x64xf32>
    %dot_general3A_86 = tpu.matmul %max3A_81, %get3A_84, %dot_general3A_85 {dimension_numbers = #tpu.dot_dimension_numbers<[1], [0], [0], [1], [0, 0, 1, 1], [], []>, transpose_lhs_hint = false} : vector<1000x128xf32>, vector<128x64xf32>, vector<1000x64xf32> -> vector<1000x64xf32>
    %get3A_87 = arith.constant 0 : index
    %get3A_88 = vector.load %arg16[%get3A_87] : memref<64xf32, #tpu.memory_space<vmem>>, vector<64xf32>
    %broadcast_in_dim3A_89 = vector.shape_cast %get3A_88 : vector<64xf32> to vector<1x64xf32>
    %add3A_90 = vector.broadcast %broadcast_in_dim3A_89 : vector<1x64xf32> to vector<1000x64xf32>
    %add3A_91 = arith.addf %dot_general3A_86, %add3A_90 : vector<1000x64xf32>
    %concatenate3A = tpu.concatenate %add3A_23, %add3A_57, %add3A_91, %get3A_1 in 1 : vector<1000x64xf32>, vector<1000x64xf32>, vector<1000x64xf32>, vector<1000x64xf32> -> vector<1000x256xf32>
    %get3A_92 = arith.constant 0 : index
    %get3A_93 = arith.constant 0 : index
    %get3A_94 = vector.load %arg17[%get3A_92, %get3A_93] : memref<256x128xf32, #tpu.memory_space<vmem>>, vector<256x128xf32>
    %dot_general3A_95 = arith.constant dense<0.000000e+00> : vector<1000x128xf32>
    %dot_general3A_96 = tpu.matmul %concatenate3A, %get3A_94, %dot_general3A_95 {dimension_numbers = #tpu.dot_dimension_numbers<[1], [0], [0], [1], [0, 0, 1, 1], [], []>, transpose_lhs_hint = false} : vector<1000x256xf32>, vector<256x128xf32>, vector<1000x128xf32> -> vector<1000x128xf32>
    %get3A_97 = arith.constant 0 : index
    %get3A_98 = vector.load %arg18[%get3A_97] : memref<128xf32, #tpu.memory_space<vmem>>, vector<128xf32>
    %broadcast_in_dim3A_99 = vector.shape_cast %get3A_98 : vector<128xf32> to vector<1x128xf32>
    %add3A_100 = vector.broadcast %broadcast_in_dim3A_99 : vector<1x128xf32> to vector<1000x128xf32>
    %add3A_101 = arith.addf %dot_general3A_96, %add3A_100 : vector<1000x128xf32>
    %max3A_102 = arith.constant 0.000000e+00 : f32
    %max3A_103 = vector.broadcast %max3A_102 : f32 to vector<1000x128xf32>
    %max3A_104 = arith.maximumf %add3A_101, %max3A_103 : vector<1000x128xf32>
    %get3A_105 = arith.constant 0 : index
    %get3A_106 = arith.constant 0 : index
    %get3A_107 = vector.load %arg19[%get3A_105, %get3A_106] : memref<128x64xf32, #tpu.memory_space<vmem>>, vector<128x64xf32>
    %dot_general3A_108 = arith.constant dense<0.000000e+00> : vector<1000x64xf32>
    %dot_general3A_109 = tpu.matmul %max3A_104, %get3A_107, %dot_general3A_108 {dimension_numbers = #tpu.dot_dimension_numbers<[1], [0], [0], [1], [0, 0, 1, 1], [], []>, transpose_lhs_hint = false} : vector<1000x128xf32>, vector<128x64xf32>, vector<1000x64xf32> -> vector<1000x64xf32>
    %get3A_110 = arith.constant 0 : index
    %get3A_111 = vector.load %arg20[%get3A_110] : memref<64xf32, #tpu.memory_space<vmem>>, vector<64xf32>
    %broadcast_in_dim3A_112 = vector.shape_cast %get3A_111 : vector<64xf32> to vector<1x64xf32>
    %add3A_113 = vector.broadcast %broadcast_in_dim3A_112 : vector<1x64xf32> to vector<1000x64xf32>
    %add3A_114 = arith.addf %dot_general3A_109, %add3A_113 : vector<1000x64xf32>
    %max3A_115 = arith.constant 0.000000e+00 : f32
    %max3A_116 = vector.broadcast %max3A_115 : f32 to vector<1000x64xf32>
    %max3A_117 = arith.maximumf %add3A_114, %max3A_116 : vector<1000x64xf32>
    %get3A_118 = arith.constant 0 : index
    %get3A_119 = arith.constant 0 : index
    %get3A_120 = vector.load %arg21[%get3A_118, %get3A_119] : memref<64x64xf32, #tpu.memory_space<vmem>>, vector<64x64xf32>
    %dot_general3A_121 = arith.constant dense<0.000000e+00> : vector<1000x64xf32>
    %dot_general3A_122 = tpu.matmul %max3A_117, %get3A_120, %dot_general3A_121 {dimension_numbers = #tpu.dot_dimension_numbers<[1], [0], [0], [1], [0, 0, 1, 1], [], []>, transpose_lhs_hint = false} : vector<1000x64xf32>, vector<64x64xf32>, vector<1000x64xf32> -> vector<1000x64xf32>
    %get3A_123 = arith.constant 0 : index
    %get3A_124 = vector.load %arg22[%get3A_123] : memref<64xf32, #tpu.memory_space<vmem>>, vector<64xf32>
    %broadcast_in_dim3A_125 = vector.shape_cast %get3A_124 : vector<64xf32> to vector<1x64xf32>
    %add3A_126 = vector.broadcast %broadcast_in_dim3A_125 : vector<1x64xf32> to vector<1000x64xf32>
    %add3A_127 = arith.addf %dot_general3A_122, %add3A_126 : vector<1000x64xf32>
    %mul3A = arith.constant 1000 : i32
    %mul3A_128 = arith.muli %arg0, %mul3A : i32
    %iota3A = tpu.iota {dimensions = array<i32: 0>} : vector<1000x64xi32>
    %add3A_129 = vector.broadcast %mul3A_128 : i32 to vector<1000x64xi32>
    %add3A_130 = arith.addi %add3A_129, %iota3A : vector<1000x64xi32>
    %eq3A = arith.constant 9999 : i32
    %eq3A_131 = vector.broadcast %eq3A : i32 to vector<1000x64xi32>
    %eq3A_132 = arith.cmpi eq, %add3A_130, %eq3A_131 : vector<1000x64xi32>
    %jit3A = arith.constant 0.000000e+00 : f32
    %broadcast_in_dim3A_133 = vector.broadcast %jit3A : f32 to vector<1000x64xf32>
    %select_n3A = arith.select %eq3A_132, %broadcast_in_dim3A_133, %add3A_127 : vector<1000x64xi1>, vector<1000x64xf32>
    %swap3A = arith.constant 0 : index
    %swap3A_134 = arith.constant 0 : index
    %swap3A_135 = vector.load %arg23[%swap3A, %swap3A_134] : memref<1000x64xf32, #tpu.memory_space<vmem>>, vector<1000x64xf32>
    tpu.vector_store %arg23[%swap3A, %swap3A_134], %select_n3A {strides = array<i32>} : memref<1000x64xf32, #tpu.memory_space<vmem>>, vector<1000x64xf32>,
    return
  }
  func.func @transform_0(%arg0: i32) -> (i32, i32) {
    %c0_i32 = arith.constant 0 : i32
    %c0_i32_0 = arith.constant 0 : i32
    return %arg0, %c0_i32 : i32, i32
  }
  func.func @transform_1(%arg0: i32) -> (i32, i32) {
    %c0_i32 = arith.constant 0 : i32
    %c0_i32_0 = arith.constant 0 : i32
    return %arg0, %c0_i32 : i32, i32
  }
  func.func @transform_2(%arg0: i32) -> (i32, i32, i32) {
    %c0_i32 = arith.constant 0 : i32
    %c0_i32_0 = arith.constant 0 : i32
    %c0_i32_1 = arith.constant 0 : i32
    return %c0_i32, %arg0, %c0_i32_0 : i32, i32, i32
  }
  func.func @transform_3(%arg0: i32) -> (i32, i32, i32) {
    %c0_i32 = arith.constant 0 : i32
    %c0_i32_0 = arith.constant 0 : i32
    %c0_i32_1 = arith.constant 0 : i32
    return %c0_i32, %arg0, %c0_i32_0 : i32, i32, i32
  }
  func.func @transform_4(%arg0: i32) -> (i32, i32) {
    %c0_i32 = arith.constant 0 : i32
    %c0_i32_0 = arith.constant 0 : i32
    %c0_i32_1 = arith.constant 0 : i32
    return %c0_i32, %c0_i32_0 : i32, i32
  }
  func.func @transform_5(%arg0: i32) -> i32 {
    %c0_i32 = arith.constant 0 : i32
    %c0_i32_0 = arith.constant 0 : i32
    return %c0_i32 : i32
  }
  func.func @transform_6(%arg0: i32) -> (i32, i32) {
    %c0_i32 = arith.constant 0 : i32
    %c0_i32_0 = arith.constant 0 : i32
    %c0_i32_1 = arith.constant 0 : i32
    return %c0_i32, %c0_i32_0 : i32, i32
  }
  func.func @transform_7(%arg0: i32) -> i32 {
    %c0_i32 = arith.constant 0 : i32
    %c0_i32_0 = arith.constant 0 : i32
    return %c0_i32 : i32
  }
  func.func @transform_8(%arg0: i32) -> (i32, i32) {
    %c0_i32 = arith.constant 0 : i32
    %c0_i32_0 = arith.constant 0 : i32
    %c0_i32_1 = arith.constant 0 : i32
    return %c0_i32, %c0_i32_0 : i32, i32
  }
  func.func @transform_9(%arg0: i32) -> i32 {
    %c0_i32 = arith.constant 0 : i32
    %c0_i32_0 = arith.constant 0 : i32
    return %c0_i32 : i32
  }
  func.func @transform_10(%arg0: i32) -> (i32, i32) {
    %c0_i32 = arith.constant 0 : i32
    %c0_i32_0 = arith.constant 0 : i32
    %c0_i32_1 = arith.constant 0 : i32
    return %c0_i32, %c0_i32_0 : i32, i32
  }
  func.func @transform_11(%arg0: i32) -> i32 {
    %c0_i32 = arith.constant 0 : i32
    %c0_i32_0 = arith.constant 0 : i32
    return %c0_i32 : i32
  }
  func.func @transform_12(%arg0: i32) -> (i32, i32) {
    %c0_i32 = arith.constant 0 : i32
    %c0_i32_0 = arith.constant 0 : i32
    %c0_i32_1 = arith.constant 0 : i32
    return %c0_i32, %c0_i32_0 : i32, i32
  }
  func.func @transform_13(%arg0: i32) -> i32 {
    %c0_i32 = arith.constant 0 : i32
    %c0_i32_0 = arith.constant 0 : i32
    return %c0_i32 : i32
  }
  func.func @transform_14(%arg0: i32) -> (i32, i32) {
    %c0_i32 = arith.constant 0 : i32
    %c0_i32_0 = arith.constant 0 : i32
    %c0_i32_1 = arith.constant 0 : i32
    return %c0_i32, %c0_i32_0 : i32, i32
  }
  func.func @transform_15(%arg0: i32) -> i32 {
    %c0_i32 = arith.constant 0 : i32
    %c0_i32_0 = arith.constant 0 : i32
    return %c0_i32 : i32
  }
  func.func @transform_16(%arg0: i32) -> (i32, i32) {
    %c0_i32 = arith.constant 0 : i32
    %c0_i32_0 = arith.constant 0 : i32
    %c0_i32_1 = arith.constant 0 : i32
    return %c0_i32, %c0_i32_0 : i32, i32
  }
  func.func @transform_17(%arg0: i32) -> i32 {
    %c0_i32 = arith.constant 0 : i32
    %c0_i32_0 = arith.constant 0 : i32
    return %c0_i32 : i32
  }
  func.func @transform_18(%arg0: i32) -> (i32, i32) {
    %c0_i32 = arith.constant 0 : i32
    %c0_i32_0 = arith.constant 0 : i32
    %c0_i32_1 = arith.constant 0 : i32
    return %c0_i32, %c0_i32_0 : i32, i32
  }
  func.func @transform_19(%arg0: i32) -> i32 {
    %c0_i32 = arith.constant 0 : i32
    %c0_i32_0 = arith.constant 0 : i32
    return %c0_i32 : i32
  }
  func.func @transform_20(%arg0: i32) -> (i32, i32) {
    %c0_i32 = arith.constant 0 : i32
    %c0_i32_0 = arith.constant 0 : i32
    %c0_i32_1 = arith.constant 0 : i32
    return %c0_i32, %c0_i32_0 : i32, i32
  }
  func.func @transform_21(%arg0: i32) -> i32 {
    %c0_i32 = arith.constant 0 : i32
    %c0_i32_0 = arith.constant 0 : i32
    return %c0_i32 : i32
  }
  func.func @transform_22(%arg0: i32) -> (i32, i32) {
    %c0_i32 = arith.constant 0 : i32
    %c0_i32_0 = arith.constant 0 : i32
    return %arg0, %c0_i32 : i32, i32
  }
}

</mosaic_0001>

<sc_bundles>
// kernel: kernel.5.cloned.1.call-start
scs
__scs_entry_jumppad:
0x0: {  	(pc) =	sbr.rel $0x88, $3  }
0x1: {  	(tag) =	ssettag $0x0;
	lr =	simm.s32 $0x1  }
0x2: {  	[smem:$0x3F86] =	sst lr;
	_ =	strace $0xD0000000  }
0x3: {  	_ = 	snop  }
0x4: {  	_ = 	snop  }
0x5: {  	_ = 	snop  }
0x6: {  	_ = 	snop  }
0x7: {  	_ = 	snop  }
__scs_overlays_trampoline_lowered:
0x8: {  	[smem:$0x3F95] =	sst s0  }
0x9: {  	[smem:$0x3F96] =	sst s1  }
0xa: {  	[smem:$0x3F97] =	sst s2  }
0xb: {  	[smem:$0x3F98] =	sst s3  }
0xc: {  	[smem:$0x3F99] =	sst s4  }
0xd: {  	[smem:$0x3F9A] =	sst s5  }
0xe: {  	[smem:$0x3F9B] =	sst s6  }
0xf: {  	[smem:$0x3F9C] =	sst s7  }
0x10: {  	[smem:$0x3F9D] =	sst s8  }
0x11: {  	[smem:$0x3F9E] =	sst s9;
	s0 =	simm.s32 @!p0 $0x0  }
0x12: {  	s1 =	sld [smem:$0x3F84];
	s0 =	simm.s32 @p0 $0x1  }
0x13: {  	[smem:$0x3F9F] =	sst s0;
	s0 =	simm.s32 @!p1 $0x0  }
0x14: {  	s2 =	sld [smem:$0x3F83];
	s0 =	simm.s32 @p1 $0x1  }
0x15: {  	[smem:$0x3FA0] =	sst s0;
	s0 =	simm.s32 @!p2 $0x0  }
0x16: {  	s3 =	sld [smem:$0x3FDB];
	s0 =	simm.s32 @p2 $0x1  }
0x17: {  	s4 =	simm.s32 $0x1BF5;
	[smem:$0x3FA2] =	sst s0  }
0x18: {  	s0 =	sld [smem:$0x3F85];
	_ =	swait.ge [sflag:s4], $0x0  }
0x19: {  	s7 =	sld [smem:$0x3F86]  }
0x1a: {  	s8 =	sadd.s32 $0xFFFFE003, lr  }
0x1b: {  	s9 =	sadd.s32 $0xFFFFFEF7, lr;
	s5 =	simm.s32 $0xFFFFFFFF;
	p2 =	slt.u32 s8, $0xFFFFF086  }
0x1c: {  	p1 =	slt.u32 s9, $0xF7A;
	s5 =	simm.s32 @!p2 $0x0  }
0x1d: {  	s5 =	simm.s32 @p1 $0x1;
	p0 =	seq.s32 s7, s2  }
0x1e: {  	s7 =	smul.u32 @!p0 $0xF7A, s2;
	p2 =	seq.s32 @!p0 s5, $0x0  }
0x1f: {  	s9 =	smul.u32 $0xF7A, s1;
	s8 =	simm.s32 @!p0 $0x1BF5;
	p2 =	por !p2, p0  }
0x20: {  	[sflag:s8] =	ssyncset.s32 @!p0 $0xFFFFF086;
	s6 =	sadd.s32 @!p0 s3, s7;
	s7 =	simm.s32 @!p0 $0x108  }
0x21: {  	s3 =	sadd.s32 s3, s9;
	s6 =	sadd.s32 @!p0 $0x88, s6;
	s7 =	simm.s32 @p2 $0x1082  }
0x22: {  	[simem:s7], [sflag:s8] =	dma.local @!p0 [hbm:s6], $0xF7A  }
0x23: {  	s9 =	sor.u32 $0xD0000000, s2;
	s6 =	simm.s32 $0x108;
	_ =	swait.ge @!p0 [sflag:s8], $0x0  }
0x24: {  	s3 =	sadd.s32 $0x88, s3;
	s6 =	simm.s32 @!p1 $0x1082;
	[sflag:s4] =	ssyncset.s32 $0xFFFFF086  }
0x25: {  	[simem:s6], [sflag:s4] =	dma.local [hbm:s3], $0xF7A  }
0x26: {  	[smem:$0x3F86] =	sst s1;
	(tag) =	ssettag s2;
	_ =	strace s9  }
0x27: {  	s1 =	sld [smem:$0x3F96]  }
0x28: {  	s2 =	sld [smem:$0x3F97]  }
0x29: {  	s4 =	sld [smem:$0x3F99]  }
0x2a: {  	p0 =	seq.s32 s5, $0x0;
	s5 =	sld [smem:$0x3F9A]  }
0x2b: {  	s6 =	sld [smem:$0x3F9B]  }
0x2c: {  	s7 =	sld [smem:$0x3F9C]  }
0x2d: {  	s3 =	simm.s32 $0x108;
	s8 =	sld [smem:$0x3F9D]  }
0x2e: {  	s3 =	simm.s32 @!p0 $0x1082;
	s9 =	sld [smem:$0x3F9E]  }
0x2f: {  	lr =	sadd.s32 s0, s3;
	s0 =	sld [smem:$0x3F95]  }
0x30: {  	s3 =	sld [smem:$0x3F98]  }
0x31: {  	[smem:$0x3FA1] =	sst s10  }
0x32: {  	s10 =	sld [smem:$0x3F9F];
	_ =	sdelay $0x3  }
0x33: {  	p0 =	seq.s32 s10, $0x1;
	s10 =	sld [smem:$0x3FA1];
	_ =	sdelay $0x3  }
0x34: {  	[smem:$0x3FA1] =	sst s10  }
0x35: {  	s10 =	sld [smem:$0x3FA0];
	_ =	sdelay $0x3  }
0x36: {  	p1 =	seq.s32 s10, $0x1;
	s10 =	sld [smem:$0x3FA1];
	_ =	sdelay $0x3  }
0x37: {  	[smem:$0x3FA1] =	sst s10  }
0x38: {  	s10 =	sld [smem:$0x3FA2]  }
0x39: {  	_ = 	snop;
	(pc) =	sbr.ind lr, $3  }
0x3a: {  	_ = 	snop  }
0x3b: {  	_ = 	snop  }
0x3c: {  	p2 =	seq.s32 s10, $0x1;
	s10 =	sld [smem:$0x3FA1]  }
0x3d: {  	_ =	shalt  }
0x3e: {  	_ =	shalt  }
0x3f: {  	_ =	shalt  }
0x40: {  	_ =	shalt  }
0x41: {  	_ =	shalt  }
0x42: {  	_ =	shalt  }
0x43: {  	_ =	shalt  }
0x44: {  	_ =	shalt  }
0x45: {  	_ =	shalt  }
0x46: {  	_ =	shalt  }
0x47: {  	_ =	shalt  }
0x48: {  	_ =	shalt  }
0x49: {  	_ =	shalt  }
0x4a: {  	_ =	shalt  }
0x4b: {  	_ =	shalt  }
0x4c: {  	_ =	shalt  }
0x4d: {  	_ =	shalt  }
0x4e: {  	_ =	shalt  }
0x4f: {  	_ =	shalt  }
0x50: {  	_ =	shalt  }
0x51: {  	_ =	shalt  }
0x52: {  	_ =	shalt  }
0x53: {  	_ =	shalt  }
0x54: {  	_ =	shalt  }
0x55: {  	_ =	shalt  }
0x56: {  	_ =	shalt  }
0x57: {  	_ =	shalt  }
0x58: {  	_ =	shalt  }
0x59: {  	_ =	shalt  }
0x5a: {  	_ =	shalt  }
0x5b: {  	_ =	shalt  }
0x5c: {  	_ =	shalt  }
0x5d: {  	_ =	shalt  }
0x5e: {  	_ =	shalt  }
0x5f: {  	_ =	shalt  }
0x60: {  	_ =	shalt  }
0x61: {  	_ =	shalt  }
0x62: {  	_ =	shalt  }
0x63: {  	_ =	shalt  }
0x64: {  	_ =	shalt  }
0x65: {  	_ =	shalt  }
0x66: {  	_ =	shalt  }
0x67: {  	_ =	shalt  }
0x68: {  	_ =	shalt  }
0x69: {  	_ =	shalt  }
0x6a: {  	_ =	shalt  }
0x6b: {  	_ =	shalt  }
0x6c: {  	_ =	shalt  }
0x6d: {  	_ =	shalt  }
0x6e: {  	_ =	shalt  }
0x6f: {  	_ =	shalt  }
0x70: {  	_ =	shalt  }
0x71: {  	_ =	shalt  }
0x72: {  	_ =	shalt  }
0x73: {  	_ =	shalt  }
0x74: {  	_ =	shalt  }
0x75: {  	_ =	shalt  }
0x76: {  	_ =	shalt  }
0x77: {  	_ =	shalt  }
0x78: {  	_ =	shalt  }
0x79: {  	_ =	shalt  }
0x7a: {  	_ =	shalt  }
0x7b: {  	_ =	shalt  }
0x7c: {  	_ =	shalt  }
0x7d: {  	_ =	shalt  }
0x7e: {  	_ =	shalt  }
0x7f: {  	_ =	shalt  }
0x80: {  	_ =	shalt  }
0x81: {  	_ =	shalt  }
0x82: {  	_ =	shalt  }
0x83: {  	_ =	shalt  }
0x84: {  	_ =	shalt  }
0x85: {  	_ =	shalt  }
0x86: {  	_ =	shalt  }
0x87: {  	_ =	shalt  }
.Lfunc_end0:
.L_simem_size_0:
called_computation_lowered:
.L_overlay_start_0:
0x88: {  	s2 =	sld [smem:$0x3FD9]  }
0x89: {  	s3 =	sld [smem:$0x3FFE];
	_ =	sdelay $0x1  }
0x8a: {  	s1 =	srdreg.scid  }
0x8b: {  	s0 =	sand.u32 $0x1, s1  }
0x8c: {  	s17 =	sshll.u32 s0, $0xA;
	s2 =	sadd.s32 s3, s2  }
0x8d: {  	s2 =	sadd.s32 s2, s17  }
0x8e: {  	[smem:$0x3FAD] =	sst s2  }
0x8f: {  	_ = 	snop  }
0x90: {  	s2 =	sld [smem:$0x3FC9]  }
0x91: {  	s18 =	sld [smem:$0x3FC8]  }
0x92: {  	s4 =	sld [smem:$0x3FD0];
	(tm) =	ssettm $0x1  }
0x93: {  	s5 =	sld [smem:$0x3FFB];
	_ =	sdelay $0x3  }
0x94: {  	_ =	strace s5  }
0x95: {  	s5 =	sld [smem:$0x3FFC];
	_ =	sdelay $0x3  }
0x96: {  	_ =	strace s5  }
0x97: {  	s5 =	sld [smem:$0x3FFD];
	_ =	sdelay $0x3  }
0x98: {  	_ =	strace s5  }
0x99: {  	_ =	strace $0x8FFFFFFF  }
0x9a: {  	s19 =	sld [smem:$0x3FDB];
	_ =	sdelay $0x1  }
0x9b: {  	s6 =	simm.s32 $_scs_section_size  }
0x9c: {  	s7 =	simm.s32 $_size__tile_overlayer_lowered;
	s8 =	simm.s32 $_tile_overlayer_lowered  }
0x9d: {  	s22 =	simm.s32 $0x1BFF;
	s21 =	sshll.u32 s8, $0x1;
	s5 =	sadd.s32 s6, s19  }
0x9e: {  	s9 =	simm.s32 $0x0;
	s20 =	sshll.u32 s7, $0x1;
	s7 =	sadd.s32 s21, s5  }
0x9f: {  	[timem:s9], [sflag:s22] =	dma.local [hbm:s7], s20  }
0xa0: {  	_ =	swait.ge [sflag:s22], s20  }
0xa1: {  	s6 =	ssub.s32 $0x0, s20;
	[sflag:s22] =	ssyncset.done $0x0  }
0xa2: {  	[sflag:s22] =	ssyncadd.s32 s6;
	_ =	sdelay $0x1  }
0xa3: {  	s23 =	simm.s32 $0x1B8B  }
0xa4: {  	_ =	swait.ge [sflag:s23], $0x1  }
0xa5: {  	[sflag:s23] =	ssyncset.done $0x0  }
0xa6: {  	s25 =	simm.s32 $0x1B8E;
	s24 =	sld [smem:$0x3FFE];
	[sflag:s23] =	ssyncadd.s32 $0xFFFFFFFF  }
0xa7: {  	s26 =	simm.s32 $execute0_lowered;
	[smem:$0x3FD2] =	sst s25  }
0xa8: {  	s7 =	sshll.u32 s26, $0x1;
	_ =	strace $0x80000046;
	[dreg:$0x1] =	wrdreg $0xFFFFFFFF  }
0xa9: {  	s28 =	simm.s32 $_size_execute0_lowered;
	s5 =	sadd.s32 s5, s7;
	[dreg:$0x0] =	wrdreg $0x0  }
0xaa: {  	s7 =	sshll.u32 s28, $0x1;
	[dreg:$0x2] =	wrdreg s5  }
0xab: {  	[dreg:$0x3] =	wrdreg s7  }
0xac: {  	[dreg:$0x4] =	wrdreg $0xC0  }
0xad: {  	_ =	task [dreg:s9], $0x5FFFF  }
0xae: {  	[dreg:$0x1] =	wrdreg $0xFFFFFFFF  }
0xaf: {  	[dreg:$0x0] =	wrdreg $0x60  }
0xb0: {  	[dreg:$0x2] =	wrdreg s2  }
0xb1: {  	[dreg:$0x3] =	wrdreg s24  }
0xb2: {  	[dreg:$0x4] =	wrdreg s18  }
0xb3: {  	[dreg:$0x5] =	wrdreg s4  }
0xb4: {  	[dreg:$0x6] =	wrdreg $0x0  }
0xb5: {  	[dreg:$0x7] =	wrdreg $0x138C00  }
0xb6: {  	[dreg:$0x8] =	wrdreg $0x9  }
0xb7: {  	_ =	task.clear_ibuf [dreg:s9], $0x9FFFF;
	_ =	strace $0x90000046  }
0xb8: {  	s29 =	simm.s32 $0x9;
	_ =	strace $0x80000048  }
0xb9: {  	_ =	swait.ge [sflag:s29], $0x1  }
0xba: {  	[sflag:s29] =	ssyncadd.s32 $0xFFFFFFFF  }
0xbb: {  	_ =	strace $0x90000048  }
0xbc: {  	_ =	sfence  }
0xbd: {  	s30 =	sld [smem:$0x0];
	_ =	sdelay $0x2  }
0xbe: {  	s31 =	sshll.u32 s1, $0xD;
	s1 =	sshrl.u32 s1, $0x2  }
0xbf: {  	s3 =	sand.u32 $0x4000, s31;
	s1 =	sadd.s32 s1, s30  }
0xc0: {  	s0 =	sor.u32 s3, s0;
	s1 =	sshll.u32 s1, $0x11  }
0xc1: {  	s0 =	sor.u32 s1, s0  }
0xc2: {  	s0 =	sadd.s32 $0x8F2B, s0  }
0xc3: {  	[sflag:s0] =	ssyncadd.remote.s32 $0x1  }
0xc4: {  	_ =	sfence.sel $0xFFFF  }
0xc5: {  	[dreg:$0x0] =	wrdreg $0xFFFFFFFF;
	(pc) =	sbr.abs _section_cstart, $3  }
0xc6: {  	[dreg:$0x1] =	wrdreg $0xFFFFFFFF  }
0xc7: {  	_ =	task.clear_ibuf [dreg:s9], $0x2FFFF;
	_ =	strace $0x9FFFFFFF  }
0xc8: {  	(tm) =	ssettm $0x7FFFFFFF  }
0xc9: {  	_ =	shalt  }
tec
execute0_lowered:
.L_overlay_start_1:
0x0: {  	(tag) =	ssettag $0x1  }
0x1: {  	s31 =	rddreg [dreg:$0x0]  }
0x2: {  	s0 =	rddreg [dreg:$0x1]  }
0x3: {  	s5 =	rddreg [dreg:$0x2]  }
0x4: {  	s7 =	rddreg [dreg:$0x3]  }
0x5: {  	s28 =	rddreg [dreg:$0x4]  }
0x6: {  	s29 =	rddreg [dreg:$0x5];
	s1 =	simm.s32 $0x0;
	s2 =	stileid.u32  }
0x7: {  	s8 =	srdreg.scid;
	[smem:$0x7FF] =	sst s1  }
0x8: {  	s6 =	sadd.s32 $0x17C00, s0;
	s13 =	sadd.s32 $0x21C00, s0;
	s22 =	sshll.u32 s2, $0xB  }
0x9: {  	s14 =	sadd.s32 $0x1CC00, s0;
	s16 =	sand.u32 $0x1, s8;
	s8 =	smul.u32 $0xC800, s2  }
0xa: {  	s17 =	sadd.s32 $0x79E00, s0;
	s9 =	smul.u32 $0x1900, s2;
	s18 =	sor.u32 $0x10, s2  }
0xb: {  	s24 =	sshll.u32 s2, $0x1;
	p0 =	sgt.u32 s2, $0xD;
	_ =	strace $0x80000047  }
0xc: {  	[dreg:$0x9] =	wrdreg s6;
	s15 =	sadd.s32 s22, s0;
	s12 =	smul.u32 $0x1900, s18  }
0xd: {  	s23 =	ssub.s32 $0x2, s16;
	s3 =	sor.u32 s16, s24;
	s20 =	smul.u32 $0x138800, s16  }
0xe: {  	s22 =	sshll.u32 s16, $0xA;
	s10 =	sshrl.u32 s23, $0x1;
	s19 =	sshrl.u32 s8, $0x3  }
0xf: {  	s25 =	sshrl.u32 s9, $0x3;
	s11 =	ssub.s32 s23, s10;
	s4 =	sadd.s32 s13, s19  }
0x10: {  	s10 =	smul.u32 $0xC800, s18;
	s26 =	sadd.s32 s14, s25;
	[dreg:$0x11] =	wrdreg s4  }
0x11: {  	s21 =	sshrl.u32 s12, $0x3;
	s19 =	ssub.s32 $0xDC, s3;
	[dreg:$0x12] =	wrdreg s26  }
0x12: {  	s14 =	sadd.s32 s14, s21;
	[dreg:$0xb] =	wrdreg s19;
	s21 =	sadd.s32 s20, s8  }
0x13: {  	s4 =	sshll.u32 s2, $0x4;
	s6 =	sshrl.u32 s10, $0x3;
	[dreg:$0x14] =	wrdreg s14  }
0x14: {  	s23 =	sshrl.u32 s21, $0x3;
	s20 =	sadd.s32 s20, s10;
	s14 =	sadd.s32 s22, s15  }
0x15: {  	s15 =	sadd.s32 s4, s7;
	s13 =	sadd.s32 s13, s6;
	s24 =	sadd.s32 s17, s23  }
0x16: {  	s25 =	sshrl.u32 s20, $0x3;
	s14 =	sadd.s32 $0x4AC00, s14;
	[dreg:$0x13] =	wrdreg s13  }
0x17: {  	s6 =	smul.u32 $0x27100, s16;
	s16 =	sshll.u32 s16, $0x3;
	[dreg:$0x15] =	wrdreg s24  }
0x18: {  	s13 =	sadd.s32 $0x4200, s0;
	s26 =	sadd.s32 s17, s25;
	[dreg:$0xa] =	wrdreg s14  }
0x19: {  	s22 =	sadd.s32 s16, s15;
	s25 =	sadd.s32 $0x48E00, s0;
	[dreg:$0x16] =	wrdreg s26  }
0x1a: {  	s0 =	sadd.s32 $0x79C00, s0;
	s20 =	sadd.s32 s4, s13;
	[dreg:$0x7] =	wrdreg s22  }
0x1b: {  	s23 =	sadd.s32 s6, s9;
	s24 =	sadd.s32 s6, s12;
	[smem:$0x7F2] =	sst s0  }
0x1c: {  	s0 =	simm.s32 @!p0 $0x0;
	s21 =	sadd.s32 s16, s20;
	s15 =	sshrl.u32 s23, $0x3  }
0x1d: {  	s4 =	sshrl.u32 s24, $0x3;
	s0 =	simm.s32 @p0 $0x1;
	[dreg:$0x8] =	wrdreg s21  }
0x1e: {  	s16 =	sshll.u32 s3, $0x3;
	s26 =	sadd.s32 s25, s15;
	[smem:$0x7F8] =	sst s0  }
0x1f: {  	s6 =	sadd.s32 s25, s4;
	s15 =	sadd.s32 $0x9C40, s16;
	[dreg:$0x17] =	wrdreg s26  }
0x20: {  	p1 =	sgt.u32 s18, $0x18;
	[dreg:$0x18] =	wrdreg s6;
	s17 =	sadd.s32 s7, s15  }
0x21: {  	s18 =	sadd.s32 $0x9D40, s16;
	s19 =	sadd.s32 s13, s15;
	[dreg:$0x19] =	wrdreg s17  }
0x22: {  	s20 =	sadd.s32 s7, s18;
	[dreg:$0x1a] =	wrdreg s19  }
0x23: {  	s21 =	sadd.s32 $0x9E40, s16;
	s22 =	sadd.s32 s13, s18;
	[dreg:$0x1b] =	wrdreg s20  }
0x24: {  	s23 =	sadd.s32 s7, s21;
	[dreg:$0x1c] =	wrdreg s22  }
0x25: {  	s24 =	sadd.s32 $0x9F40, s16;
	s25 =	sadd.s32 s13, s21;
	[dreg:$0x1d] =	wrdreg s23  }
0x26: {  	p0 =	sgt.u32 s2, $0x3;
	s26 =	sadd.s32 s7, s24;
	[dreg:$0x1e] =	wrdreg s25  }
0x27: {  	s0 =	simm.s32 @!p0 $0x0;
	s15 =	sadd.s32 s13, s24;
	[dreg:$0x1f] =	wrdreg s26  }
0x28: {  	s6 =	sadd.s32 $0xA040, s16;
	s0 =	simm.s32 @p0 $0x1;
	[smem:$0x7D3] =	sst s15  }
0x29: {  	s17 =	sadd.s32 s7, s6;
	[smem:$0x7F9] =	sst s0  }
0x2a: {  	s18 =	sadd.s32 $0xA140, s16;
	s19 =	sadd.s32 s13, s6;
	[smem:$0x7D4] =	sst s17  }
0x2b: {  	s20 =	sadd.s32 s7, s18;
	[smem:$0x7D5] =	sst s19  }
0x2c: {  	s21 =	sor.u32 $0x500, s16;
	s22 =	sadd.s32 s13, s18;
	[smem:$0x7D6] =	sst s20  }
0x2d: {  	s23 =	sadd.s32 s7, s21;
	[smem:$0x7D7] =	sst s22  }
0x2e: {  	s24 =	sadd.s32 $0xA240, s16;
	s25 =	sadd.s32 s13, s21;
	[smem:$0x7D8] =	sst s23  }
0x2f: {  	s14 =	sor.u32 $0x100, s16;
	s26 =	sadd.s32 s7, s24;
	[smem:$0x7D9] =	sst s25  }
0x30: {  	s21 =	sadd.s32 s7, s14;
	[smem:$0x7DA] =	sst s26  }
0x31: {  	s6 =	sor.u32 $0x600, s16;
	s17 =	sadd.s32 s13, s24;
	[smem:$0x7DF] =	sst s21  }
0x32: {  	s18 =	sadd.s32 s7, s6;
	[smem:$0x7DB] =	sst s17  }
0x33: {  	p0 =	sne.s32 s3, $0x0;
	s19 =	sadd.s32 s13, s6;
	[smem:$0x7DC] =	sst s18  }
0x34: {  	s15 =	sor.u32 $0x200, s16;
	s20 =	sadd.s32 s7, s16;
	[smem:$0x7DD] =	sst s19  }
0x35: {  	s0 =	simm.s32 @!p0 $0x0;
	s22 =	sadd.s32 s7, s15;
	[smem:$0x7DE] =	sst s20  }
0x36: {  	s24 =	sadd.s32 $0xA340, s16;
	s0 =	simm.s32 @p0 $0x1;
	[smem:$0x7E0] =	sst s22  }
0x37: {  	s6 =	sor.u32 $0x700, s16;
	s26 =	sadd.s32 s7, s24;
	[smem:$0x7FA] =	sst s0  }
0x38: {  	s21 =	sadd.s32 s7, s6;
	[smem:$0x7E3] =	sst s26  }
0x39: {  	s22 =	sadd.s32 s13, s24;
	[smem:$0x7E4] =	sst s21  }
0x3a: {  	s24 =	sadd.s32 s13, s16;
	[smem:$0x7E5] =	sst s22  }
0x3b: {  	s17 =	sor.u32 $0x300, s16;
	s20 =	sadd.s32 $0x4E0, s5;
	[smem:$0x7E7] =	sst s24  }
0x3c: {  	s18 =	sor.u32 $0x400, s16;
	s23 =	sadd.s32 s7, s17;
	[smem:$0x7F1] =	sst s20  }
0x3d: {  	s25 =	sadd.s32 s7, s18;
	[smem:$0x7E1] =	sst s23  }
0x3e: {  	s26 =	sadd.s32 s13, s15;
	[smem:$0x7E2] =	sst s25  }
0x3f: {  	s7 =	sadd.s32 s13, s18;
	[smem:$0x7E9] =	sst s26  }
0x40: {  	s19 =	sadd.s32 s5, s18;
	[smem:$0x7EB] =	sst s7  }
0x41: {  	s21 =	smax.u32 s11, $0x1;
	[smem:$0x7F0] =	sst s19  }
0x42: {  	s22 =	sadd.s32 s8, s28;
	[smem:$0x7F3] =	sst s21  }
0x43: {  	s0 =	simm.s32 @!p1 $0x0;
	s24 =	sadd.s32 s10, s28;
	[smem:$0x7F4] =	sst s22  }
0x44: {  	s0 =	simm.s32 @p1 $0x1;
	[smem:$0x7F6] =	sst s24  }
0x45: {  	s23 =	sadd.s32 s13, s6;
	[smem:$0x7FC] =	sst s0  }
0x46: {  	s25 =	sadd.s32 s13, s14;
	[smem:$0x7E6] =	sst s23  }
0x47: {  	s6 =	sadd.s32 s13, s17;
	[smem:$0x7E8] =	sst s25  }
0x48: {  	s13 =	sadd.s32 s5, s16;
	[smem:$0x7EA] =	sst s6  }
0x49: {  	s14 =	sadd.s32 s5, s14;
	[smem:$0x7EC] =	sst s13  }
0x4a: {  	s16 =	sadd.s32 s5, s15;
	[smem:$0x7ED] =	sst s14  }
0x4b: {  	s17 =	sadd.s32 s5, s17;
	[smem:$0x7EE] =	sst s16  }
0x4c: {  	s26 =	sshll.u32 s2, $0x6;
	[smem:$0x7EF] =	sst s17  }
0x4d: {  	s23 =	sadd.s32 s9, s29;
	[smem:$0x7FB] =	sst s26  }
0x4e: {  	s30 =	simm.s32 $0x0;
	s25 =	sadd.s32 s12, s29;
	[smem:$0x7F5] =	sst s23  }
0x4f: {  	s11 =	smov.u32 s3;
	s7 =	sor.u32 $0x1C0B, s26;
	[smem:$0x7F7] =	sst s25  }
0x50: {  	s21 =	simm.s32 $0xB;
	s2 =	simm.s32 $0xA;
	[smem:$0x7FD] =	sst s7  }
.LBB2_1:
0x51: {  	s0 =	sld [smem:$0x7F4];
	_ =	sdelay $0x1  }
0x52: {  	[smem:$0x7CB] =	sst s30  }
0x53: {  	s16 =	rddreg [dreg:$0x11];
	s3 =	sshrl.u32 s0, $0x3  }
0x54: {  	[smem:$0x7CC] =	sst s3  }
0x55: {  	[spmem:s3], [sflag:s7] =	dma.local [hbm:s16], $0x1900  }
0x56: {  	_ =	swait.ge [sflag:s21], $0x1900  }
0x57: {  	s18 =	sld [smem:$0x7F5]  }
0x58: {  	s17 =	sld [smem:$0x7FB];
	_ =	sdelay $0x1  }
0x59: {  	[sflag:s21] =	ssyncset.done $0x0;
	s19 =	rddreg [dreg:$0x12];
	s4 =	sshrl.u32 s18, $0x3  }
0x5a: {  	[sflag:s21] =	ssyncadd.s32 $0xFFFFE700;
	s3 =	sor.u32 $0x1C0A, s17;
	[smem:$0x7CD] =	sst s4  }
0x5b: {  	[spmem:s4], [sflag:s3] =	dma.local [hbm:s19], $0x320  }
0x5c: {  	_ =	swait.ge [sflag:s2], $0x320  }
0x5d: {  	s0 =	sld [smem:$0x7F6];
	_ =	sdelay $0x1  }
0x5e: {  	[sflag:s2] =	ssyncset.done $0x0  }
0x5f: {  	[sflag:s2] =	ssyncadd.s32 $0xFFFFFCE0;
	s2 =	sshrl.u32 @!p1 s0, $0x3;
	s0 =	rddreg [dreg:$0x13]  }
0x60: {  	[smem:$0x7CE] =	sst s2  }
0x61: {  	[spmem:s2], [sflag:s7] =	dma.local @!p1 [hbm:s0], $0x1900  }
0x62: {  	s2 =	simm.s32 @!p1 $0xB  }
0x63: {  	s0 =	simm.s32 @!p1 $0xB;
	_ =	swait.ge @!p1 [sflag:s2], $0x1900  }
0x64: {  	[smem:$0x7CF] =	sst s0  }
0x65: {  	s0 =	sld [smem:$0x7F7];
	_ =	sdelay $0x1  }
0x66: {  	[sflag:s2] =	ssyncset.done @!p1 $0x0;
	[smem:$0x7D0] =	sst s3  }
0x67: {  	[sflag:s2] =	ssyncadd.s32 @!p1 $0xFFFFE700;
	s2 =	sshrl.u32 @!p1 s0, $0x3;
	s0 =	rddreg [dreg:$0x14]  }
0x68: {  	[smem:$0x7D1] =	sst s2  }
0x69: {  	[spmem:s2], [sflag:s3] =	dma.local @!p1 [hbm:s0], $0x320  }
0x6a: {  	s2 =	simm.s32 @!p1 $0xA  }
0x6b: {  	_ =	swait.ge @!p1 [sflag:s2], $0x320  }
0x6c: {  	s0 =	simm.s32 @!p1 $0xA;
	[sflag:s2] =	ssyncset.done @!p1 $0x0  }
0x6d: {  	[smem:$0x7D2] =	sst s0;
	[sflag:s2] =	ssyncadd.s32 @!p1 $0xFFFFFCE0  }
0x6e: {  	[bflag:$0x0] =	sbarrier.arrive $0xFFFF  }
0x6f: {  	s20 =	rddreg [dreg:$0x19]  }
0x70: {  	s23 =	sld [smem:$0x7DE]  }
0x71: {  	s22 =	simm.s32 $0x15FD8;
	s25 =	rddreg [dreg:$0x1a]  }
0x72: {  	[tilespmem:s22], [sflag:$0x1] =	stream.linear.gather [hbm4b:s20+s1], $0x40, $0x38;
	[tilespmem:$0x1F128] =	vst v63  }
0x73: {  	s24 =	simm.s32 $0x161D8;
	s3 =	sld [smem:$0x7E7]  }
0x74: {  	[tilespmem:s24], [sflag:$0x1] =	stream.linear.gather [hbm4b:s23+s1], $0x40, $0x38;
	[tilespmem:$0x1F128] =	vst v63  }
0x75: {  	s26 =	simm.s32 $0x163D8;
	s5 =	rddreg [dreg:$0x1b]  }
0x76: {  	[tilespmem:s26], [sflag:$0x4] =	stream.linear.gather [hbm4b:s25+s1], $0x40, $0x38;
	[tilespmem:$0x1F128] =	vst v63  }
0x77: {  	s4 =	simm.s32 $0x165D8;
	s7 =	sld [smem:$0x7DF]  }
0x78: {  	[tilespmem:s4], [sflag:$0x4] =	stream.linear.gather [hbm4b:s3+s1], $0x40, $0x38;
	[tilespmem:$0x1F128] =	vst v63  }
0x79: {  	s6 =	simm.s32 $0x16018;
	s9 =	rddreg [dreg:$0x1c]  }
0x7a: {  	[tilespmem:s6], [sflag:$0x1] =	stream.linear.gather [hbm4b:s5+s1], $0x40, $0x38;
	[tilespmem:$0x1F128] =	vst v63  }
0x7b: {  	s8 =	simm.s32 $0x16218;
	s12 =	sld [smem:$0x7E8]  }
0x7c: {  	[tilespmem:s8], [sflag:$0x1] =	stream.linear.gather [hbm4b:s7+s1], $0x40, $0x38;
	[tilespmem:$0x1F128] =	vst v63  }
0x7d: {  	s10 =	simm.s32 $0x16418;
	s14 =	rddreg [dreg:$0x1d]  }
0x7e: {  	[tilespmem:s10], [sflag:$0x4] =	stream.linear.gather [hbm4b:s9+s1], $0x40, $0x38;
	[tilespmem:$0x1F128] =	vst v63  }
0x7f: {  	s13 =	simm.s32 $0x16618;
	s16 =	sld [smem:$0x7E0]  }
0x80: {  	[tilespmem:s13], [sflag:$0x4] =	stream.linear.gather [hbm4b:s12+s1], $0x40, $0x38;
	[tilespmem:$0x1F128] =	vst v63  }
0x81: {  	s15 =	simm.s32 $0x16058;
	s18 =	rddreg [dreg:$0x1e]  }
0x82: {  	[tilespmem:s15], [sflag:$0x1] =	stream.linear.gather [hbm4b:s14+s1], $0x40, $0x38;
	[tilespmem:$0x1F128] =	vst v63  }
0x83: {  	s17 =	simm.s32 $0x16258;
	s2 =	sld [smem:$0x7DC]  }
0x84: {  	[tilespmem:s17], [sflag:$0x1] =	stream.linear.gather [hbm4b:s16+s1], $0x40, $0x38;
	[tilespmem:$0x1F128] =	vst v63  }
0x85: {  	s19 =	simm.s32 $0x16458;
	s20 =	sld [smem:$0x7E9]  }
0x86: {  	[tilespmem:s19], [sflag:$0x4] =	stream.linear.gather [hbm4b:s18+s1], $0x40, $0x38;
	[tilespmem:$0x1F128] =	vst v63  }
0x87: {  	s22 =	simm.s32 $0x16658;
	s23 =	rddreg [dreg:$0x1f]  }
0x88: {  	[tilespmem:s22], [sflag:$0x4] =	stream.linear.gather [hbm4b:s20+s1], $0x40, $0x38;
	[tilespmem:$0x1F128] =	vst v63  }
0x89: {  	s24 =	simm.s32 $0x16098;
	s25 =	sld [smem:$0x7E1]  }
0x8a: {  	[tilespmem:s24], [sflag:$0x1] =	stream.linear.gather [hbm4b:s23+s1], $0x40, $0x38;
	[tilespmem:$0x1F128] =	vst v63  }
0x8b: {  	s26 =	simm.s32 $0x16298;
	s3 =	sld [smem:$0x7D3]  }
0x8c: {  	[tilespmem:s26], [sflag:$0x1] =	stream.linear.gather [hbm4b:s25+s1], $0x40, $0x38;
	[tilespmem:$0x1F128] =	vst v63  }
0x8d: {  	s4 =	simm.s32 $0x16498;
	s5 =	sld [smem:$0x7EA]  }
0x8e: {  	[tilespmem:s4], [sflag:$0x4] =	stream.linear.gather [hbm4b:s3+s1], $0x40, $0x38;
	[tilespmem:$0x1F128] =	vst v63  }
0x8f: {  	s6 =	simm.s32 $0x16698;
	s7 =	sld [smem:$0x7D4]  }
0x90: {  	[tilespmem:s6], [sflag:$0x4] =	stream.linear.gather [hbm4b:s5+s1], $0x40, $0x38;
	[tilespmem:$0x1F128] =	vst v63  }
0x91: {  	s8 =	simm.s32 $0x160D8;
	s9 =	sld [smem:$0x7E2]  }
0x92: {  	[tilespmem:s8], [sflag:$0x1] =	stream.linear.gather [hbm4b:s7+s1], $0x40, $0x38;
	[tilespmem:$0x1F128] =	vst v63  }
0x93: {  	s10 =	simm.s32 $0x162D8;
	s12 =	sld [smem:$0x7D5]  }
0x94: {  	[tilespmem:s10], [sflag:$0x1] =	stream.linear.gather [hbm4b:s9+s1], $0x40, $0x38;
	[tilespmem:$0x1F128] =	vst v63  }
0x95: {  	s13 =	simm.s32 $0x164D8;
	s14 =	sld [smem:$0x7EB]  }
0x96: {  	[tilespmem:s13], [sflag:$0x4] =	stream.linear.gather [hbm4b:s12+s1], $0x40, $0x38;
	[tilespmem:$0x1F128] =	vst v63  }
0x97: {  	s15 =	simm.s32 $0x166D8;
	s16 =	sld [smem:$0x7D6]  }
0x98: {  	[tilespmem:s15], [sflag:$0x4] =	stream.linear.gather [hbm4b:s14+s1], $0x40, $0x38;
	[tilespmem:$0x1F128] =	vst v63  }
0x99: {  	s17 =	simm.s32 $0x16118;
	s18 =	sld [smem:$0x7D8]  }
0x9a: {  	[tilespmem:s17], [sflag:$0x1] =	stream.linear.gather [hbm4b:s16+s1], $0x40, $0x38;
	[tilespmem:$0x1F128] =	vst v63  }
0x9b: {  	s19 =	simm.s32 $0x16318;
	s20 =	sld [smem:$0x7D7]  }
0x9c: {  	[tilespmem:s19], [sflag:$0x1] =	stream.linear.gather [hbm4b:s18+s1], $0x40, $0x38;
	[tilespmem:$0x1F128] =	vst v63  }
0x9d: {  	s22 =	simm.s32 $0x16518;
	s23 =	sld [smem:$0x7D9]  }
0x9e: {  	[tilespmem:s22], [sflag:$0x4] =	stream.linear.gather [hbm4b:s20+s1], $0x40, $0x38;
	[tilespmem:$0x1F128] =	vst v63  }
0x9f: {  	s24 =	simm.s32 $0x16718;
	s25 =	sld [smem:$0x7DA]  }
0xa0: {  	[tilespmem:s24], [sflag:$0x4] =	stream.linear.gather [hbm4b:s23+s1], $0x40, $0x38;
	[tilespmem:$0x1F128] =	vst v63  }
0xa1: {  	s26 =	simm.s32 $0x16158;
	s4 =	sld [smem:$0x7DB]  }
0xa2: {  	[tilespmem:s26], [sflag:$0x1] =	stream.linear.gather [hbm4b:s25+s1], $0x40, $0x38;
	[tilespmem:$0x1F128] =	vst v63  }
0xa3: {  	s3 =	simm.s32 $0x16358;
	s6 =	sld [smem:$0x7DD]  }
0xa4: {  	[tilespmem:s3], [sflag:$0x1] =	stream.linear.gather [hbm4b:s2+s1], $0x40, $0x38;
	[tilespmem:$0x1F128] =	vst v63  }
0xa5: {  	s5 =	simm.s32 $0x16558;
	s8 =	sld [smem:$0x7E3]  }
0xa6: {  	[tilespmem:s5], [sflag:$0x4] =	stream.linear.gather [hbm4b:s4+s1], $0x40, $0x38;
	[tilespmem:$0x1F128] =	vst v63  }
0xa7: {  	s7 =	simm.s32 $0x16758;
	s10 =	sld [smem:$0x7E4]  }
0xa8: {  	[tilespmem:s7], [sflag:$0x4] =	stream.linear.gather [hbm4b:s6+s1], $0x40, $0x38;
	[tilespmem:$0x1F128] =	vst v63  }
0xa9: {  	s9 =	simm.s32 $0x16198;
	s13 =	sld [smem:$0x7E5]  }
0xaa: {  	[tilespmem:s9], [sflag:$0x1] =	stream.linear.gather [hbm4b:s8+s1], $0x40, $0x38;
	[tilespmem:$0x1F128] =	vst v63  }
0xab: {  	s12 =	simm.s32 $0x16398;
	s15 =	sld [smem:$0x7E6]  }
0xac: {  	[tilespmem:s12], [sflag:$0x1] =	stream.linear.gather [hbm4b:s10+s1], $0x40, $0x38;
	[tilespmem:$0x1F128] =	vst v63  }
0xad: {  	s14 =	simm.s32 $0x16598;
	s17 =	sld [smem:$0x7EC]  }
0xae: {  	[tilespmem:s14], [sflag:$0x4] =	stream.linear.gather [hbm4b:s13+s1], $0x40, $0x38;
	[tilespmem:$0x1F128] =	vst v63  }
0xaf: {  	s16 =	simm.s32 $0x16798;
	s19 =	sld [smem:$0x7ED]  }
0xb0: {  	[tilespmem:s16], [sflag:$0x4] =	stream.linear.gather [hbm4b:s15+s1], $0x40, $0x38;
	[tilespmem:$0x1F128] =	vst v63  }
0xb1: {  	s18 =	simm.s32 $0x1AFE8;
	s22 =	sld [smem:$0x7EE]  }
0xb2: {  	[tilespmem:s18], [sflag:$0x7] =	stream.linear.gather [hbm4b:s17+s1], $0x40, $0x38;
	[tilespmem:$0x1F128] =	vst v63  }
0xb3: {  	s20 =	simm.s32 $0x1B028;
	s26 =	sld [smem:$0x7F8]  }
0xb4: {  	[tilespmem:s20], [sflag:$0x7] =	stream.linear.gather [hbm4b:s19+s1], $0x40, $0x38;
	[tilespmem:$0x1F128] =	vst v63  }
0xb5: {  	s23 =	simm.s32 $0x1B068;
	s24 =	sld [smem:$0x7EF]  }
0xb6: {  	[tilespmem:s23], [sflag:$0x7] =	stream.linear.gather [hbm4b:s22+s1], $0x40, $0x38;
	[tilespmem:$0x1F128] =	vst v63  }
0xb7: {  	s25 =	simm.s32 $0x1B0A8;
	s2 =	sld [smem:$0x7F0];
	p0 =	seq.s32 s26, $0x1  }
0xb8: {  	[tilespmem:s25], [sflag:$0x7] =	stream.linear.gather [hbm4b:s24+s1], $0x40, $0x38;
	[tilespmem:$0x1F128] =	vst v63  }
0xb9: {  	s0 =	simm.s32 @!p0 $0x0;
	s5 =	simm.s32 @!p0 $0x1B0E8  }
0xba: {  	[tilespmem:s5], [sflag:$0x7] =	stream.linear.gather @!p0 [hbm4b:s2+s0], $0x40, $0x38;
	[tilespmem:$0x1F128] =	vst v63  }
0xbb: {  	p0 =	por $0x1, $0x1  }
.Ltmp0:
0xbc: {  	_ = 	snop;
	(pc) =	sbr.rel @!p0 .LBB2_2-.Ltmp0, $4  }
0xbd: {  	s30 =	sadd.s32 $0x0, s11  }
0xbe: {  	p4 =	por $0x1, $0x1;
	s4 =	simm.s32 $0xFFFFFFFE;
	s6 =	simm.s32 $0xFFFFFFFF  }
0xbf: {  	s12 =	simm.s32 $0xFFFFFFC0;
	s13 =	sadd.s32 $0xC0, s30;
	s0 =	sadd.s32 $0xFFFFFFE0, s30  }
0xc0: {  	s23 =	simm.s32 $0x0;
	s2 =	simm.s32 $0xFFFFFFFE;
	p5 =	sgt.s32 @!p4 s0, $0x9B  }
0xc1: {  	p6 =	sgt.u32 s30, $0x1387  }
0xc2: {  	s0 =	simm.s32 @!p6 $0x1  }
0xc3: {  	_ =	swait.ge @!p6 [sflag:s0], $0x40  }
0xc4: {  	[sflag:s0] =	ssyncset.done @!p6 $0x0  }
0xc5: {  	[sflag:s0] =	ssyncadd.s32 @!p6 $0xFFFFFFC0  }
0xc6: {  	_ =	swait.ge @!p6 [sflag:s0], $0x40  }
0xc7: {  	[sflag:s0] =	ssyncset.done @!p6 $0x0  }
0xc8: {  	s5 =	simm.s32 @!p6 $0x4;
	[sflag:s0] =	ssyncadd.s32 @!p6 $0xFFFFFFC0  }
0xc9: {  	_ =	swait.ge @!p6 [sflag:s5], $0x40  }
0xca: {  	s22 =	simm.s32 $0x1;
	p2 =	por p4, p4;
	[sflag:s5] =	ssyncset.done @!p6 $0x0  }
0xcb: {  	p1 =	por $0x1, $0x1;
	p3 =	por p5, p5;
	[sflag:s5] =	ssyncadd.s32 @!p6 $0xFFFFFFC0  }
0xcc: {  	s3 =	simm.s32 $0xFFFFFFFF;
	s21 =	simm.s32 $0xFFFFFFFF;
	_ =	swait.ge @!p6 [sflag:s5], $0x40  }
0xcd: {  	p0 =	por $0x1, $0x1;
	s26 =	simm.s32 $0x100;
	[sflag:s5] =	ssyncset.done @!p6 $0x0  }
0xce: {  	s0 =	simm.s32 @!p1 $0x3;
	[dreg:$0xc] =	wrdreg s3;
	[sflag:s5] =	ssyncadd.s32 @!p6 $0xFFFFFFC0  }
0xcf: {  	s24 =	simm.s32 $0x20;
	s25 =	simm.s32 $0x8000;
	_ =	swait.ge @!p1 [sflag:s0], $0x2000  }
0xd0: {  	s7 =	simm.s32 @!p1 $0x6;
	p4 =	sgt.u32 @!p0 s13, $0x1387;
	[sflag:s0] =	ssyncset.done @!p1 $0x0  }
0xd1: {  	s14 =	sand.u32 @!p6 $0x1, s23;
	p3 =	por p3, p2;
	[sflag:s0] =	ssyncadd.s32 @!p1 $0xFFFFE000  }
0xd2: {  	p2 =	por $0x1, $0x1;
	p0 =	por p4, p0;
	_ =	swait.ge @!p1 [sflag:s7], $0x400  }
0xd3: {  	p4 =	por $0x0, $0x0;
	s12 =	sand.u32 @!p2 $0x1C0, s12;
	[sflag:s7] =	ssyncset.done @!p1 $0x0  }
0xd4: {  	s5 =	simm.s32 @!p6 $0x0;
	[sflag:s7] =	ssyncadd.s32 @!p1 $0xFFFFFC00;
	p1 =	sgt.u32 @!p4 s30, $0x9B  }
0xd5: {  	s15 =	simm.s32 @!p0 $0x180;
	s0 =	sand.u32 @!p6 $0x1C0, s5;
	p1 =	por p1, p4  }
0xd6: {  	s16 =	simm.s32 @!p0 $0x0;
	s5 =	sadd.s32 @!p6 $0x15FD8, s0;
	s8 =	sand.u32 @!p1 $0x8000, s1  }
0xd7: {  	s10 =	rddreg [dreg:$0x7];
	s7 =	sadd.s32 @!p6 $0x163D8, s0;
	s8 =	sshrl.u32 @!p1 s8, $0x2  }
0xd8: {  	s10 =	sadd.s32 @!p0 $0x0, s10;
	s9 =	sadd.s32 @!p1 $0x1B128, s8;
	s8 =	sand.u32 @!p0 $0x1C0, s15  }
0xd9: {  	s18 =	sadd.s32 @!p0 $0xA240, s10;
	s15 =	rddreg [dreg:$0x8];
	s17 =	sadd.s32 @!p0 $0x15FD8, s8  }
0xda: {  	[tilespmem:s17], [sflag:$0x1] =	stream.linear.gather @!p0 [hbm4b:s18+s16], $0x40, $0x38;
	[tilespmem:$0x1F128] =	vst v63  }
0xdb: {  	s10 =	sadd.s32 @!p0 $0x600, s10;
	s15 =	sadd.s32 @!p0 $0x0, s15;
	s17 =	sadd.s32 @!p0 $0x161D8, s8  }
0xdc: {  	[tilespmem:s17], [sflag:$0x1] =	stream.linear.gather @!p0 [hbm4b:s10+s16], $0x40, $0x38;
	[tilespmem:$0x1F128] =	vst v63  }
0xdd: {  	s1 =	sand.u32 @!p2 $0x1, s6;
	s10 =	sadd.s32 @!p0 $0x163D8, s8;
	s17 =	sadd.s32 @!p0 $0xA240, s15  }
0xde: {  	[tilespmem:s10], [sflag:$0x4] =	stream.linear.gather @!p0 [hbm4b:s17+s16], $0x40, $0x38;
	[tilespmem:$0x1F128] =	vst v63  }
0xdf: {  	s8 =	sadd.s32 @!p0 $0x165D8, s8;
	s15 =	sadd.s32 @!p0 $0x600, s15;
	s10 =	sshll.u32 @!p6 s14, $0xD  }
0xe0: {  	[tilespmem:s8], [sflag:$0x4] =	stream.linear.gather @!p0 [hbm4b:s15+s16], $0x40, $0x38;
	[tilespmem:$0x1F128] =	vst v63  }
0xe1: {  	s18 =	simm.s32 @!p6 $0x40;
	s14 =	sshll.u32 @!p6 s14, $0xA;
	s8 =	sadd.s32 @!p6 $0x167D8, s10  }
0xe2: {  	[tilespmem:s8], [sflag:$0x2] =	stream.indirect.gather @!p6 [hbm4b:s31+s18], $0x80, s5, s18, $0xb8;
	[tilespmem:$0x1F128] =	vst v63  }
0xe3: {  	s10 =	sadd.s32 @!p6 $0x1A7D8, s14;
	s14 =	rddreg [dreg:$0x9];
	p0 =	por $0x1, $0x1  }
0xe4: {  	[tilespmem:s10], [sflag:$0x5] =	stream.indirect.gather @!p6 [hbm4b:s14+s18], $0x10, s7, s18, $0xb8;
	[tilespmem:$0x1F128] =	vst v63  }
0xe5: {  	s5 =	sshll.u32 @!p2 s1, $0xD;
	s14 =	sshll.u32 @!p2 s1, $0xA;
	s1 =	simm.s32 @!p0 $0x0  }
0xe6: {  	s19 =	sadd.s32 @!p2 $0x165D8, s12;
	s1 =	simm.s32 @p0 $0x1;
	p0 =	por $0x1, $0x1  }
.Ltmp1:
0xe7: {  	s0 =	simm.s32 $0x0;
	s30 =	sadd.s32 $0x20, s11;
	(pc) =	sbr.rel @!p0 .LBB2_4-.Ltmp1, $4  }
0xe8: {  	s3 =	sadd.s32 $0xC0, s30;
	s20 =	simm.s32 @!p1 $0x0;
	s17 =	sadd.s32 $0xFFFFFFE0, s30  }
0xe9: {  	s6 =	simm.s32 $0x0;
	p5 =	sgt.s32 @!p4 s17, $0x9B;
	s17 =	sadd.s32 @!p2 $0x161D8, s12  }
0xea: {  	s15 =	simm.s32 @!p2 $0x5;
	s8 =	simm.s32 @!p2 $0x2;
	s18 =	sadd.s32 @!p2 $0x167D8, s5  }
0xeb: {  	s10 =	simm.s32 @!p2 $0x40;
	s5 =	simm.s32 $0x0;
	[smem:$0x7CA] =	sst s1  }
.LBB2_5:
0xec: {  	_ =	swait.ge @!p2 [sflag:s8], $0x2000  }
0xed: {  	s16 =	simm.s32 @!p3 $0x8;
	s12 =	smov.u32 s22;
	s1 =	smov.u32 s23  }
0xee: {  	s23 =	smov.u32 s22;
	s22 =	sadd.s32 $0x1, s22;
	p0 =	por p4, p4  }
0xef: {  	s14 =	sadd.s32 @!p2 $0x1A7D8, s14;
	[dreg:$0xd] =	wrdreg s1;
	s1 =	simm.s32 @!p0 $0x0  }
0xf0: {  	[sflag:s8] =	ssyncset.done @!p2 $0x0;
	s1 =	simm.s32 @p0 $0x1;
	p0 =	por p5, p5  }
0xf1: {  	[sflag:s8] =	ssyncadd.s32 @!p2 $0xFFFFE000;
	[smem:$0x7C6] =	sst s1;
	s1 =	simm.s32 @!p0 $0x0  }
0xf2: {  	[spmem:s28] =	stream.indirect.scatter.add.f32 @!p2 [tilespmem:s18], [sflag:$0x3], $0x80, s17, s10, $0xb8;
	[tilespmem:$0x1F128] =	vst v63  }
0xf3: {  	s20 =	sadd.s32 @!p1 $0x1AFE8, s20;
	s18 =	sadd.s32 $0xFFFFFFFF, s23;
	s1 =	simm.s32 @p0 $0x1  }
0xf4: {  	s4 =	simm.s32 @!p1 $0x7;
	p0 =	sne.s32 s18, $0x9A;
	[smem:$0x7C7] =	sst s1  }
0xf5: {  	s13 =	sadd.s32 $0xFFFFFFFE, s22;
	s1 =	simm.s32 @!p0 $0x0;
	_ =	swait.ge @!p2 [sflag:s15], $0x400  }
0xf6: {  	s8 =	sadd.s32 @!p3 $0xFFFF8000, s5;
	s1 =	simm.s32 @p0 $0x1;
	[sflag:s15] =	ssyncset.done @!p2 $0x0  }
0xf7: {  	s8 =	sand.u32 @!p3 $0x8000, s8;
	[smem:$0x7C9] =	sst s1;
	[sflag:s15] =	ssyncadd.s32 @!p2 $0xFFFFFC00  }
0xf8: {  	[spmem:s29] =	stream.indirect.scatter.add.f32 @!p2 [tilespmem:s14], [sflag:$0x6], $0x10, s19, s10, $0xb8;
	[tilespmem:$0x1F128] =	vst v63  }
0xf9: {  	s8 =	sshrl.u32 @!p3 s8, $0x2;
	s17 =	rddreg [dreg:$0xc];
	_ =	swait.ge @!p1 [sflag:s4], $0x40  }
0xfa: {  	s15 =	smov.u32 s13;
	s19 =	smov.u32 s21;
	[sflag:s4] =	ssyncset.done @!p1 $0x0  }
0xfb: {  	[dreg:$0xc] =	wrdreg s15;
	[sflag:s4] =	ssyncadd.s32 @!p1 $0xFFFFFFC0;
	s4 =	simm.s32 @!p1 $0x40  }
0xfc: {  	[tilespmem:s9], [sflag:$0x8] =	stream.indirect.gather @!p1 [hbm4b:s31+s4], $0x80, s20, s4, $0xb8;
	[tilespmem:$0x1F128] =	vst v63  }
0xfd: {  	p0 =	sgt.u32 s30, $0x1387;
	_ =	swait.ge @!p3 [sflag:s16], $0x2000;
	[dreg:$0xe] =	wrdreg s19  }
0xfe: {  	s4 =	sadd.s32 @!p3 $0x1B128, s8;
	p1 =	sgt.u32 s2, $0x4;
	s8 =	rddreg [dreg:$0xb]  }
0xff: {  	s20 =	smov.u32 s24;
	[sflag:s16] =	ssyncset.done @!p3 $0x0;
	s9 =	rddreg [dreg:$0xa]  }
0x100: {  	p2 =	sge.u32 @!p1 s6, s8;
	s8 =	sadd.s32 @!p3 s5, s9;
	s5 =	sadd.s32 @!p0 $0x40, s0  }
0x101: {  	[sflag:s16] =	ssyncadd.s32 @!p3 $0xFFFFE000;
	s9 =	simm.s32 @!p3 $0x0;
	s14 =	sand.u32 @!p0 $0x1C0, s5  }
0x102: {  	[hbm4b:s8+s9] =	stream.linear.scatter @!p3 [tilespmem:s4], [sflag:$0x9], $0x2000, $0x38;
	[tilespmem:$0x1F128] =	vst v63  }
0x103: {  	[dreg:$0xf] =	wrdreg s20;
	p1 =	por p2, p1;
	s1 =	sadd.s32 @!p0 $0x163D8, s14  }
0x104: {  	s13 =	simm.s32 @!p1 $0x9;
	[dreg:$0x10] =	wrdreg s1  }
0x105: {  	_ =	swait.ge @!p1 [sflag:s13], $0x2000  }
0x106: {  	[sflag:s13] =	ssyncset.done @!p1 $0x0  }
0x107: {  	s4 =	simm.s32 @!p0 $0x1;
	[sflag:s13] =	ssyncadd.s32 @!p1 $0xFFFFE000  }
0x108: {  	_ =	swait.ge @!p0 [sflag:s4], $0x40  }
0x109: {  	[sflag:s4] =	ssyncset.done @!p0 $0x0  }
0x10a: {  	[sflag:s4] =	ssyncadd.s32 @!p0 $0xFFFFFFC0  }
0x10b: {  	s7 =	smov.u32 s17;
	_ =	swait.ge @!p0 [sflag:s4], $0x40  }
0x10c: {  	s10 =	smov.u32 s26;
	s26 =	sadd.s32 $0x100, s26;
	[sflag:s4] =	ssyncset.done @!p0 $0x0  }
0x10d: {  	s15 =	smov.u32 s0;
	s8 =	simm.s32 @!p0 $0x4;
	[sflag:s4] =	ssyncadd.s32 @!p0 $0xFFFFFFC0  }
0x10e: {  	s24 =	sadd.s32 $0x20, s24;
	s16 =	smov.u32 s18;
	_ =	swait.ge @!p0 [sflag:s8], $0x40  }
0x10f: {  	s0 =	sadd.s32 $0x40, s0;
	s5 =	smov.u32 s25;
	[sflag:s8] =	ssyncset.done @!p0 $0x0  }
0x110: {  	p2 =	slt.u32 s12, $0x2;
	p3 =	sgt.u32 s7, $0x94;
	[sflag:s8] =	ssyncadd.s32 @!p0 $0xFFFFFFC0  }
0x111: {  	s25 =	sadd.s32 $0x8000, s25;
	s19 =	sadd.s32 @!p0 $0x15FD8, s14;
	_ =	swait.ge @!p0 [sflag:s8], $0x40  }
0x112: {  	s20 =	simm.s32 @!p2 $0x6;
	p4 =	sgt.u32 @!p3 s3, $0x1387;
	[sflag:s8] =	ssyncset.done @!p0 $0x0  }
0x113: {  	p6 =	por p4, p3;
	s4 =	simm.s32 @!p2 $0x3;
	[sflag:s8] =	ssyncadd.s32 @!p0 $0xFFFFFFC0  }
0x114: {  	p4 =	sgt.u32 s23, $0x4;
	s14 =	sadd.s32 @!p6 $0x1C0, s15;
	_ =	swait.ge @!p2 [sflag:s4], $0x2000  }
0x115: {  	s18 =	simm.s32 @!p6 $0x0;
	s14 =	sand.u32 @!p6 $0x1C0, s14;
	[sflag:s4] =	ssyncset.done @!p2 $0x0  }
0x116: {  	p1 =	sgt.u32 s12, $0x4;
	s13 =	sand.u32 @!p0 $0x1, s12;
	[sflag:s4] =	ssyncadd.s32 @!p2 $0xFFFFE000  }
0x117: {  	p5 =	sgt.u32 @!p1 s30, $0x9B;
	s30 =	sadd.s32 s24, s11;
	_ =	swait.ge @!p2 [sflag:s20], $0x400  }
0x118: {  	s17 =	sadd.s32 @!p6 $0x15FD8, s14;
	s4 =	sadd.s32 $0xFFFFFFE0, s30;
	s21 =	sld [smem:$0x7C6]  }
0x119: {  	s2 =	sadd.s32 @!p6 $0x163D8, s14;
	s3 =	sadd.s32 @!p6 $0x161D8, s14;
	p3 =	sgt.s32 @!p4 s4, $0x9B  }
0x11a: {  	s14 =	sadd.s32 @!p6 $0x165D8, s14;
	p1 =	por p5, p1;
	s1 =	simm.s32 @!p3 $0x0  }
0x11b: {  	s1 =	simm.s32 @p3 $0x1;
	p3 =	seq.s32 s21, $0x1;
	s21 =	sld [smem:$0x7C7]  }
0x11c: {  	s7 =	sadd.s32 $0xC0, s30;
	s9 =	sand.u32 @!p1 $0x8000, s5;
	s4 =	rddreg [dreg:$0x7]  }
0x11d: {  	s9 =	sshrl.u32 @!p1 s9, $0x2;
	s8 =	sshll.u32 @!p0 s13, $0xD;
	[smem:$0x7C8] =	sst s1  }
0x11e: {  	[sflag:s20] =	ssyncset.done @!p2 $0x0;
	p5 =	seq.s32 s21, $0x1;
	s21 =	sld [smem:$0x7C8]  }
0x11f: {  	s13 =	sshll.u32 @!p0 s13, $0xA;
	s6 =	rddreg [dreg:$0x8];
	[sflag:s20] =	ssyncadd.s32 @!p2 $0xFFFFFC00  }
0x120: {  	s4 =	sadd.s32 @!p6 s10, s4;
	s6 =	sadd.s32 @!p6 s10, s6;
	p3 =	por p5, p3  }
0x121: {  	p5 =	seq.s32 s21, $0x1;
	s21 =	smov.u32 s11;
	s11 =	smov.u32 s29  }
0x122: {  	s29 =	smov.u32 s28;
	s28 =	smov.u32 s31;
	s31 =	sadd.s32 @!p6 $0xA240, s4  }
0x123: {  	[tilespmem:s17], [sflag:$0x1] =	stream.linear.gather @!p6 [hbm4b:s31+s18], $0x40, $0x38;
	[tilespmem:$0x1F128] =	vst v63  }
0x124: {  	s4 =	sadd.s32 @!p6 $0x600, s4;
	s31 =	smov.u32 s28;
	s28 =	smov.u32 s29  }
0x125: {  	[tilespmem:s3], [sflag:$0x1] =	stream.linear.gather @!p6 [hbm4b:s4+s18], $0x40, $0x38;
	[tilespmem:$0x1F128] =	vst v63  }
0x126: {  	s29 =	smov.u32 s11;
	s11 =	smov.u32 s21;
	s3 =	sadd.s32 @!p6 $0xA240, s6  }
0x127: {  	[tilespmem:s2], [sflag:$0x4] =	stream.linear.gather @!p6 [hbm4b:s3+s18], $0x40, $0x38;
	[tilespmem:$0x1F128] =	vst v63  }
0x128: {  	s21 =	smov.u32 s16;
	s16 =	sld [smem:$0x7C9];
	s4 =	sadd.s32 @!p6 $0x600, s6  }
0x129: {  	[tilespmem:s14], [sflag:$0x4] =	stream.linear.gather @!p6 [hbm4b:s4+s18], $0x40, $0x38;
	[tilespmem:$0x1F128] =	vst v63  }
0x12a: {  	s8 =	sadd.s32 @!p0 $0x167D8, s8;
	s1 =	simm.s32 @!p0 $0x40;
	s2 =	rddreg [dreg:$0x9]  }
0x12b: {  	[tilespmem:s8], [sflag:$0x2] =	stream.indirect.gather @!p0 [hbm4b:s31+s1], $0x80, s19, s1, $0xb8;
	[tilespmem:$0x1F128] =	vst v63  }
0x12c: {  	s9 =	sadd.s32 @!p1 $0x1B128, s9;
	s13 =	sadd.s32 @!p0 $0x1A7D8, s13;
	s4 =	rddreg [dreg:$0x10]  }
0x12d: {  	[tilespmem:s13], [sflag:$0x5] =	stream.indirect.gather @!p0 [hbm4b:s2+s1], $0x10, s4, s1, $0xb8;
	[tilespmem:$0x1F128] =	vst v63  }
0x12e: {  	p2 =	seq.s32 s12, $0x0;
	s6 =	rddreg [dreg:$0xd];
	p0 =	seq.s32 s16, $0x1  }
.Ltmp2:
0x12f: {  	s20 =	sshra.s32 @!p1 s10, $0x2;
	s6 =	sand.u32 @!p2 $0x1, s6;
	(pc) =	sbr.rel @p0 .LBB2_5-.Ltmp2, $4  }
0x130: {  	s12 =	sand.u32 @!p2 $0x1C0, s15;
	s10 =	simm.s32 @!p2 $0x40;
	s3 =	sshll.u32 @!p2 s6, $0xD  }
0x131: {  	s15 =	simm.s32 @!p2 $0x5;
	s17 =	sadd.s32 @!p2 $0x161D8, s12;
	s18 =	sadd.s32 @!p2 $0x167D8, s3  }
0x132: {  	s3 =	smov.u32 s7;
	s14 =	sshll.u32 @!p2 s6, $0xA;
	s6 =	rddreg [dreg:$0xf]  }
0x133: {  	s8 =	simm.s32 @!p2 $0x2;
	s19 =	sadd.s32 @!p2 $0x165D8, s12;
	s2 =	rddreg [dreg:$0xe]  }
0x134: {  	s13 =	smov.u32 s3  }
0x135: {  	s16 =	smov.u32 s2;
	s1 =	smov.u32 s6;
	[dreg:$0xe] =	wrdreg s21  }
0x136: {  	s6 =	smov.u32 s23;
	s12 =	smov.u32 s0;
	s7 =	sld [smem:$0x7CB]  }
0x137: {  	s21 =	simm.s32 $0xB;
	s4 =	rddreg [dreg:$0xc];
	s23 =	smov.u32 s1  }
.LBB2_7:
0x138: {  	s0 =	sld [smem:$0x7CA];
	_ =	sdelay $0x2  }
0x139: {  	p6 =	seq.s32 s0, $0x1  }
0x13a: {  	p0 =	por p2, !p6  }
0x13b: {  	_ =	swait.ge @!p0 [sflag:s8], $0x2000  }
0x13c: {  	[sflag:s8] =	ssyncset.done @!p0 $0x0  }
0x13d: {  	[sflag:s8] =	ssyncadd.s32 @!p0 $0xFFFFE000  }
0x13e: {  	[spmem:s28] =	stream.indirect.scatter.add.f32 @!p0 [tilespmem:s18], [sflag:$0x3], $0x80, s17, s10, $0xb8;
	[tilespmem:$0x1F128] =	vst v63  }
0x13f: {  	_ =	swait.ge @!p0 [sflag:s15], $0x400  }
0x140: {  	[sflag:s15] =	ssyncset.done @!p0 $0x0  }
0x141: {  	s0 =	sadd.s32 @!p0 $0x1A7D8, s14;
	[sflag:s15] =	ssyncadd.s32 @!p0 $0xFFFFFC00  }
0x142: {  	[spmem:s29] =	stream.indirect.scatter.add.f32 @!p0 [tilespmem:s0], [sflag:$0x6], $0x10, s19, s10, $0xb8;
	[tilespmem:$0x1F128] =	vst v63  }
0x143: {  	p0 =	por p1, !p6  }
0x144: {  	s0 =	simm.s32 @!p0 $0x7  }
0x145: {  	_ =	swait.ge @!p0 [sflag:s0], $0x40  }
0x146: {  	[sflag:s0] =	ssyncset.done @!p0 $0x0  }
0x147: {  	s1 =	sadd.s32 @!p0 $0x1AFE8, s20;
	[sflag:s0] =	ssyncadd.s32 @!p0 $0xFFFFFFC0;
	s0 =	simm.s32 @!p0 $0x40  }
0x148: {  	[tilespmem:s9], [sflag:$0x8] =	stream.indirect.gather @!p0 [hbm4b:s31+s0], $0x80, s1, s0, $0xb8;
	[tilespmem:$0x1F128] =	vst v63  }
0x149: {  	p0 =	por p3, !p6  }
0x14a: {  	s0 =	simm.s32 @!p0 $0x8  }
0x14b: {  	p1 =	sgt.u32 @p6 s16, $0x4;
	_ =	swait.ge @!p0 [sflag:s0], $0x2000  }
0x14c: {  	p2 =	por p1, !p6;
	s2 =	sadd.s32 @!p0 $0xFFFF8000, s5;
	s1 =	rddreg [dreg:$0xb]  }
0x14d: {  	[sflag:s0] =	ssyncset.done @!p0 $0x0;
	p2 =	sge.u32 @!p2 s23, s1;
	s1 =	sand.u32 @!p0 $0x8000, s2  }
0x14e: {  	s2 =	rddreg [dreg:$0xa];
	[sflag:s0] =	ssyncadd.s32 @!p0 $0xFFFFE000;
	p1 =	por @p6 p2, p1  }
0x14f: {  	s1 =	sshrl.u32 @!p0 s1, $0x2;
	s0 =	sadd.s32 @!p0 s5, s2;
	p1 =	por p1, !p6  }
0x150: {  	s2 =	simm.s32 @!p0 $0x0;
	s1 =	sadd.s32 @!p0 $0x1B128, s1;
	s3 =	simm.s32 @!p1 $0x9  }
0x151: {  	[hbm4b:s0+s2] =	stream.linear.scatter @!p0 [tilespmem:s1], [sflag:$0x9], $0x2000, $0x38;
	[tilespmem:$0x1F128] =	vst v63  }
0x152: {  	_ =	swait.ge @!p1 [sflag:s3], $0x2000  }
0x153: {  	p0 =	sgt.u32 s30, $0x1387;
	[sflag:s3] =	ssyncset.done @!p1 $0x0  }
0x154: {  	s0 =	simm.s32 @!p0 $0x1;
	[sflag:s3] =	ssyncadd.s32 @!p1 $0xFFFFE000  }
0x155: {  	_ =	swait.ge @!p0 [sflag:s0], $0x40  }
0x156: {  	[sflag:s0] =	ssyncset.done @!p0 $0x0  }
0x157: {  	[sflag:s0] =	ssyncadd.s32 @!p0 $0xFFFFFFC0  }
0x158: {  	_ =	swait.ge @!p0 [sflag:s0], $0x40  }
0x159: {  	[sflag:s0] =	ssyncset.done @!p0 $0x0  }
0x15a: {  	s1 =	simm.s32 @!p0 $0x4;
	[sflag:s0] =	ssyncadd.s32 @!p0 $0xFFFFFFC0  }
0x15b: {  	_ =	swait.ge @!p0 [sflag:s1], $0x40  }
0x15c: {  	[sflag:s1] =	ssyncset.done @!p0 $0x0  }
0x15d: {  	[sflag:s1] =	ssyncadd.s32 @!p0 $0xFFFFFFC0  }
0x15e: {  	_ =	swait.ge @!p0 [sflag:s1], $0x40  }
0x15f: {  	p2 =	slt.u32 s22, $0x2;
	[sflag:s1] =	ssyncset.done @!p0 $0x0  }
0x160: {  	s0 =	simm.s32 @!p2 $0x3;
	[sflag:s1] =	ssyncadd.s32 @!p0 $0xFFFFFFC0  }
0x161: {  	_ =	swait.ge @!p2 [sflag:s0], $0x2000  }
0x162: {  	[sflag:s0] =	ssyncset.done @!p2 $0x0  }
0x163: {  	p1 =	sgt.u32 s4, $0x94;
	s1 =	simm.s32 @!p2 $0x6;
	[sflag:s0] =	ssyncadd.s32 @!p2 $0xFFFFE000  }
0x164: {  	p3 =	sgt.u32 @!p1 s13, $0x1387;
	_ =	swait.ge @!p2 [sflag:s1], $0x400  }
0x165: {  	p1 =	por p3, p1;
	[sflag:s1] =	ssyncset.done @!p2 $0x0  }
0x166: {  	s0 =	rddreg [dreg:$0x7];
	[sflag:s1] =	ssyncadd.s32 @!p2 $0xFFFFFC00;
	s1 =	sadd.s32 @!p1 $0x1C0, s12  }
0x167: {  	s3 =	simm.s32 @!p1 $0x0;
	s0 =	sadd.s32 @!p1 s26, s0;
	s1 =	sand.u32 @!p1 $0x1C0, s1  }
0x168: {  	s2 =	rddreg [dreg:$0x8];
	s5 =	sadd.s32 @!p1 $0xA240, s0;
	s4 =	sadd.s32 @!p1 $0x15FD8, s1  }
0x169: {  	[tilespmem:s4], [sflag:$0x1] =	stream.linear.gather @!p1 [hbm4b:s5+s3], $0x40, $0x38;
	[tilespmem:$0x1F128] =	vst v63  }
0x16a: {  	s2 =	sadd.s32 @!p1 s26, s2;
	s0 =	sadd.s32 @!p1 $0x600, s0;
	s4 =	sadd.s32 @!p1 $0x161D8, s1  }
0x16b: {  	[tilespmem:s4], [sflag:$0x1] =	stream.linear.gather @!p1 [hbm4b:s0+s3], $0x40, $0x38;
	[tilespmem:$0x1F128] =	vst v63  }
0x16c: {  	s0 =	sadd.s32 @!p1 $0x163D8, s1;
	s4 =	sadd.s32 @!p1 $0xA240, s2;
	s1 =	sadd.s32 @!p1 $0x165D8, s1  }
0x16d: {  	[tilespmem:s0], [sflag:$0x4] =	stream.linear.gather @!p1 [hbm4b:s4+s3], $0x40, $0x38;
	[tilespmem:$0x1F128] =	vst v63  }
0x16e: {  	s2 =	sadd.s32 @!p1 $0x600, s2;
	s0 =	sadd.s32 @!p0 $0x40, s12;
	s4 =	sand.u32 @!p0 $0x1, s22  }
0x16f: {  	[tilespmem:s1], [sflag:$0x4] =	stream.linear.gather @!p1 [hbm4b:s2+s3], $0x40, $0x38;
	[tilespmem:$0x1F128] =	vst v63  }
0x170: {  	s0 =	sand.u32 @!p0 $0x1C0, s0;
	s1 =	sshll.u32 @!p0 s4, $0xD  }
0x171: {  	s2 =	sadd.s32 @!p0 $0x15FD8, s0;
	s3 =	simm.s32 @!p0 $0x40;
	s1 =	sadd.s32 @!p0 $0x167D8, s1  }
0x172: {  	[tilespmem:s1], [sflag:$0x2] =	stream.indirect.gather @!p0 [hbm4b:s31+s3], $0x80, s2, s3, $0xb8;
	[tilespmem:$0x1F128] =	vst v63  }
0x173: {  	s2 =	sshll.u32 @!p0 s4, $0xA  }
0x174: {  	s0 =	sadd.s32 @!p0 $0x163D8, s0;
	s1 =	rddreg [dreg:$0x9];
	s2 =	sadd.s32 @!p0 $0x1A7D8, s2  }
0x175: {  	[tilespmem:s2], [sflag:$0x5] =	stream.indirect.gather @!p0 [hbm4b:s1+s3], $0x10, s0, s3, $0xb8;
	[tilespmem:$0x1F128] =	vst v63  }
0x176: {  	p0 =	seq.s32 s22, $0x0  }
0x177: {  	s0 =	simm.s32 @!p0 $0x2  }
0x178: {  	s1 =	sand.u32 @!p0 $0x1C0, s12;
	s2 =	sand.u32 @!p0 $0x1, s6;
	_ =	swait.ge @!p0 [sflag:s0], $0x2000  }
0x179: {  	s3 =	sshll.u32 @!p0 s2, $0xD;
	s4 =	sadd.s32 @!p0 $0x161D8, s1;
	[sflag:s0] =	ssyncset.done @!p0 $0x0  }
0x17a: {  	s3 =	sadd.s32 @!p0 $0x167D8, s3;
	[sflag:s0] =	ssyncadd.s32 @!p0 $0xFFFFE000;
	s0 =	simm.s32 @!p0 $0x40  }
0x17b: {  	[spmem:s28] =	stream.indirect.scatter.add.f32 @!p0 [tilespmem:s3], [sflag:$0x3], $0x80, s4, s0, $0xb8;
	[tilespmem:$0x1F128] =	vst v63  }
0x17c: {  	s3 =	simm.s32 @!p0 $0x5  }
0x17d: {  	_ =	swait.ge @!p0 [sflag:s3], $0x400  }
0x17e: {  	s2 =	sshll.u32 @!p0 s2, $0xA;
	[sflag:s3] =	ssyncset.done @!p0 $0x0  }
0x17f: {  	s1 =	sadd.s32 @!p0 $0x165D8, s1;
	s2 =	sadd.s32 @!p0 $0x1A7D8, s2;
	[sflag:s3] =	ssyncadd.s32 @!p0 $0xFFFFFC00  }
0x180: {  	[spmem:s29] =	stream.indirect.scatter.add.f32 @!p0 [tilespmem:s2], [sflag:$0x6], $0x10, s1, s0, $0xb8;
	[tilespmem:$0x1F128] =	vst v63  }
0x181: {  	p0 =	sgt.u32 s22, $0x4  }
0x182: {  	p1 =	sgt.u32 @!p0 s30, $0x9B  }
0x183: {  	p4 =	por p4, p4;
	p6 =	por p5, p5;
	p1 =	por p1, p0  }
0x184: {  	p0 =	por p6, p4;
	s1 =	simm.s32 @!p1 $0x7  }
0x185: {  	s0 =	sand.u32 @!p1 $0x8000, s25;
	s2 =	sshra.s32 @!p1 s26, $0x2;
	_ =	swait.ge @!p1 [sflag:s1], $0x40  }
0x186: {  	s0 =	sshrl.u32 @!p1 s0, $0x2;
	s2 =	sadd.s32 @!p1 $0x1AFE8, s2;
	[sflag:s1] =	ssyncset.done @!p1 $0x0  }
0x187: {  	s0 =	sadd.s32 @!p1 $0x1B128, s0;
	[sflag:s1] =	ssyncadd.s32 @!p1 $0xFFFFFFC0;
	s1 =	simm.s32 @!p1 $0x40  }
0x188: {  	[tilespmem:s0], [sflag:$0x8] =	stream.indirect.gather @!p1 [hbm4b:s31+s1], $0x80, s2, s1, $0xb8;
	[tilespmem:$0x1F128] =	vst v63  }
0x189: {  	s0 =	simm.s32 @!p0 $0x8  }
0x18a: {  	_ =	swait.ge @!p0 [sflag:s0], $0x2000  }
0x18b: {  	s2 =	sadd.s32 @!p0 $0xFFFF8000, s25;
	s1 =	rddreg [dreg:$0xb]  }
0x18c: {  	s2 =	sand.u32 @!p0 $0x8000, s2;
	s15 =	rddreg [dreg:$0xe];
	[sflag:s0] =	ssyncset.done @!p0 $0x0  }
0x18d: {  	s3 =	rddreg [dreg:$0xa];
	p1 =	sgt.u32 s15, $0x4;
	[sflag:s0] =	ssyncadd.s32 @!p0 $0xFFFFE000  }
0x18e: {  	s0 =	sadd.s32 @!p0 s25, s3;
	p2 =	sge.u32 @!p1 s24, s1;
	s1 =	sshrl.u32 @!p0 s2, $0x2  }
0x18f: {  	s2 =	simm.s32 @!p0 $0x0;
	p1 =	por p2, p1;
	s1 =	sadd.s32 @!p0 $0x1B128, s1  }
0x190: {  	[hbm4b:s0+s2] =	stream.linear.scatter @!p0 [tilespmem:s1], [sflag:$0x9], $0x2000, $0x38;
	[tilespmem:$0x1F128] =	vst v63  }
0x191: {  	s0 =	simm.s32 @!p1 $0x9  }
0x192: {  	_ =	swait.ge @!p1 [sflag:s0], $0x2000  }
0x193: {  	s16 =	sld [smem:$0x7F9];
	_ =	sdelay $0x2  }
0x194: {  	[sflag:s0] =	ssyncset.done @!p1 $0x0;
	p0 =	seq.s32 s16, $0x1  }
0x195: {  	[sflag:s0] =	ssyncadd.s32 @!p1 $0xFFFFE000;
	s0 =	simm.s32 @!p0 $0x2  }
0x196: {  	_ =	swait.ge @!p0 [sflag:s0], $0x2000  }
0x197: {  	s1 =	simm.s32 @!p0 $0x162D8;
	[sflag:s0] =	ssyncset.done @!p0 $0x0  }
0x198: {  	s2 =	simm.s32 @!p0 $0x167D8;
	[sflag:s0] =	ssyncadd.s32 @!p0 $0xFFFFE000;
	s0 =	simm.s32 @!p0 $0x40  }
0x199: {  	[spmem:s28] =	stream.indirect.scatter.add.f32 @!p0 [tilespmem:s2], [sflag:$0x3], $0x80, s1, s0, $0xb8;
	[tilespmem:$0x1F128] =	vst v63  }
0x19a: {  	s1 =	simm.s32 @!p0 $0x5  }
0x19b: {  	_ =	swait.ge @!p0 [sflag:s1], $0x400  }
0x19c: {  	[sflag:s1] =	ssyncset.done @!p0 $0x0  }
0x19d: {  	s2 =	simm.s32 @!p0 $0x1A7D8;
	[sflag:s1] =	ssyncadd.s32 @!p0 $0xFFFFFC00;
	s1 =	simm.s32 @!p0 $0x166D8  }
0x19e: {  	[spmem:s29] =	stream.indirect.scatter.add.f32 @!p0 [tilespmem:s2], [sflag:$0x6], $0x10, s1, s0, $0xb8;
	[tilespmem:$0x1F128] =	vst v63  }
0x19f: {  	s0 =	simm.s32 @!p0 $0x3  }
0x1a0: {  	_ =	swait.ge @!p0 [sflag:s0], $0x2000  }
0x1a1: {  	[sflag:s0] =	ssyncset.done @!p0 $0x0  }
0x1a2: {  	[sflag:s0] =	ssyncadd.s32 @!p0 $0xFFFFE000;
	s0 =	simm.s32 @!p0 $0x6  }
0x1a3: {  	_ =	swait.ge @!p0 [sflag:s0], $0x400  }
0x1a4: {  	[sflag:s0] =	ssyncset.done @!p0 $0x0  }
0x1a5: {  	s17 =	simm.s32 $0x3;
	[sflag:s0] =	ssyncadd.s32 @!p0 $0xFFFFFC00  }
0x1a6: {  	_ =	swait.ge [sflag:s17], $0x2000  }
0x1a7: {  	[sflag:s17] =	ssyncset.done $0x0  }
0x1a8: {  	s18 =	simm.s32 $0x6;
	[sflag:s17] =	ssyncadd.s32 $0xFFFFE000  }
0x1a9: {  	_ =	swait.ge [sflag:s18], $0x400  }
0x1aa: {  	s19 =	sld [smem:$0x7FA];
	_ =	sdelay $0x1  }
0x1ab: {  	s2 =	sld [smem:$0x7F1]  }
0x1ac: {  	[sflag:s18] =	ssyncset.done $0x0;
	p0 =	seq.s32 s19, $0x1  }
0x1ad: {  	[sflag:s18] =	ssyncadd.s32 $0xFFFFFC00;
	s0 =	simm.s32 @!p0 $0x0;
	s1 =	simm.s32 @!p0 $0x1AFD8  }
0x1ae: {  	[tilespmem:s1], [sflag:$0xA] =	stream.linear.gather @!p0 [hbm4b:s2+s0], $0x10, $0x38;
	[tilespmem:$0x1F128] =	vst v63  }
0x1af: {  	s2 =	simm.s32 @!p0 $0xA  }
0x1b0: {  	_ =	swait.ge @!p0 [sflag:s2], $0x10  }
0x1b1: {  	[sflag:s2] =	ssyncset.done @!p0 $0x0  }
0x1b2: {  	s3 =	simm.s32 @!p0 $0x10;
	s4 =	simm.s32 @!p0 $0x167D8;
	[sflag:s2] =	ssyncadd.s32 @!p0 $0xFFFFFFF0  }
0x1b3: {  	[tilespmem:s4], [sflag:$0x2] =	stream.indirect.gather @!p0 [hbm4b:s31+s3], $0x80, s1, s3, $0xb8;
	[tilespmem:$0x1F128] =	vst v63  }
0x1b4: {  	s1 =	simm.s32 @!p0 $0x2  }
0x1b5: {  	_ =	swait.ge @!p0 [sflag:s1], $0x800  }
0x1b6: {  	[sflag:s1] =	ssyncset.done @!p0 $0x0  }
0x1b7: {  	[sflag:s1] =	ssyncadd.s32 @!p0 $0xFFFFF800;
	s1 =	sld [smem:$0x7F2];
	_ =	sdelay $0x2  }
0x1b8: {  	[hbm4b:s1+s0] =	stream.linear.scatter @!p0 [tilespmem:s4], [sflag:$0xA], $0x800, $0x38;
	[tilespmem:$0x1F128] =	vst v63  }
0x1b9: {  	_ =	swait.ge @!p0 [sflag:s2], $0x800  }
0x1ba: {  	[sflag:s2] =	ssyncset.done @!p0 $0x0  }
0x1bb: {  	[sflag:s2] =	ssyncadd.s32 @!p0 $0xFFFFF800  }
0x1bc: {  	[bflag:$0x0] =	sbarrier.arrive $0xFFFF  }
0x1bd: {  	s22 =	sld [smem:$0x7CC]  }
0x1be: {  	s4 =	sld [smem:$0x7FD];
	_ =	sdelay $0x1  }
0x1bf: {  	s20 =	rddreg [dreg:$0x15]  }
0x1c0: {  	[hbm:s20], [sflag:s4] =	dma.local [spmem:s22], $0x1900  }
0x1c1: {  	_ =	swait.ge [sflag:s21], $0x1900  }
0x1c2: {  	s1 =	sld [smem:$0x7D0]  }
0x1c3: {  	s24 =	sld [smem:$0x7CD]  }
0x1c4: {  	[sflag:s21] =	ssyncset.done $0x0  }
0x1c5: {  	s2 =	simm.s32 $0xA;
	s23 =	rddreg [dreg:$0x17];
	[sflag:s21] =	ssyncadd.s32 $0xFFFFE700  }
0x1c6: {  	[hbm:s23], [sflag:s1] =	dma.local [spmem:s24], $0x320  }
0x1c7: {  	_ =	swait.ge [sflag:s2], $0x320  }
0x1c8: {  	s25 =	sld [smem:$0x7FC]  }
0x1c9: {  	s3 =	sld [smem:$0x7CE]  }
0x1ca: {  	[sflag:s2] =	ssyncset.done $0x0  }
0x1cb: {  	s0 =	rddreg [dreg:$0x16];
	[sflag:s2] =	ssyncadd.s32 $0xFFFFFCE0;
	p1 =	seq.s32 s25, $0x1  }
0x1cc: {  	[hbm:s0], [sflag:s4] =	dma.local @!p1 [spmem:s3], $0x1900  }
0x1cd: {  	s0 =	sld [smem:$0x7CF];
	_ =	sdelay $0x2  }
0x1ce: {  	_ =	swait.ge @!p1 [sflag:s0], $0x1900  }
0x1cf: {  	s3 =	sld [smem:$0x7D1]  }
0x1d0: {  	[sflag:s0] =	ssyncset.done @!p1 $0x0  }
0x1d1: {  	[sflag:s0] =	ssyncadd.s32 @!p1 $0xFFFFE700;
	s0 =	rddreg [dreg:$0x18]  }
0x1d2: {  	[hbm:s0], [sflag:s1] =	dma.local @!p1 [spmem:s3], $0x320  }
0x1d3: {  	s1 =	sld [smem:$0x7D2];
	_ =	sdelay $0x2  }
0x1d4: {  	_ =	swait.ge @!p1 [sflag:s1], $0x320  }
0x1d5: {  	s26 =	sld [smem:$0x7F3];
	_ =	sdelay $0x1  }
0x1d6: {  	s30 =	sadd.s32 $0x1, s7  }
0x1d7: {  	p0 =	sne.s32 s30, s26  }
.Ltmp3:
0x1d8: {  	_ = 	snop;
	(pc) =	sbr.rel @p0 .LBB2_1-.Ltmp3, $4  }
.Ltmp4:
0x1d9: {  	_ = 	snop;
	(pc) =	sbr.rel @!p0 .LBB2_8-.Ltmp4, $4  }
0x1da: {  	_ = 	snop  }
0x1db: {  	[sflag:s1] =	ssyncset.done @!p1 $0x0  }
0x1dc: {  	s7 =	smov.u32 s4;
	[sflag:s1] =	ssyncadd.s32 @!p1 $0xFFFFFCE0;
	s1 =	simm.s32 $0x0  }
0x1dd: {  	_ = 	snop  }
.LBB2_2:
.Ltmp5:
0x1de: {  	(pc) =	sbr.rel .LBB2_7-.Ltmp5, $4  }
0x1df: {  	p0 =	por $0x0, $0x0;
	s22 =	simm.s32 $0x0  }
0x1e0: {  	s7 =	sld [smem:$0x7CB];
	s3 =	simm.s32 $0xFFFFFFFE;
	s0 =	simm.s32 @!p0 $0x0  }
0x1e1: {  	s26 =	simm.s32 $0x0;
	[dreg:$0xe] =	wrdreg s3;
	s0 =	simm.s32 @p0 $0x1  }
0x1e2: {  	s24 =	simm.s32 $0x0;
	s25 =	simm.s32 $0x0;
	[smem:$0x7CA] =	sst s0  }
.LBB2_4:
.Ltmp6:
0x1e3: {  	s26 =	simm.s32 $0x100;
	(pc) =	sbr.rel .LBB2_7-.Ltmp6, $4  }
0x1e4: {  	s25 =	simm.s32 $0x8000;
	s13 =	smov.u32 s3;
	s6 =	simm.s32 $0x0  }
0x1e5: {  	s5 =	simm.s32 $0x0;
	s12 =	simm.s32 $0x0;
	s16 =	simm.s32 $0xFFFFFFFE  }
0x1e6: {  	s0 =	simm.s32 $0xFFFFFFFF;
	s23 =	simm.s32 $0x0;
	s7 =	sld [smem:$0x7CB]  }
0x1e7: {  	s21 =	simm.s32 $0xB;
	s4 =	simm.s32 $0xFFFFFFFF;
	[dreg:$0xe] =	wrdreg s0  }
.LBB2_8:
0x1e8: {  	_ =	sfence.sel $0x180000  }
0x1e9: {  	[bflag:$0x0] =	sbarrier.arrive $0xFFFF  }
0x1ea: {  	_ =	strace $0x90000047  }
0x1eb: {  	s0 =	stileid.u32;
	[bflag:$0x2] =	sbarrier.arrive $0xFFFF  }
0x1ec: {  	p0 =	sne.s32 s0, $0x0;
	s0 =	rddreg [dreg:$0x6]  }
0x1ed: {  	s0 =	sadd.s32 @!p0 $0x100000, s0  }
0x1ee: {  	[sflag:s0] =	ssyncadd.tile.s32 @!p0 $0x1;
	_ =	shalt  }
.Lfunc_end2:
_tile_overlayer_lowered:
.L_overlay_start_2:
0x1ef: {  	(tag) =	ssettag $0x2  }
0x1f0: {  	s0 =	rddreg [dreg:$0x0];
	s2 =	stileid.u32  }
0x1f1: {  	s1 =	rddreg [dreg:$0x1];
	p0 =	sne.s32 s2, $0x0  }
0x1f2: {  	s3 =	rddreg [dreg:$0x2];
	[bflag:$0x3] =	sbarrier.arrive $0xFFFF;
	s2 =	simm.s32 @!p0 $0x1C0A  }
0x1f3: {  	[timem:s3], [sflag:s2] =	dma.local @!p0 [hbm:s0], s1  }
0x1f4: {  	s0 =	simm.s32 @!p0 $0xA  }
0x1f5: {  	_ =	swait.ge @!p0 [sflag:s0], s1  }
0x1f6: {  	s1 =	ssub.s32 @!p0 $0x0, s1;
	[sflag:s0] =	ssyncset.done @!p0 $0x0  }
0x1f7: {  	[sflag:s0] =	ssyncadd.s32 @!p0 s1  }
0x1f8: {  	[bflag:$0x3] =	sbarrier.arrive $0xFFFF  }
0x1f9: {  	_ =	shalt  }

</sc_bundles>
